<compile_context>
chip_gen: v7x
topology: tpu7x:2x2x1
jax: 0.10.2.dev20260603
libtpu: 0.0.44.dev20260713+nightly
codegen_flags: <defaults>
</compile_context>

<pallas_src>
import jax
import jax.numpy as jnp
from jax import lax
from jax.experimental import pallas as pl
from jax.experimental.pallas import tpu as pltpu
from jax.experimental.pallas import tpu_sc as plsc

_BS = 65536
_TOTAL = 131072
_H = 128
_TBL = 1 << 20
_NW = 32
_HPW = (_TOTAL - _BS) // _NW
_CH = 64
_NCH = _HPW // _CH
_NP = 2
_SLICE = _TBL // (16 * _NP)
_SH = 15
_IDC = 2048
_FXC = _HPW + _CH


def _body(mem_hbm, x_hbm, nid_hbm, delta_hbm, out_hbm,
          table_v, ids_v, dbuf_v, gbuf_v, kbuf_v, jc_v, kc_v, jidx_v, rows_v,
          spmem_tbl, semg, semw, semx):
    c = lax.axis_index("c")
    s = lax.axis_index("s")
    wid = s * 2 + c

    iota16 = lax.iota(jnp.int32, 16)
    neg1 = jnp.full((16,), -1, jnp.int32)

    pltpu.sync_copy(delta_hbm, dbuf_v)
    dv = dbuf_v[...]

    for p in range(_NP):
        rng = _NP * s + p

        @pl.loop(0, _SLICE // 16)
        def _init(i):
            table_v[pl.ds(i * 16, 16)] = neg1

        @pl.loop(0, _BS // _IDC)
        def _scan(chunk):
            pltpu.sync_copy(nid_hbm.at[pl.ds(chunk * _IDC, _IDC)], ids_v)

            @pl.loop(0, _IDC // 16)
            def _vec(i):
                g = ids_v[pl.ds(i * 16, 16)] + dv
                mask = lax.shift_right_arithmetic(g, _SH) == rng
                loc = lax.bitwise_and(g, jnp.int32(_SLICE - 1))
                kv = iota16 + (chunk * _IDC + i * 16)
                plsc.store_scatter(table_v, [loc], kv, mask=mask)

        pltpu.sync_copy(table_v, spmem_tbl.at[pl.ds(rng * _SLICE, _SLICE)])

    xbase = wid * (_BS // _NW)
    pltpu.async_copy(x_hbm.at[pl.ds(xbase, _BS // _NW)],
                     out_hbm.at[pl.ds(xbase, _BS // _NW)], semx)

    plsc.subcore_barrier()

    hbase = _BS + wid * _HPW
    pltpu.sync_copy(nid_hbm.at[pl.ds(hbase, _HPW)], gbuf_v)

    @pl.loop(0, _NCH)
    def _kgather(cc):
        pltpu.sync_copy(spmem_tbl.at[gbuf_v.at[pl.ds(cc * _CH, _CH)]],
                        kbuf_v.at[pl.ds(cc * _CH, _CH)])

    def _g(cc):
        return (mem_hbm.at[gbuf_v.at[pl.ds(cc * _CH, _CH)]],
                rows_v.at[cc % 2])

    def _w(cc):
        return (rows_v.at[cc % 2], out_hbm.at[pl.ds(hbase + cc * _CH, _CH)])

    @pl.loop(0, _HPW // 16, init_carry=jnp.int32(0))
    def _compact(i, off):
        kv = kbuf_v[pl.ds(i * 16, 16)]
        mask = kv >= 0
        jv = iota16 + (hbase + i * 16)
        plsc.store_compressed(kc_v.at[pl.ds(off, 16)], kv, mask=mask)
        plsc.store_compressed(jc_v.at[pl.ds(off, 16)], jv, mask=mask)
        return off + plsc.all_reduce_population_count(mask)[0]

    nh = _compact

    pltpu.async_copy(*_g(0), semg)
    for cc in range(_NCH):
        if cc + 1 < _NCH:
            if cc - 1 >= 0:
                pltpu.make_async_copy(*_w(cc - 1), semw).wait()
            pltpu.async_copy(*_g(cc + 1), semg)
        pltpu.make_async_copy(*_g(cc), semg).wait()
        pltpu.async_copy(*_w(cc), semw)
    pltpu.make_async_copy(*_w(_NCH - 2), semw).wait()
    pltpu.make_async_copy(*_w(_NCH - 1), semw).wait()

    pltpu.make_async_copy(x_hbm.at[pl.ds(xbase, _BS // _NW)],
                          out_hbm.at[pl.ds(xbase, _BS // _NW)], semx).wait()

    @pl.when(nh > 0)
    def _():
        k0 = jnp.broadcast_to(kc_v[pl.ds(0, 16)][0], (16,))
        j0 = jnp.broadcast_to(jc_v[pl.ds(0, 16)][0], (16,))
        pad_end = ((nh + _CH - 1) // _CH) * _CH

        @pl.loop(nh // 16 * 16, pad_end, step=16)
        def _pad(pos):
            idx = iota16 + pos
            keep = idx < nh
            kc_v[pl.ds(pos, 16)] = jnp.where(keep, kc_v[pl.ds(pos, 16)], k0)
            jc_v[pl.ds(pos, 16)] = jnp.where(keep, jc_v[pl.ds(pos, 16)], j0)

        @pl.loop(0, (nh + _CH - 1) // _CH)
        def _fix(cc):
            pltpu.sync_copy(x_hbm.at[kc_v.at[pl.ds(cc * _CH, _CH)]],
                            rows_v.at[0])
            for i in range(_CH // 16):
                jidx_v[0, pl.ds(i * 16, 16)] = (
                    jc_v[pl.ds(cc * _CH + i * 16, 16)])
            pltpu.sync_copy(rows_v.at[0], out_hbm.at[jidx_v.at[0]])


def kernel(mem, x, n_id, batch_size):
    delta = jnp.full((16,), batch_size - _BS, dtype=jnp.int32)
    mesh = plsc.VectorSubcoreMesh(core_axis_name="c", subcore_axis_name="s")
    return pl.kernel(
        _body,
        out_type=jax.ShapeDtypeStruct((_TOTAL, _H), jnp.float32),
        mesh=mesh,
        compiler_params=pltpu.CompilerParams(needs_layout_passes=False),
        scratch_types=[
            pltpu.VMEM((_SLICE,), jnp.int32),
            pltpu.VMEM((_IDC,), jnp.int32),
            pltpu.VMEM((16,), jnp.int32),
            pltpu.VMEM((_HPW,), jnp.int32),
            pltpu.VMEM((_HPW,), jnp.int32),
            pltpu.VMEM((_FXC,), jnp.int32),
            pltpu.VMEM((_FXC,), jnp.int32),
            pltpu.VMEM((1, _CH), jnp.int32),
            pltpu.VMEM((2, _CH, _H), jnp.float32),
            pltpu.VMEM_SHARED((_TBL,), jnp.int32),
            pltpu.SemaphoreType.DMA,
            pltpu.SemaphoreType.DMA,
            pltpu.SemaphoreType.DMA,
        ],
    )(mem, x, n_id, delta)

# --- scband reference (transcript-rebuilt; emitter-appended) ---
"""Pipeline reference for scband-dbscalable-gnn-53841710023346 (READ-ONLY COPY).

The authoritative reference and input builder live on the scoring server;
editing this copy changes nothing except your own understanding.
"""

import jax, jax.numpy as jnp
import numpy as np

NUM_NODES = 1000000
HIDDEN = 128
TOTAL = 131072
BATCH_SIZE = 65536


def setup_inputs(seed: int = 0) -> dict:
    key = jax.random.key(seed)
    k1, k2, k3 = jax.random.split(key, 3)
    # historical embedding table (state of DBHistory), one layer's history
    mem = jax.random.normal(k1, (NUM_NODES, HIDDEN), dtype=jnp.float32)
    # current mini-batch node embeddings (in-batch nodes first, then halo nodes)
    x = jax.random.normal(k2, (TOTAL, HIDDEN), dtype=jnp.float32)
    # global node ids for the mini-batch; first BATCH_SIZE are in-batch
    n_id = jax.random.randint(k3, (TOTAL,), 0, NUM_NODES, dtype=jnp.int32)
    return {"mem": mem, "x": x, "n_id": n_id, "batch_size": BATCH_SIZE}


def reference(mem, x, n_id, batch_size):
    # Faithful JAX translation of DBScalableGNN.push_and_pull (sync path):
    #   1) push: scatter-overwrite the freshly computed in-batch embeddings
    #      x[:batch_size] into the history at rows n_id[:batch_size]
    #   2) pull: gather historical embeddings for the out-of-mini-batch
    #      (halo) nodes n_id[batch_size:]
    #   3) concat in-batch embeddings with pulled historical embeddings
    bs = BATCH_SIZE
    zero = jnp.asarray(batch_size - bs, dtype=n_id.dtype)
    pushed = mem.at[n_id[:bs] + zero].set(x[:bs])      # scatter-overwrite (push)
    h = jnp.take(pushed, n_id[bs:], axis=0)            # gather (pull)
    out = jnp.concatenate([x[:bs], h], axis=0)
    return out

if __name__ == "__main__":
    import jax
    _d = setup_inputs()
    print(jax.jit(kernel)(*tuple(_d.values())))

</pallas_src>

<mosaic_0001>
#map = affine_map<(d0, d1) -> (0, 0)>
#map1 = affine_map<(d0, d1) -> (0)>
module attributes {stable_mosaic.version = 14 : i64} {
  func.func @_body(%arg0: i32, %arg1: i32, %arg2: memref<1000000x128xf32, #tpu.memory_space<hbm>>, %arg3: memref<131072x128xf32, #tpu.memory_space<hbm>>, %arg4: memref<131072xi32, #tpu.memory_space<hbm>>, %arg5: memref<16xi32, #tpu.memory_space<hbm>>, %arg6: memref<131072x128xf32, #tpu.memory_space<hbm>>, %arg7: memref<32768xi32, #tpu.memory_space<vmem>>, %arg8: memref<2048xi32, #tpu.memory_space<vmem>>, %arg9: memref<16xi32, #tpu.memory_space<vmem>>, %arg10: memref<2048xi32, #tpu.memory_space<vmem>>, %arg11: memref<2048xi32, #tpu.memory_space<vmem>>, %arg12: memref<2112xi32, #tpu.memory_space<vmem>>, %arg13: memref<2112xi32, #tpu.memory_space<vmem>>, %arg14: memref<1x64xi32, #tpu.memory_space<vmem>>, %arg15: memref<2x64x128xf32, #tpu.memory_space<vmem>>, %arg16: memref<1048576xi32, #tpu.memory_space<vmem_shared>>, %arg17: memref<!tpu.dma_semaphore, #tpu.memory_space<semaphore_mem>>, %arg18: memref<!tpu.dma_semaphore, #tpu.memory_space<semaphore_mem>>, %arg19: memref<!tpu.dma_semaphore, #tpu.memory_space<semaphore_mem>>) attributes {dimension_semantics = [#tpu.dimension_semantics<core_parallel>, #tpu.dimension_semantics<subcore_parallel>], iteration_bounds = array<i64: 2, 16>, scalar_prefetch = 0 : i64, scratch_operands = 13 : i64, tpu.core_type = #tpu.core_type<sc_vector_subcore>, window_params = [{transform_indices = #map}, {transform_indices = #map}, {transform_indices = #map1}, {transform_indices = #map1}, {transform_indices = #map}]} {
    %mul3A = arith.constant 2 : i32
    %mul3A_0 = arith.muli %arg1, %mul3A : i32
    %add3A = arith.addi %mul3A_0, %arg0 : i32
    %iota3A = tpu.iota {dimensions = array<i32: 0>} : vector<16xi32>
    %broadcast_in_dim3A = arith.constant -1 : i32
    %broadcast_in_dim3A_1 = vector.broadcast %broadcast_in_dim3A : i32 to vector<16xi32>
    "tpu.region"() ({
      %run_scoped3A = tpu.sem_alloc : memref<!tpu.dma_semaphore, #tpu.memory_space<semaphore_mem>>
      tpu.enqueue_dma source(%arg5 : memref<16xi32, #tpu.memory_space<hbm>>) target(%arg9 : memref<16xi32, #tpu.memory_space<vmem>>) target_semaphore(%run_scoped3A : memref<!tpu.dma_semaphore, #tpu.memory_space<semaphore_mem>>)
      tpu.wait_dma2 semaphore(%run_scoped3A : memref<!tpu.dma_semaphore, #tpu.memory_space<semaphore_mem>>) src(%arg5 : memref<16xi32, #tpu.memory_space<hbm>>) dst(%arg9 : memref<16xi32, #tpu.memory_space<vmem>>)
      tpu.yield
    }) : () -> ()
    %get3A = arith.constant 0 : index
    %get3A_2 = tpu.vector_load %arg9[%get3A] {strides = array<i32>} : memref<16xi32, #tpu.memory_space<vmem>>, vector<16xi32>,
    %mul3A_3 = arith.constant 2 : i32
    %mul3A_4 = arith.muli %mul3A_3, %arg1 : i32
    %add3A_5 = arith.constant 0 : i32
    %add3A_6 = arith.addi %mul3A_4, %add3A_5 : i32
    %scan3A = arith.constant 0 : i32
    %scan3A_7 = arith.constant 2048 : i32
    %scan3A_8 = arith.addi %scan3A, %scan3A_7 : i32
    %scan3A_9 = arith.constant 1 : i32
    scf.for %scan3A_1660 = %scan3A to %scan3A_8 step %scan3A_9  : i32 {
      %mul3A_1661 = arith.constant 1 : i32
      %mul3A_1662 = arith.muli %scan3A_1660, %mul3A_1661 : i32
      %add3A_1663 = arith.constant 0 : i32
      %add3A_1664 = arith.addi %add3A_1663, %mul3A_1662 : i32
      %mul3A_1665 = arith.constant 16 : i32
      %mul3A_1666 = arith.muli %add3A_1664, %mul3A_1665 : i32
      %swap3A = arith.index_cast %mul3A_1666 : i32 to index
      %swap3A_1667 = tpu.vector_load %arg7[%swap3A] {strides = array<i32>} : memref<32768xi32, #tpu.memory_space<vmem>>, vector<16xi32>,
      tpu.vector_store %arg7[%swap3A], %broadcast_in_dim3A_1 {strides = array<i32>} : memref<32768xi32, #tpu.memory_space<vmem>>, vector<16xi32>,
    }
    %scan3A_10 = arith.constant 2048 : i32
    %scan3A_11 = arith.constant 0 : i32
    %scan3A_12 = arith.constant 32 : i32
    %scan3A_13 = arith.addi %scan3A_11, %scan3A_12 : i32
    %scan3A_14 = arith.constant 1 : i32
    scf.for %scan3A_1660 = %scan3A_11 to %scan3A_13 step %scan3A_14  : i32 {
      %mul3A_1661 = arith.constant 1 : i32
      %mul3A_1662 = arith.muli %scan3A_1660, %mul3A_1661 : i32
      %add3A_1663 = arith.constant 0 : i32
      %add3A_1664 = arith.addi %add3A_1663, %mul3A_1662 : i32
      %mul3A_1665 = arith.constant 2048 : i32
      %mul3A_1666 = arith.muli %add3A_1664, %mul3A_1665 : i32
      "tpu.region"() ({
        %run_scoped3A = tpu.sem_alloc : memref<!tpu.dma_semaphore, #tpu.memory_space<semaphore_mem>>
        %dma_start3A_1672 = tpu.memref_slice %arg4[%mul3A_1666] : memref<131072xi32, #tpu.memory_space<hbm>> -> memref<2048xi32, #tpu.memory_space<hbm>>
        %dma_start3A_1673 = tpu.memref_slice %arg4[%mul3A_1666] : memref<131072xi32, #tpu.memory_space<hbm>> -> memref<2048xi32, #tpu.memory_space<hbm>>
        tpu.enqueue_dma source(%dma_start3A_1673 : memref<2048xi32, #tpu.memory_space<hbm>>) target(%arg8 : memref<2048xi32, #tpu.memory_space<vmem>>) target_semaphore(%run_scoped3A : memref<!tpu.dma_semaphore, #tpu.memory_space<semaphore_mem>>)
        %dma_wait3A_1674 = tpu.memref_slice %arg4[%mul3A_1666] : memref<131072xi32, #tpu.memory_space<hbm>> -> memref<2048xi32, #tpu.memory_space<hbm>>
        %dma_wait3A_1675 = tpu.memref_slice %arg4[%mul3A_1666] : memref<131072xi32, #tpu.memory_space<hbm>> -> memref<2048xi32, #tpu.memory_space<hbm>>
        tpu.wait_dma2 semaphore(%run_scoped3A : memref<!tpu.dma_semaphore, #tpu.memory_space<semaphore_mem>>) src(%dma_wait3A_1675 : memref<2048xi32, #tpu.memory_space<hbm>>) dst(%arg8 : memref<2048xi32, #tpu.memory_space<vmem>>)
        tpu.yield
      }) : () -> ()
      %scan3A_1667 = arith.constant 0 : i32
      %scan3A_1668 = arith.constant 128 : i32
      %scan3A_1669 = arith.addi %scan3A_1667, %scan3A_1668 : i32
      %scan3A_1670 = arith.constant 1 : i32
      scf.for %scan3A_1672 = %scan3A_1667 to %scan3A_1669 step %scan3A_1670  : i32 {
        %mul3A_1673 = arith.constant 1 : i32
        %mul3A_1674 = arith.muli %scan3A_1672, %mul3A_1673 : i32
        %add3A_1675 = arith.constant 0 : i32
        %add3A_1676 = arith.addi %add3A_1675, %mul3A_1674 : i32
        %mul3A_1677 = arith.constant 16 : i32
        %mul3A_1678 = arith.muli %add3A_1676, %mul3A_1677 : i32
        %get3A_1679 = arith.index_cast %mul3A_1678 : i32 to index
        %get3A_1680 = tpu.vector_load %arg8[%get3A_1679] {strides = array<i32>} : memref<2048xi32, #tpu.memory_space<vmem>>, vector<16xi32>,
        %add3A_1681 = arith.addi %get3A_1680, %get3A_2 : vector<16xi32>
        %shift_right_arithmetic3A = arith.constant 15 : i32
        %shift_right_arithmetic3A_1682 = vector.broadcast %shift_right_arithmetic3A : i32 to vector<16xi32>
        %shift_right_arithmetic3A_1683 = arith.shrsi %add3A_1681, %shift_right_arithmetic3A_1682 : vector<16xi32>
        %eq3A = vector.broadcast %add3A_6 : i32 to vector<16xi32>
        %eq3A_1684 = arith.cmpi eq, %shift_right_arithmetic3A_1683, %eq3A : vector<16xi32>
        %and3A = arith.constant 32767 : i32
        %and3A_1685 = vector.broadcast %and3A : i32 to vector<16xi32>
        %and3A_1686 = arith.andi %add3A_1681, %and3A_1685 : vector<16xi32>
        %mul3A_1687 = arith.constant 2048 : i32
        %mul3A_1688 = arith.muli %add3A_1664, %mul3A_1687 : i32
        %mul3A_1689 = arith.constant 16 : i32
        %mul3A_1690 = arith.muli %add3A_1676, %mul3A_1689 : i32
        %add3A_1691 = arith.addi %mul3A_1688, %mul3A_1690 : i32
        %add3A_1692 = vector.broadcast %add3A_1691 : i32 to vector<16xi32>
        %add3A_1693 = arith.addi %iota3A, %add3A_1692 : vector<16xi32>
        tpu.vector_store_idx %arg7[%and3A_1686], %add3A_1693 masked %eq3A_1684 : memref<32768xi32, #tpu.memory_space<vmem>>[vector<16xi32>], vector<16xi32>, vector<16xi1>
      }
      %scan3A_1671 = arith.constant 128 : i32
    }
    %scan3A_15 = arith.constant 32 : i32
    %mul3A_16 = arith.constant 32768 : i32
    %mul3A_17 = arith.muli %add3A_6, %mul3A_16 : i32
    "tpu.region"() ({
      %run_scoped3A = tpu.sem_alloc : memref<!tpu.dma_semaphore, #tpu.memory_space<semaphore_mem>>
      %dma_start3A_1660 = tpu.memref_slice %arg16[%mul3A_17] : memref<1048576xi32, #tpu.memory_space<vmem_shared>> -> memref<32768xi32, #tpu.memory_space<vmem_shared>>
      %dma_start3A_1661 = tpu.memref_slice %arg16[%mul3A_17] : memref<1048576xi32, #tpu.memory_space<vmem_shared>> -> memref<32768xi32, #tpu.memory_space<vmem_shared>>
      tpu.enqueue_dma source(%arg7 : memref<32768xi32, #tpu.memory_space<vmem>>) target(%dma_start3A_1661 : memref<32768xi32, #tpu.memory_space<vmem_shared>>) target_semaphore(%run_scoped3A : memref<!tpu.dma_semaphore, #tpu.memory_space<semaphore_mem>>)
      %dma_wait3A_1662 = tpu.memref_slice %arg16[%mul3A_17] : memref<1048576xi32, #tpu.memory_space<vmem_shared>> -> memref<32768xi32, #tpu.memory_space<vmem_shared>>
      %dma_wait3A_1663 = tpu.memref_slice %arg16[%mul3A_17] : memref<1048576xi32, #tpu.memory_space<vmem_shared>> -> memref<32768xi32, #tpu.memory_space<vmem_shared>>
      tpu.wait_dma2 semaphore(%run_scoped3A : memref<!tpu.dma_semaphore, #tpu.memory_space<semaphore_mem>>) src(%arg7 : memref<32768xi32, #tpu.memory_space<vmem>>) dst(%dma_wait3A_1663 : memref<32768xi32, #tpu.memory_space<vmem_shared>>)
      tpu.yield
    }) : () -> ()
    %mul3A_18 = arith.constant 2 : i32
    %mul3A_19 = arith.muli %mul3A_18, %arg1 : i32
    %add3A_20 = arith.constant 1 : i32
    %add3A_21 = arith.addi %mul3A_19, %add3A_20 : i32
    %scan3A_22 = arith.constant 0 : i32
    %scan3A_23 = arith.constant 2048 : i32
    %scan3A_24 = arith.addi %scan3A_22, %scan3A_23 : i32
    %scan3A_25 = arith.constant 1 : i32
    scf.for %scan3A_1660 = %scan3A_22 to %scan3A_24 step %scan3A_25  : i32 {
      %mul3A_1661 = arith.constant 1 : i32
      %mul3A_1662 = arith.muli %scan3A_1660, %mul3A_1661 : i32
      %add3A_1663 = arith.constant 0 : i32
      %add3A_1664 = arith.addi %add3A_1663, %mul3A_1662 : i32
      %mul3A_1665 = arith.constant 16 : i32
      %mul3A_1666 = arith.muli %add3A_1664, %mul3A_1665 : i32
      %swap3A = arith.index_cast %mul3A_1666 : i32 to index
      %swap3A_1667 = tpu.vector_load %arg7[%swap3A] {strides = array<i32>} : memref<32768xi32, #tpu.memory_space<vmem>>, vector<16xi32>,
      tpu.vector_store %arg7[%swap3A], %broadcast_in_dim3A_1 {strides = array<i32>} : memref<32768xi32, #tpu.memory_space<vmem>>, vector<16xi32>,
    }
    %scan3A_26 = arith.constant 2048 : i32
    %scan3A_27 = arith.constant 0 : i32
    %scan3A_28 = arith.constant 32 : i32
    %scan3A_29 = arith.addi %scan3A_27, %scan3A_28 : i32
    %scan3A_30 = arith.constant 1 : i32
    scf.for %scan3A_1660 = %scan3A_27 to %scan3A_29 step %scan3A_30  : i32 {
      %mul3A_1661 = arith.constant 1 : i32
      %mul3A_1662 = arith.muli %scan3A_1660, %mul3A_1661 : i32
      %add3A_1663 = arith.constant 0 : i32
      %add3A_1664 = arith.addi %add3A_1663, %mul3A_1662 : i32
      %mul3A_1665 = arith.constant 2048 : i32
      %mul3A_1666 = arith.muli %add3A_1664, %mul3A_1665 : i32
      "tpu.region"() ({
        %run_scoped3A = tpu.sem_alloc : memref<!tpu.dma_semaphore, #tpu.memory_space<semaphore_mem>>
        %dma_start3A_1672 = tpu.memref_slice %arg4[%mul3A_1666] : memref<131072xi32, #tpu.memory_space<hbm>> -> memref<2048xi32, #tpu.memory_space<hbm>>
        %dma_start3A_1673 = tpu.memref_slice %arg4[%mul3A_1666] : memref<131072xi32, #tpu.memory_space<hbm>> -> memref<2048xi32, #tpu.memory_space<hbm>>
        tpu.enqueue_dma source(%dma_start3A_1673 : memref<2048xi32, #tpu.memory_space<hbm>>) target(%arg8 : memref<2048xi32, #tpu.memory_space<vmem>>) target_semaphore(%run_scoped3A : memref<!tpu.dma_semaphore, #tpu.memory_space<semaphore_mem>>)
        %dma_wait3A_1674 = tpu.memref_slice %arg4[%mul3A_1666] : memref<131072xi32, #tpu.memory_space<hbm>> -> memref<2048xi32, #tpu.memory_space<hbm>>
        %dma_wait3A_1675 = tpu.memref_slice %arg4[%mul3A_1666] : memref<131072xi32, #tpu.memory_space<hbm>> -> memref<2048xi32, #tpu.memory_space<hbm>>
        tpu.wait_dma2 semaphore(%run_scoped3A : memref<!tpu.dma_semaphore, #tpu.memory_space<semaphore_mem>>) src(%dma_wait3A_1675 : memref<2048xi32, #tpu.memory_space<hbm>>) dst(%arg8 : memref<2048xi32, #tpu.memory_space<vmem>>)
        tpu.yield
      }) : () -> ()
      %scan3A_1667 = arith.constant 0 : i32
      %scan3A_1668 = arith.constant 128 : i32
      %scan3A_1669 = arith.addi %scan3A_1667, %scan3A_1668 : i32
      %scan3A_1670 = arith.constant 1 : i32
      scf.for %scan3A_1672 = %scan3A_1667 to %scan3A_1669 step %scan3A_1670  : i32 {
        %mul3A_1673 = arith.constant 1 : i32
        %mul3A_1674 = arith.muli %scan3A_1672, %mul3A_1673 : i32
        %add3A_1675 = arith.constant 0 : i32
        %add3A_1676 = arith.addi %add3A_1675, %mul3A_1674 : i32
        %mul3A_1677 = arith.constant 16 : i32
        %mul3A_1678 = arith.muli %add3A_1676, %mul3A_1677 : i32
        %get3A_1679 = arith.index_cast %mul3A_1678 : i32 to index
        %get3A_1680 = tpu.vector_load %arg8[%get3A_1679] {strides = array<i32>} : memref<2048xi32, #tpu.memory_space<vmem>>, vector<16xi32>,
        %add3A_1681 = arith.addi %get3A_1680, %get3A_2 : vector<16xi32>
        %shift_right_arithmetic3A = arith.constant 15 : i32
        %shift_right_arithmetic3A_1682 = vector.broadcast %shift_right_arithmetic3A : i32 to vector<16xi32>
        %shift_right_arithmetic3A_1683 = arith.shrsi %add3A_1681, %shift_right_arithmetic3A_1682 : vector<16xi32>
        %eq3A = vector.broadcast %add3A_21 : i32 to vector<16xi32>
        %eq3A_1684 = arith.cmpi eq, %shift_right_arithmetic3A_1683, %eq3A : vector<16xi32>
        %and3A = arith.constant 32767 : i32
        %and3A_1685 = vector.broadcast %and3A : i32 to vector<16xi32>
        %and3A_1686 = arith.andi %add3A_1681, %and3A_1685 : vector<16xi32>
        %mul3A_1687 = arith.constant 2048 : i32
        %mul3A_1688 = arith.muli %add3A_1664, %mul3A_1687 : i32
        %mul3A_1689 = arith.constant 16 : i32
        %mul3A_1690 = arith.muli %add3A_1676, %mul3A_1689 : i32
        %add3A_1691 = arith.addi %mul3A_1688, %mul3A_1690 : i32
        %add3A_1692 = vector.broadcast %add3A_1691 : i32 to vector<16xi32>
        %add3A_1693 = arith.addi %iota3A, %add3A_1692 : vector<16xi32>
        tpu.vector_store_idx %arg7[%and3A_1686], %add3A_1693 masked %eq3A_1684 : memref<32768xi32, #tpu.memory_space<vmem>>[vector<16xi32>], vector<16xi32>, vector<16xi1>
      }
      %scan3A_1671 = arith.constant 128 : i32
    }
    %scan3A_31 = arith.constant 32 : i32
    %mul3A_32 = arith.constant 32768 : i32
    %mul3A_33 = arith.muli %add3A_21, %mul3A_32 : i32
    "tpu.region"() ({
      %run_scoped3A = tpu.sem_alloc : memref<!tpu.dma_semaphore, #tpu.memory_space<semaphore_mem>>
      %dma_start3A_1660 = tpu.memref_slice %arg16[%mul3A_33] : memref<1048576xi32, #tpu.memory_space<vmem_shared>> -> memref<32768xi32, #tpu.memory_space<vmem_shared>>
      %dma_start3A_1661 = tpu.memref_slice %arg16[%mul3A_33] : memref<1048576xi32, #tpu.memory_space<vmem_shared>> -> memref<32768xi32, #tpu.memory_space<vmem_shared>>
      tpu.enqueue_dma source(%arg7 : memref<32768xi32, #tpu.memory_space<vmem>>) target(%dma_start3A_1661 : memref<32768xi32, #tpu.memory_space<vmem_shared>>) target_semaphore(%run_scoped3A : memref<!tpu.dma_semaphore, #tpu.memory_space<semaphore_mem>>)
      %dma_wait3A_1662 = tpu.memref_slice %arg16[%mul3A_33] : memref<1048576xi32, #tpu.memory_space<vmem_shared>> -> memref<32768xi32, #tpu.memory_space<vmem_shared>>
      %dma_wait3A_1663 = tpu.memref_slice %arg16[%mul3A_33] : memref<1048576xi32, #tpu.memory_space<vmem_shared>> -> memref<32768xi32, #tpu.memory_space<vmem_shared>>
      tpu.wait_dma2 semaphore(%run_scoped3A : memref<!tpu.dma_semaphore, #tpu.memory_space<semaphore_mem>>) src(%arg7 : memref<32768xi32, #tpu.memory_space<vmem>>) dst(%dma_wait3A_1663 : memref<32768xi32, #tpu.memory_space<vmem_shared>>)
      tpu.yield
    }) : () -> ()
    %mul3A_34 = arith.constant 2048 : i32
    %mul3A_35 = arith.muli %add3A, %mul3A_34 : i32
    %dma_start3A = arith.constant 0 : i32
    %dma_start3A_36 = tpu.memref_slice %arg6[%mul3A_35, %dma_start3A] : memref<131072x128xf32, #tpu.memory_space<hbm>> -> memref<2048x128xf32, #tpu.memory_space<hbm>>
    %dma_start3A_37 = arith.constant 0 : i32
    %dma_start3A_38 = tpu.memref_slice %arg3[%mul3A_35, %dma_start3A_37] : memref<131072x128xf32, #tpu.memory_space<hbm>> -> memref<2048x128xf32, #tpu.memory_space<hbm>>
    tpu.enqueue_dma source(%dma_start3A_38 : memref<2048x128xf32, #tpu.memory_space<hbm>>) target(%dma_start3A_36 : memref<2048x128xf32, #tpu.memory_space<hbm>>) target_semaphore(%arg19 : memref<!tpu.dma_semaphore, #tpu.memory_space<semaphore_mem>>)
    %barrier3A = arith.constant 0 : index
    tpu.barrier barrier_id(%barrier3A)
    %mul3A_39 = arith.constant 2048 : i32
    %mul3A_40 = arith.muli %add3A, %mul3A_39 : i32
    %add3A_41 = arith.constant 65536 : i32
    %add3A_42 = arith.addi %add3A_41, %mul3A_40 : i32
    "tpu.region"() ({
      %run_scoped3A = tpu.sem_alloc : memref<!tpu.dma_semaphore, #tpu.memory_space<semaphore_mem>>
      %dma_start3A_1660 = tpu.memref_slice %arg4[%add3A_42] : memref<131072xi32, #tpu.memory_space<hbm>> -> memref<2048xi32, #tpu.memory_space<hbm>>
      %dma_start3A_1661 = tpu.memref_slice %arg4[%add3A_42] : memref<131072xi32, #tpu.memory_space<hbm>> -> memref<2048xi32, #tpu.memory_space<hbm>>
      tpu.enqueue_dma source(%dma_start3A_1661 : memref<2048xi32, #tpu.memory_space<hbm>>) target(%arg10 : memref<2048xi32, #tpu.memory_space<vmem>>) target_semaphore(%run_scoped3A : memref<!tpu.dma_semaphore, #tpu.memory_space<semaphore_mem>>)
      %dma_wait3A_1662 = tpu.memref_slice %arg4[%add3A_42] : memref<131072xi32, #tpu.memory_space<hbm>> -> memref<2048xi32, #tpu.memory_space<hbm>>
      %dma_wait3A_1663 = tpu.memref_slice %arg4[%add3A_42] : memref<131072xi32, #tpu.memory_space<hbm>> -> memref<2048xi32, #tpu.memory_space<hbm>>
      tpu.wait_dma2 semaphore(%run_scoped3A : memref<!tpu.dma_semaphore, #tpu.memory_space<semaphore_mem>>) src(%dma_wait3A_1663 : memref<2048xi32, #tpu.memory_space<hbm>>) dst(%arg10 : memref<2048xi32, #tpu.memory_space<vmem>>)
      tpu.yield
    }) : () -> ()
    %scan3A_43 = arith.constant 0 : i32
    %scan3A_44 = arith.constant 32 : i32
    %scan3A_45 = arith.addi %scan3A_43, %scan3A_44 : i32
    %scan3A_46 = arith.constant 1 : i32
    scf.for %scan3A_1660 = %scan3A_43 to %scan3A_45 step %scan3A_46  : i32 {
      %mul3A_1661 = arith.constant 1 : i32
      %mul3A_1662 = arith.muli %scan3A_1660, %mul3A_1661 : i32
      %add3A_1663 = arith.constant 0 : i32
      %add3A_1664 = arith.addi %add3A_1663, %mul3A_1662 : i32
      %mul3A_1665 = arith.constant 64 : i32
      %mul3A_1666 = arith.muli %add3A_1664, %mul3A_1665 : i32
      %mul3A_1667 = arith.constant 64 : i32
      %mul3A_1668 = arith.muli %add3A_1664, %mul3A_1667 : i32
      "tpu.region"() ({
        %run_scoped3A = tpu.sem_alloc : memref<!tpu.dma_semaphore, #tpu.memory_space<semaphore_mem>>
        %dma_start3A_1669 = tpu.memref_slice %arg11[%mul3A_1668] : memref<2048xi32, #tpu.memory_space<vmem>> -> memref<64xi32, #tpu.memory_space<vmem>>
        %dma_start3A_1670 = tpu.memref_slice %arg10[%mul3A_1666] : memref<2048xi32, #tpu.memory_space<vmem>> -> memref<64xi32, #tpu.memory_space<vmem>>
        %dma_start3A_1671 = arith.constant 0 : i32
        %dma_start3A_1672 = tpu.memref_slice %arg16[%dma_start3A_1671] : memref<1048576xi32, #tpu.memory_space<vmem_shared>> -> memref<1048576xi32, #tpu.memory_space<vmem_shared>>
        tpu.enqueue_indirect_dma source(%dma_start3A_1672 : memref<1048576xi32, #tpu.memory_space<vmem_shared>>) target(%dma_start3A_1669 : memref<64xi32, #tpu.memory_space<vmem>>) offsets(%dma_start3A_1670 : memref<64xi32, #tpu.memory_space<vmem>>) semaphore(%run_scoped3A : memref<!tpu.dma_semaphore, #tpu.memory_space<semaphore_mem>>)
        %dma_wait3A_1673 = tpu.memref_slice %arg11[%mul3A_1668] : memref<2048xi32, #tpu.memory_space<vmem>> -> memref<64xi32, #tpu.memory_space<vmem>>
        %dma_wait3A_1674 = tpu.memref_slice %arg10[%mul3A_1666] : memref<2048xi32, #tpu.memory_space<vmem>> -> memref<64xi32, #tpu.memory_space<vmem>>
        %dma_wait3A_1675 = arith.constant 0 : i32
        %dma_wait3A_1676 = tpu.memref_slice %arg16[%dma_wait3A_1675] : memref<1048576xi32, #tpu.memory_space<vmem_shared>> -> memref<1048576xi32, #tpu.memory_space<vmem_shared>>
        tpu.wait_indirect_dma semaphore(%run_scoped3A : memref<!tpu.dma_semaphore, #tpu.memory_space<semaphore_mem>>) src(%dma_wait3A_1676 : memref<1048576xi32, #tpu.memory_space<vmem_shared>>) dst(%dma_wait3A_1673 : memref<64xi32, #tpu.memory_space<vmem>>)
        tpu.yield
      }) : () -> ()
    }
    %scan3A_47 = arith.constant 32 : i32
    %scan3A_48 = arith.constant 0 : i32
    %scan3A_49 = arith.constant 0 : i32
    %scan3A_50 = arith.constant 128 : i32
    %scan3A_51 = arith.addi %scan3A_49, %scan3A_50 : i32
    %scan3A_52 = arith.constant 1 : i32
    %scan3A_53 = scf.for %scan3A_1660 = %scan3A_49 to %scan3A_51 step %scan3A_52 iter_args(%scan3A_1661 = %scan3A_48) -> (i32)  : i32 {
      %mul3A_1662 = arith.constant 1 : i32
      %mul3A_1663 = arith.muli %scan3A_1660, %mul3A_1662 : i32
      %add3A_1664 = arith.constant 0 : i32
      %add3A_1665 = arith.addi %add3A_1664, %mul3A_1663 : i32
      %mul3A_1666 = arith.constant 16 : i32
      %mul3A_1667 = arith.muli %add3A_1665, %mul3A_1666 : i32
      %get3A_1668 = arith.index_cast %mul3A_1667 : i32 to index
      %get3A_1669 = tpu.vector_load %arg11[%get3A_1668] {strides = array<i32>} : memref<2048xi32, #tpu.memory_space<vmem>>, vector<16xi32>,
      %ge3A = arith.constant 0 : i32
      %ge3A_1670 = vector.broadcast %ge3A : i32 to vector<16xi32>
      %ge3A_1671 = arith.cmpi sge, %get3A_1669, %ge3A_1670 : vector<16xi32>
      %mul3A_1672 = arith.constant 16 : i32
      %mul3A_1673 = arith.muli %add3A_1665, %mul3A_1672 : i32
      %add3A_1674 = arith.addi %add3A_42, %mul3A_1673 : i32
      %add3A_1675 = vector.broadcast %add3A_1674 : i32 to vector<16xi32>
      %add3A_1676 = arith.addi %iota3A, %add3A_1675 : vector<16xi32>
      %swap3A = arith.index_cast %scan3A_1661 : i32 to index
      %swap3A_1677 = tpu.vector_load %arg13[%swap3A] masked %ge3A_1671 {strides = array<i32>} : memref<2112xi32, #tpu.memory_space<vmem>>, vector<16xi32>, vector<16xi1>
      tpu.vector_store %arg13[%swap3A], %get3A_1669 masked %ge3A_1671 {strides = array<i32>} : memref<2112xi32, #tpu.memory_space<vmem>>, vector<16xi32>, vector<16xi1>
      %swap3A_1678 = arith.index_cast %scan3A_1661 : i32 to index
      %swap3A_1679 = tpu.vector_load %arg12[%swap3A_1678] masked %ge3A_1671 {strides = array<i32>} : memref<2112xi32, #tpu.memory_space<vmem>>, vector<16xi32>, vector<16xi1>
      tpu.vector_store %arg12[%swap3A_1678], %add3A_1676 masked %ge3A_1671 {strides = array<i32>} : memref<2112xi32, #tpu.memory_space<vmem>>, vector<16xi32>, vector<16xi1>
      %all_reduce_population_count3A = tpu.all_reduce %ge3A_1671 {dim = 0 : i64, kind = #tpu.reduction_kind<sum>} : vector<16xi1> -> vector<16xi32>
      %slice3A = vector.extract_strided_slice %all_reduce_population_count3A {offsets = [0], sizes = [1], strides = [1]} : vector<16xi32> to vector<1xi32>
      %squeeze3A = vector.extract %slice3A[0] : i32 from vector<1xi32>
      %add3A_1680 = arith.addi %scan3A_1661, %squeeze3A : i32
      scf.yield %add3A_1680 : i32
    }
    %scan3A_54 = arith.constant 128 : i32
    %dma_start3A_55 = arith.constant 0 : i32
    %dma_start3A_56 = arith.constant 0 : i32
    %dma_start3A_57 = arith.constant 0 : i32
    %dma_start3A_58 = tpu.memref_slice %arg15[%dma_start3A_55, %dma_start3A_56, %dma_start3A_57] : memref<2x64x128xf32, #tpu.memory_space<vmem>> -> memref<1x64x128xf32, #tpu.memory_space<vmem>>
    %dma_start3A_59 = tpu.memref_squeeze %dma_start3A_58 : memref<1x64x128xf32, #tpu.memory_space<vmem>> -> memref<64x128xf32, #tpu.memory_space<vmem>>
    %dma_start3A_60 = arith.constant 0 : i32
    %dma_start3A_61 = tpu.memref_slice %arg10[%dma_start3A_60] : memref<2048xi32, #tpu.memory_space<vmem>> -> memref<64xi32, #tpu.memory_space<vmem>>
    %dma_start3A_62 = arith.constant 0 : i32
    %dma_start3A_63 = arith.constant 0 : i32
    %dma_start3A_64 = tpu.memref_slice %arg2[%dma_start3A_62, %dma_start3A_63] : memref<1000000x128xf32, #tpu.memory_space<hbm>> -> memref<1000000x128xf32, #tpu.memory_space<hbm>>
    tpu.enqueue_indirect_dma source(%dma_start3A_64 : memref<1000000x128xf32, #tpu.memory_space<hbm>>) target(%dma_start3A_59 : memref<64x128xf32, #tpu.memory_space<vmem>>) offsets(%dma_start3A_61 : memref<64xi32, #tpu.memory_space<vmem>>) semaphore(%arg17 : memref<!tpu.dma_semaphore, #tpu.memory_space<semaphore_mem>>)
    %dma_start3A_65 = arith.constant 1 : i32
    %dma_start3A_66 = arith.constant 0 : i32
    %dma_start3A_67 = arith.constant 0 : i32
    %dma_start3A_68 = tpu.memref_slice %arg15[%dma_start3A_65, %dma_start3A_66, %dma_start3A_67] : memref<2x64x128xf32, #tpu.memory_space<vmem>> -> memref<1x64x128xf32, #tpu.memory_space<vmem>>
    %dma_start3A_69 = tpu.memref_squeeze %dma_start3A_68 : memref<1x64x128xf32, #tpu.memory_space<vmem>> -> memref<64x128xf32, #tpu.memory_space<vmem>>
    %dma_start3A_70 = arith.constant 64 : i32
    %dma_start3A_71 = tpu.memref_slice %arg10[%dma_start3A_70] : memref<2048xi32, #tpu.memory_space<vmem>> -> memref<64xi32, #tpu.memory_space<vmem>>
    %dma_start3A_72 = arith.constant 0 : i32
    %dma_start3A_73 = arith.constant 0 : i32
    %dma_start3A_74 = tpu.memref_slice %arg2[%dma_start3A_72, %dma_start3A_73] : memref<1000000x128xf32, #tpu.memory_space<hbm>> -> memref<1000000x128xf32, #tpu.memory_space<hbm>>
    tpu.enqueue_indirect_dma source(%dma_start3A_74 : memref<1000000x128xf32, #tpu.memory_space<hbm>>) target(%dma_start3A_69 : memref<64x128xf32, #tpu.memory_space<vmem>>) offsets(%dma_start3A_71 : memref<64xi32, #tpu.memory_space<vmem>>) semaphore(%arg17 : memref<!tpu.dma_semaphore, #tpu.memory_space<semaphore_mem>>)
    %dma_wait3A = arith.constant 0 : i32
    %dma_wait3A_75 = arith.constant 0 : i32
    %dma_wait3A_76 = arith.constant 0 : i32
    %dma_wait3A_77 = tpu.memref_slice %arg15[%dma_wait3A, %dma_wait3A_75, %dma_wait3A_76] : memref<2x64x128xf32, #tpu.memory_space<vmem>> -> memref<1x64x128xf32, #tpu.memory_space<vmem>>
    %dma_wait3A_78 = tpu.memref_squeeze %dma_wait3A_77 : memref<1x64x128xf32, #tpu.memory_space<vmem>> -> memref<64x128xf32, #tpu.memory_space<vmem>>
    %dma_wait3A_79 = arith.constant 0 : i32
    %dma_wait3A_80 = tpu.memref_slice %arg10[%dma_wait3A_79] : memref<2048xi32, #tpu.memory_space<vmem>> -> memref<64xi32, #tpu.memory_space<vmem>>
    %dma_wait3A_81 = arith.constant 0 : i32
    %dma_wait3A_82 = arith.constant 0 : i32
    %dma_wait3A_83 = tpu.memref_slice %arg2[%dma_wait3A_81, %dma_wait3A_82] : memref<1000000x128xf32, #tpu.memory_space<hbm>> -> memref<1000000x128xf32, #tpu.memory_space<hbm>>
    tpu.wait_indirect_dma semaphore(%arg17 : memref<!tpu.dma_semaphore, #tpu.memory_space<semaphore_mem>>) src(%dma_wait3A_83 : memref<1000000x128xf32, #tpu.memory_space<hbm>>) dst(%dma_wait3A_78 : memref<64x128xf32, #tpu.memory_space<vmem>>)
    %add3A_84 = arith.constant 0 : i32
    %add3A_85 = arith.addi %add3A_42, %add3A_84 : i32
    %dma_start3A_86 = arith.constant 0 : i32
    %dma_start3A_87 = arith.constant 0 : i32
    %dma_start3A_88 = arith.constant 0 : i32
    %dma_start3A_89 = tpu.memref_slice %arg15[%dma_start3A_86, %dma_start3A_87, %dma_start3A_88] : memref<2x64x128xf32, #tpu.memory_space<vmem>> -> memref<1x64x128xf32, #tpu.memory_space<vmem>>
    %dma_start3A_90 = tpu.memref_squeeze %dma_start3A_89 : memref<1x64x128xf32, #tpu.memory_space<vmem>> -> memref<64x128xf32, #tpu.memory_space<vmem>>
    %dma_start3A_91 = arith.constant 0 : i32
    %dma_start3A_92 = tpu.memref_slice %arg6[%add3A_85, %dma_start3A_91] : memref<131072x128xf32, #tpu.memory_space<hbm>> -> memref<64x128xf32, #tpu.memory_space<hbm>>
    %dma_start3A_93 = arith.constant 0 : i32
    %dma_start3A_94 = tpu.memref_slice %arg6[%add3A_85, %dma_start3A_93] : memref<131072x128xf32, #tpu.memory_space<hbm>> -> memref<64x128xf32, #tpu.memory_space<hbm>>
    %dma_start3A_95 = arith.constant 0 : i32
    %dma_start3A_96 = arith.constant 0 : i32
    %dma_start3A_97 = tpu.memref_slice %arg15[%dma_start3A_86, %dma_start3A_95, %dma_start3A_96] : memref<2x64x128xf32, #tpu.memory_space<vmem>> -> memref<1x64x128xf32, #tpu.memory_space<vmem>>
    %dma_start3A_98 = tpu.memref_squeeze %dma_start3A_97 : memref<1x64x128xf32, #tpu.memory_space<vmem>> -> memref<64x128xf32, #tpu.memory_space<vmem>>
    tpu.enqueue_dma source(%dma_start3A_98 : memref<64x128xf32, #tpu.memory_space<vmem>>) target(%dma_start3A_94 : memref<64x128xf32, #tpu.memory_space<hbm>>) target_semaphore(%arg18 : memref<!tpu.dma_semaphore, #tpu.memory_space<semaphore_mem>>)
    %add3A_99 = arith.constant 0 : i32
    %add3A_100 = arith.addi %add3A_42, %add3A_99 : i32
    %dma_wait3A_101 = arith.constant 0 : i32
    %dma_wait3A_102 = arith.constant 0 : i32
    %dma_wait3A_103 = arith.constant 0 : i32
    %dma_wait3A_104 = tpu.memref_slice %arg15[%dma_wait3A_101, %dma_wait3A_102, %dma_wait3A_103] : memref<2x64x128xf32, #tpu.memory_space<vmem>> -> memref<1x64x128xf32, #tpu.memory_space<vmem>>
    %dma_wait3A_105 = tpu.memref_squeeze %dma_wait3A_104 : memref<1x64x128xf32, #tpu.memory_space<vmem>> -> memref<64x128xf32, #tpu.memory_space<vmem>>
    %dma_wait3A_106 = arith.constant 0 : i32
    %dma_wait3A_107 = tpu.memref_slice %arg6[%add3A_100, %dma_wait3A_106] : memref<131072x128xf32, #tpu.memory_space<hbm>> -> memref<64x128xf32, #tpu.memory_space<hbm>>
    %dma_wait3A_108 = arith.constant 0 : i32
    %dma_wait3A_109 = tpu.memref_slice %arg6[%add3A_100, %dma_wait3A_108] : memref<131072x128xf32, #tpu.memory_space<hbm>> -> memref<64x128xf32, #tpu.memory_space<hbm>>
    %dma_wait3A_110 = arith.constant 0 : i32
    %dma_wait3A_111 = arith.constant 0 : i32
    %dma_wait3A_112 = tpu.memref_slice %arg15[%dma_wait3A_101, %dma_wait3A_110, %dma_wait3A_111] : memref<2x64x128xf32, #tpu.memory_space<vmem>> -> memref<1x64x128xf32, #tpu.memory_space<vmem>>
    %dma_wait3A_113 = tpu.memref_squeeze %dma_wait3A_112 : memref<1x64x128xf32, #tpu.memory_space<vmem>> -> memref<64x128xf32, #tpu.memory_space<vmem>>
    tpu.wait_dma2 semaphore(%arg18 : memref<!tpu.dma_semaphore, #tpu.memory_space<semaphore_mem>>) src(%dma_wait3A_113 : memref<64x128xf32, #tpu.memory_space<vmem>>) dst(%dma_wait3A_109 : memref<64x128xf32, #tpu.memory_space<hbm>>)
    %dma_start3A_114 = arith.constant 0 : i32
    %dma_start3A_115 = arith.constant 0 : i32
    %dma_start3A_116 = arith.constant 0 : i32
    %dma_start3A_117 = tpu.memref_slice %arg15[%dma_start3A_114, %dma_start3A_115, %dma_start3A_116] : memref<2x64x128xf32, #tpu.memory_space<vmem>> -> memref<1x64x128xf32, #tpu.memory_space<vmem>>
    %dma_start3A_118 = tpu.memref_squeeze %dma_start3A_117 : memref<1x64x128xf32, #tpu.memory_space<vmem>> -> memref<64x128xf32, #tpu.memory_space<vmem>>
    %dma_start3A_119 = arith.constant 128 : i32
    %dma_start3A_120 = tpu.memref_slice %arg10[%dma_start3A_119] : memref<2048xi32, #tpu.memory_space<vmem>> -> memref<64xi32, #tpu.memory_space<vmem>>
    %dma_start3A_121 = arith.constant 0 : i32
    %dma_start3A_122 = arith.constant 0 : i32
    %dma_start3A_123 = tpu.memref_slice %arg2[%dma_start3A_121, %dma_start3A_122] : memref<1000000x128xf32, #tpu.memory_space<hbm>> -> memref<1000000x128xf32, #tpu.memory_space<hbm>>
    tpu.enqueue_indirect_dma source(%dma_start3A_123 : memref<1000000x128xf32, #tpu.memory_space<hbm>>) target(%dma_start3A_118 : memref<64x128xf32, #tpu.memory_space<vmem>>) offsets(%dma_start3A_120 : memref<64xi32, #tpu.memory_space<vmem>>) semaphore(%arg17 : memref<!tpu.dma_semaphore, #tpu.memory_space<semaphore_mem>>)
    %dma_wait3A_124 = arith.constant 1 : i32
    %dma_wait3A_125 = arith.constant 0 : i32
    %dma_wait3A_126 = arith.constant 0 : i32
    %dma_wait3A_127 = tpu.memref_slice %arg15[%dma_wait3A_124, %dma_wait3A_125, %dma_wait3A_126] : memref<2x64x128xf32, #tpu.memory_space<vmem>> -> memref<1x64x128xf32, #tpu.memory_space<vmem>>
    %dma_wait3A_128 = tpu.memref_squeeze %dma_wait3A_127 : memref<1x64x128xf32, #tpu.memory_space<vmem>> -> memref<64x128xf32, #tpu.memory_space<vmem>>
    %dma_wait3A_129 = arith.constant 64 : i32
    %dma_wait3A_130 = tpu.memref_slice %arg10[%dma_wait3A_129] : memref<2048xi32, #tpu.memory_space<vmem>> -> memref<64xi32, #tpu.memory_space<vmem>>
    %dma_wait3A_131 = arith.constant 0 : i32
    %dma_wait3A_132 = arith.constant 0 : i32
    %dma_wait3A_133 = tpu.memref_slice %arg2[%dma_wait3A_131, %dma_wait3A_132] : memref<1000000x128xf32, #tpu.memory_space<hbm>> -> memref<1000000x128xf32, #tpu.memory_space<hbm>>
    tpu.wait_indirect_dma semaphore(%arg17 : memref<!tpu.dma_semaphore, #tpu.memory_space<semaphore_mem>>) src(%dma_wait3A_133 : memref<1000000x128xf32, #tpu.memory_space<hbm>>) dst(%dma_wait3A_128 : memref<64x128xf32, #tpu.memory_space<vmem>>)
    %add3A_134 = arith.constant 64 : i32
    %add3A_135 = arith.addi %add3A_42, %add3A_134 : i32
    %dma_start3A_136 = arith.constant 1 : i32
    %dma_start3A_137 = arith.constant 0 : i32
    %dma_start3A_138 = arith.constant 0 : i32
    %dma_start3A_139 = tpu.memref_slice %arg15[%dma_start3A_136, %dma_start3A_137, %dma_start3A_138] : memref<2x64x128xf32, #tpu.memory_space<vmem>> -> memref<1x64x128xf32, #tpu.memory_space<vmem>>
    %dma_start3A_140 = tpu.memref_squeeze %dma_start3A_139 : memref<1x64x128xf32, #tpu.memory_space<vmem>> -> memref<64x128xf32, #tpu.memory_space<vmem>>
    %dma_start3A_141 = arith.constant 0 : i32
    %dma_start3A_142 = tpu.memref_slice %arg6[%add3A_135, %dma_start3A_141] : memref<131072x128xf32, #tpu.memory_space<hbm>> -> memref<64x128xf32, #tpu.memory_space<hbm>>
    %dma_start3A_143 = arith.constant 0 : i32
    %dma_start3A_144 = tpu.memref_slice %arg6[%add3A_135, %dma_start3A_143] : memref<131072x128xf32, #tpu.memory_space<hbm>> -> memref<64x128xf32, #tpu.memory_space<hbm>>
    %dma_start3A_145 = arith.constant 0 : i32
    %dma_start3A_146 = arith.constant 0 : i32
    %dma_start3A_147 = tpu.memref_slice %arg15[%dma_start3A_136, %dma_start3A_145, %dma_start3A_146] : memref<2x64x128xf32, #tpu.memory_space<vmem>> -> memref<1x64x128xf32, #tpu.memory_space<vmem>>
    %dma_start3A_148 = tpu.memref_squeeze %dma_start3A_147 : memref<1x64x128xf32, #tpu.memory_space<vmem>> -> memref<64x128xf32, #tpu.memory_space<vmem>>
    tpu.enqueue_dma source(%dma_start3A_148 : memref<64x128xf32, #tpu.memory_space<vmem>>) target(%dma_start3A_144 : memref<64x128xf32, #tpu.memory_space<hbm>>) target_semaphore(%arg18 : memref<!tpu.dma_semaphore, #tpu.memory_space<semaphore_mem>>)
    %add3A_149 = arith.constant 64 : i32
    %add3A_150 = arith.addi %add3A_42, %add3A_149 : i32
    %dma_wait3A_151 = arith.constant 1 : i32
    %dma_wait3A_152 = arith.constant 0 : i32
    %dma_wait3A_153 = arith.constant 0 : i32
    %dma_wait3A_154 = tpu.memref_slice %arg15[%dma_wait3A_151, %dma_wait3A_152, %dma_wait3A_153] : memref<2x64x128xf32, #tpu.memory_space<vmem>> -> memref<1x64x128xf32, #tpu.memory_space<vmem>>
    %dma_wait3A_155 = tpu.memref_squeeze %dma_wait3A_154 : memref<1x64x128xf32, #tpu.memory_space<vmem>> -> memref<64x128xf32, #tpu.memory_space<vmem>>
    %dma_wait3A_156 = arith.constant 0 : i32
    %dma_wait3A_157 = tpu.memref_slice %arg6[%add3A_150, %dma_wait3A_156] : memref<131072x128xf32, #tpu.memory_space<hbm>> -> memref<64x128xf32, #tpu.memory_space<hbm>>
    %dma_wait3A_158 = arith.constant 0 : i32
    %dma_wait3A_159 = tpu.memref_slice %arg6[%add3A_150, %dma_wait3A_158] : memref<131072x128xf32, #tpu.memory_space<hbm>> -> memref<64x128xf32, #tpu.memory_space<hbm>>
    %dma_wait3A_160 = arith.constant 0 : i32
    %dma_wait3A_161 = arith.constant 0 : i32
    %dma_wait3A_162 = tpu.memref_slice %arg15[%dma_wait3A_151, %dma_wait3A_160, %dma_wait3A_161] : memref<2x64x128xf32, #tpu.memory_space<vmem>> -> memref<1x64x128xf32, #tpu.memory_space<vmem>>
    %dma_wait3A_163 = tpu.memref_squeeze %dma_wait3A_162 : memref<1x64x128xf32, #tpu.memory_space<vmem>> -> memref<64x128xf32, #tpu.memory_space<vmem>>
    tpu.wait_dma2 semaphore(%arg18 : memref<!tpu.dma_semaphore, #tpu.memory_space<semaphore_mem>>) src(%dma_wait3A_163 : memref<64x128xf32, #tpu.memory_space<vmem>>) dst(%dma_wait3A_159 : memref<64x128xf32, #tpu.memory_space<hbm>>)
    %dma_start3A_164 = arith.constant 1 : i32
    %dma_start3A_165 = arith.constant 0 : i32
    %dma_start3A_166 = arith.constant 0 : i32
    %dma_start3A_167 = tpu.memref_slice %arg15[%dma_start3A_164, %dma_start3A_165, %dma_start3A_166] : memref<2x64x128xf32, #tpu.memory_space<vmem>> -> memref<1x64x128xf32, #tpu.memory_space<vmem>>
    %dma_start3A_168 = tpu.memref_squeeze %dma_start3A_167 : memref<1x64x128xf32, #tpu.memory_space<vmem>> -> memref<64x128xf32, #tpu.memory_space<vmem>>
    %dma_start3A_169 = arith.constant 192 : i32
    %dma_start3A_170 = tpu.memref_slice %arg10[%dma_start3A_169] : memref<2048xi32, #tpu.memory_space<vmem>> -> memref<64xi32, #tpu.memory_space<vmem>>
    %dma_start3A_171 = arith.constant 0 : i32
    %dma_start3A_172 = arith.constant 0 : i32
    %dma_start3A_173 = tpu.memref_slice %arg2[%dma_start3A_171, %dma_start3A_172] : memref<1000000x128xf32, #tpu.memory_space<hbm>> -> memref<1000000x128xf32, #tpu.memory_space<hbm>>
    tpu.enqueue_indirect_dma source(%dma_start3A_173 : memref<1000000x128xf32, #tpu.memory_space<hbm>>) target(%dma_start3A_168 : memref<64x128xf32, #tpu.memory_space<vmem>>) offsets(%dma_start3A_170 : memref<64xi32, #tpu.memory_space<vmem>>) semaphore(%arg17 : memref<!tpu.dma_semaphore, #tpu.memory_space<semaphore_mem>>)
    %dma_wait3A_174 = arith.constant 0 : i32
    %dma_wait3A_175 = arith.constant 0 : i32
    %dma_wait3A_176 = arith.constant 0 : i32
    %dma_wait3A_177 = tpu.memref_slice %arg15[%dma_wait3A_174, %dma_wait3A_175, %dma_wait3A_176] : memref<2x64x128xf32, #tpu.memory_space<vmem>> -> memref<1x64x128xf32, #tpu.memory_space<vmem>>
    %dma_wait3A_178 = tpu.memref_squeeze %dma_wait3A_177 : memref<1x64x128xf32, #tpu.memory_space<vmem>> -> memref<64x128xf32, #tpu.memory_space<vmem>>
    %dma_wait3A_179 = arith.constant 128 : i32
    %dma_wait3A_180 = tpu.memref_slice %arg10[%dma_wait3A_179] : memref<2048xi32, #tpu.memory_space<vmem>> -> memref<64xi32, #tpu.memory_space<vmem>>
    %dma_wait3A_181 = arith.constant 0 : i32
    %dma_wait3A_182 = arith.constant 0 : i32
    %dma_wait3A_183 = tpu.memref_slice %arg2[%dma_wait3A_181, %dma_wait3A_182] : memref<1000000x128xf32, #tpu.memory_space<hbm>> -> memref<1000000x128xf32, #tpu.memory_space<hbm>>
    tpu.wait_indirect_dma semaphore(%arg17 : memref<!tpu.dma_semaphore, #tpu.memory_space<semaphore_mem>>) src(%dma_wait3A_183 : memref<1000000x128xf32, #tpu.memory_space<hbm>>) dst(%dma_wait3A_178 : memref<64x128xf32, #tpu.memory_space<vmem>>)
    %add3A_184 = arith.constant 128 : i32
    %add3A_185 = arith.addi %add3A_42, %add3A_184 : i32
    %dma_start3A_186 = arith.constant 0 : i32
    %dma_start3A_187 = arith.constant 0 : i32
    %dma_start3A_188 = arith.constant 0 : i32
    %dma_start3A_189 = tpu.memref_slice %arg15[%dma_start3A_186, %dma_start3A_187, %dma_start3A_188] : memref<2x64x128xf32, #tpu.memory_space<vmem>> -> memref<1x64x128xf32, #tpu.memory_space<vmem>>
    %dma_start3A_190 = tpu.memref_squeeze %dma_start3A_189 : memref<1x64x128xf32, #tpu.memory_space<vmem>> -> memref<64x128xf32, #tpu.memory_space<vmem>>
    %dma_start3A_191 = arith.constant 0 : i32
    %dma_start3A_192 = tpu.memref_slice %arg6[%add3A_185, %dma_start3A_191] : memref<131072x128xf32, #tpu.memory_space<hbm>> -> memref<64x128xf32, #tpu.memory_space<hbm>>
    %dma_start3A_193 = arith.constant 0 : i32
    %dma_start3A_194 = tpu.memref_slice %arg6[%add3A_185, %dma_start3A_193] : memref<131072x128xf32, #tpu.memory_space<hbm>> -> memref<64x128xf32, #tpu.memory_space<hbm>>
    %dma_start3A_195 = arith.constant 0 : i32
    %dma_start3A_196 = arith.constant 0 : i32
    %dma_start3A_197 = tpu.memref_slice %arg15[%dma_start3A_186, %dma_start3A_195, %dma_start3A_196] : memref<2x64x128xf32, #tpu.memory_space<vmem>> -> memref<1x64x128xf32, #tpu.memory_space<vmem>>
    %dma_start3A_198 = tpu.memref_squeeze %dma_start3A_197 : memref<1x64x128xf32, #tpu.memory_space<vmem>> -> memref<64x128xf32, #tpu.memory_space<vmem>>
    tpu.enqueue_dma source(%dma_start3A_198 : memref<64x128xf32, #tpu.memory_space<vmem>>) target(%dma_start3A_194 : memref<64x128xf32, #tpu.memory_space<hbm>>) target_semaphore(%arg18 : memref<!tpu.dma_semaphore, #tpu.memory_space<semaphore_mem>>)
    %add3A_199 = arith.constant 128 : i32
    %add3A_200 = arith.addi %add3A_42, %add3A_199 : i32
    %dma_wait3A_201 = arith.constant 0 : i32
    %dma_wait3A_202 = arith.constant 0 : i32
    %dma_wait3A_203 = arith.constant 0 : i32
    %dma_wait3A_204 = tpu.memref_slice %arg15[%dma_wait3A_201, %dma_wait3A_202, %dma_wait3A_203] : memref<2x64x128xf32, #tpu.memory_space<vmem>> -> memref<1x64x128xf32, #tpu.memory_space<vmem>>
    %dma_wait3A_205 = tpu.memref_squeeze %dma_wait3A_204 : memref<1x64x128xf32, #tpu.memory_space<vmem>> -> memref<64x128xf32, #tpu.memory_space<vmem>>
    %dma_wait3A_206 = arith.constant 0 : i32
    %dma_wait3A_207 = tpu.memref_slice %arg6[%add3A_200, %dma_wait3A_206] : memref<131072x128xf32, #tpu.memory_space<hbm>> -> memref<64x128xf32, #tpu.memory_space<hbm>>
    %dma_wait3A_208 = arith.constant 0 : i32
    %dma_wait3A_209 = tpu.memref_slice %arg6[%add3A_200, %dma_wait3A_208] : memref<131072x128xf32, #tpu.memory_space<hbm>> -> memref<64x128xf32, #tpu.memory_space<hbm>>
    %dma_wait3A_210 = arith.constant 0 : i32
    %dma_wait3A_211 = arith.constant 0 : i32
    %dma_wait3A_212 = tpu.memref_slice %arg15[%dma_wait3A_201, %dma_wait3A_210, %dma_wait3A_211] : memref<2x64x128xf32, #tpu.memory_space<vmem>> -> memref<1x64x128xf32, #tpu.memory_space<vmem>>
    %dma_wait3A_213 = tpu.memref_squeeze %dma_wait3A_212 : memref<1x64x128xf32, #tpu.memory_space<vmem>> -> memref<64x128xf32, #tpu.memory_space<vmem>>
    tpu.wait_dma2 semaphore(%arg18 : memref<!tpu.dma_semaphore, #tpu.memory_space<semaphore_mem>>) src(%dma_wait3A_213 : memref<64x128xf32, #tpu.memory_space<vmem>>) dst(%dma_wait3A_209 : memref<64x128xf32, #tpu.memory_space<hbm>>)
    %dma_start3A_214 = arith.constant 0 : i32
    %dma_start3A_215 = arith.constant 0 : i32
    %dma_start3A_216 = arith.constant 0 : i32
    %dma_start3A_217 = tpu.memref_slice %arg15[%dma_start3A_214, %dma_start3A_215, %dma_start3A_216] : memref<2x64x128xf32, #tpu.memory_space<vmem>> -> memref<1x64x128xf32, #tpu.memory_space<vmem>>
    %dma_start3A_218 = tpu.memref_squeeze %dma_start3A_217 : memref<1x64x128xf32, #tpu.memory_space<vmem>> -> memref<64x128xf32, #tpu.memory_space<vmem>>
    %dma_start3A_219 = arith.constant 256 : i32
    %dma_start3A_220 = tpu.memref_slice %arg10[%dma_start3A_219] : memref<2048xi32, #tpu.memory_space<vmem>> -> memref<64xi32, #tpu.memory_space<vmem>>
    %dma_start3A_221 = arith.constant 0 : i32
    %dma_start3A_222 = arith.constant 0 : i32
    %dma_start3A_223 = tpu.memref_slice %arg2[%dma_start3A_221, %dma_start3A_222] : memref<1000000x128xf32, #tpu.memory_space<hbm>> -> memref<1000000x128xf32, #tpu.memory_space<hbm>>
    tpu.enqueue_indirect_dma source(%dma_start3A_223 : memref<1000000x128xf32, #tpu.memory_space<hbm>>) target(%dma_start3A_218 : memref<64x128xf32, #tpu.memory_space<vmem>>) offsets(%dma_start3A_220 : memref<64xi32, #tpu.memory_space<vmem>>) semaphore(%arg17 : memref<!tpu.dma_semaphore, #tpu.memory_space<semaphore_mem>>)
    %dma_wait3A_224 = arith.constant 1 : i32
    %dma_wait3A_225 = arith.constant 0 : i32
    %dma_wait3A_226 = arith.constant 0 : i32
    %dma_wait3A_227 = tpu.memref_slice %arg15[%dma_wait3A_224, %dma_wait3A_225, %dma_wait3A_226] : memref<2x64x128xf32, #tpu.memory_space<vmem>> -> memref<1x64x128xf32, #tpu.memory_space<vmem>>
    %dma_wait3A_228 = tpu.memref_squeeze %dma_wait3A_227 : memref<1x64x128xf32, #tpu.memory_space<vmem>> -> memref<64x128xf32, #tpu.memory_space<vmem>>
    %dma_wait3A_229 = arith.constant 192 : i32
    %dma_wait3A_230 = tpu.memref_slice %arg10[%dma_wait3A_229] : memref<2048xi32, #tpu.memory_space<vmem>> -> memref<64xi32, #tpu.memory_space<vmem>>
    %dma_wait3A_231 = arith.constant 0 : i32
    %dma_wait3A_232 = arith.constant 0 : i32
    %dma_wait3A_233 = tpu.memref_slice %arg2[%dma_wait3A_231, %dma_wait3A_232] : memref<1000000x128xf32, #tpu.memory_space<hbm>> -> memref<1000000x128xf32, #tpu.memory_space<hbm>>
    tpu.wait_indirect_dma semaphore(%arg17 : memref<!tpu.dma_semaphore, #tpu.memory_space<semaphore_mem>>) src(%dma_wait3A_233 : memref<1000000x128xf32, #tpu.memory_space<hbm>>) dst(%dma_wait3A_228 : memref<64x128xf32, #tpu.memory_space<vmem>>)
    %add3A_234 = arith.constant 192 : i32
    %add3A_235 = arith.addi %add3A_42, %add3A_234 : i32
    %dma_start3A_236 = arith.constant 1 : i32
    %dma_start3A_237 = arith.constant 0 : i32
    %dma_start3A_238 = arith.constant 0 : i32
    %dma_start3A_239 = tpu.memref_slice %arg15[%dma_start3A_236, %dma_start3A_237, %dma_start3A_238] : memref<2x64x128xf32, #tpu.memory_space<vmem>> -> memref<1x64x128xf32, #tpu.memory_space<vmem>>
    %dma_start3A_240 = tpu.memref_squeeze %dma_start3A_239 : memref<1x64x128xf32, #tpu.memory_space<vmem>> -> memref<64x128xf32, #tpu.memory_space<vmem>>
    %dma_start3A_241 = arith.constant 0 : i32
    %dma_start3A_242 = tpu.memref_slice %arg6[%add3A_235, %dma_start3A_241] : memref<131072x128xf32, #tpu.memory_space<hbm>> -> memref<64x128xf32, #tpu.memory_space<hbm>>
    %dma_start3A_243 = arith.constant 0 : i32
    %dma_start3A_244 = tpu.memref_slice %arg6[%add3A_235, %dma_start3A_243] : memref<131072x128xf32, #tpu.memory_space<hbm>> -> memref<64x128xf32, #tpu.memory_space<hbm>>
    %dma_start3A_245 = arith.constant 0 : i32
    %dma_start3A_246 = arith.constant 0 : i32
    %dma_start3A_247 = tpu.memref_slice %arg15[%dma_start3A_236, %dma_start3A_245, %dma_start3A_246] : memref<2x64x128xf32, #tpu.memory_space<vmem>> -> memref<1x64x128xf32, #tpu.memory_space<vmem>>
    %dma_start3A_248 = tpu.memref_squeeze %dma_start3A_247 : memref<1x64x128xf32, #tpu.memory_space<vmem>> -> memref<64x128xf32, #tpu.memory_space<vmem>>
    tpu.enqueue_dma source(%dma_start3A_248 : memref<64x128xf32, #tpu.memory_space<vmem>>) target(%dma_start3A_244 : memref<64x128xf32, #tpu.memory_space<hbm>>) target_semaphore(%arg18 : memref<!tpu.dma_semaphore, #tpu.memory_space<semaphore_mem>>)
    %add3A_249 = arith.constant 192 : i32
    %add3A_250 = arith.addi %add3A_42, %add3A_249 : i32
    %dma_wait3A_251 = arith.constant 1 : i32
    %dma_wait3A_252 = arith.constant 0 : i32
    %dma_wait3A_253 = arith.constant 0 : i32
    %dma_wait3A_254 = tpu.memref_slice %arg15[%dma_wait3A_251, %dma_wait3A_252, %dma_wait3A_253] : memref<2x64x128xf32, #tpu.memory_space<vmem>> -> memref<1x64x128xf32, #tpu.memory_space<vmem>>
    %dma_wait3A_255 = tpu.memref_squeeze %dma_wait3A_254 : memref<1x64x128xf32, #tpu.memory_space<vmem>> -> memref<64x128xf32, #tpu.memory_space<vmem>>
    %dma_wait3A_256 = arith.constant 0 : i32
    %dma_wait3A_257 = tpu.memref_slice %arg6[%add3A_250, %dma_wait3A_256] : memref<131072x128xf32, #tpu.memory_space<hbm>> -> memref<64x128xf32, #tpu.memory_space<hbm>>
    %dma_wait3A_258 = arith.constant 0 : i32
    %dma_wait3A_259 = tpu.memref_slice %arg6[%add3A_250, %dma_wait3A_258] : memref<131072x128xf32, #tpu.memory_space<hbm>> -> memref<64x128xf32, #tpu.memory_space<hbm>>
    %dma_wait3A_260 = arith.constant 0 : i32
    %dma_wait3A_261 = arith.constant 0 : i32
    %dma_wait3A_262 = tpu.memref_slice %arg15[%dma_wait3A_251, %dma_wait3A_260, %dma_wait3A_261] : memref<2x64x128xf32, #tpu.memory_space<vmem>> -> memref<1x64x128xf32, #tpu.memory_space<vmem>>
    %dma_wait3A_263 = tpu.memref_squeeze %dma_wait3A_262 : memref<1x64x128xf32, #tpu.memory_space<vmem>> -> memref<64x128xf32, #tpu.memory_space<vmem>>
    tpu.wait_dma2 semaphore(%arg18 : memref<!tpu.dma_semaphore, #tpu.memory_space<semaphore_mem>>) src(%dma_wait3A_263 : memref<64x128xf32, #tpu.memory_space<vmem>>) dst(%dma_wait3A_259 : memref<64x128xf32, #tpu.memory_space<hbm>>)
    %dma_start3A_264 = arith.constant 1 : i32
    %dma_start3A_265 = arith.constant 0 : i32
    %dma_start3A_266 = arith.constant 0 : i32
    %dma_start3A_267 = tpu.memref_slice %arg15[%dma_start3A_264, %dma_start3A_265, %dma_start3A_266] : memref<2x64x128xf32, #tpu.memory_space<vmem>> -> memref<1x64x128xf32, #tpu.memory_space<vmem>>
    %dma_start3A_268 = tpu.memref_squeeze %dma_start3A_267 : memref<1x64x128xf32, #tpu.memory_space<vmem>> -> memref<64x128xf32, #tpu.memory_space<vmem>>
    %dma_start3A_269 = arith.constant 320 : i32
    %dma_start3A_270 = tpu.memref_slice %arg10[%dma_start3A_269] : memref<2048xi32, #tpu.memory_space<vmem>> -> memref<64xi32, #tpu.memory_space<vmem>>
    %dma_start3A_271 = arith.constant 0 : i32
    %dma_start3A_272 = arith.constant 0 : i32
    %dma_start3A_273 = tpu.memref_slice %arg2[%dma_start3A_271, %dma_start3A_272] : memref<1000000x128xf32, #tpu.memory_space<hbm>> -> memref<1000000x128xf32, #tpu.memory_space<hbm>>
    tpu.enqueue_indirect_dma source(%dma_start3A_273 : memref<1000000x128xf32, #tpu.memory_space<hbm>>) target(%dma_start3A_268 : memref<64x128xf32, #tpu.memory_space<vmem>>) offsets(%dma_start3A_270 : memref<64xi32, #tpu.memory_space<vmem>>) semaphore(%arg17 : memref<!tpu.dma_semaphore, #tpu.memory_space<semaphore_mem>>)
    %dma_wait3A_274 = arith.constant 0 : i32
    %dma_wait3A_275 = arith.constant 0 : i32
    %dma_wait3A_276 = arith.constant 0 : i32
    %dma_wait3A_277 = tpu.memref_slice %arg15[%dma_wait3A_274, %dma_wait3A_275, %dma_wait3A_276] : memref<2x64x128xf32, #tpu.memory_space<vmem>> -> memref<1x64x128xf32, #tpu.memory_space<vmem>>
    %dma_wait3A_278 = tpu.memref_squeeze %dma_wait3A_277 : memref<1x64x128xf32, #tpu.memory_space<vmem>> -> memref<64x128xf32, #tpu.memory_space<vmem>>
    %dma_wait3A_279 = arith.constant 256 : i32
    %dma_wait3A_280 = tpu.memref_slice %arg10[%dma_wait3A_279] : memref<2048xi32, #tpu.memory_space<vmem>> -> memref<64xi32, #tpu.memory_space<vmem>>
    %dma_wait3A_281 = arith.constant 0 : i32
    %dma_wait3A_282 = arith.constant 0 : i32
    %dma_wait3A_283 = tpu.memref_slice %arg2[%dma_wait3A_281, %dma_wait3A_282] : memref<1000000x128xf32, #tpu.memory_space<hbm>> -> memref<1000000x128xf32, #tpu.memory_space<hbm>>
    tpu.wait_indirect_dma semaphore(%arg17 : memref<!tpu.dma_semaphore, #tpu.memory_space<semaphore_mem>>) src(%dma_wait3A_283 : memref<1000000x128xf32, #tpu.memory_space<hbm>>) dst(%dma_wait3A_278 : memref<64x128xf32, #tpu.memory_space<vmem>>)
    %add3A_284 = arith.constant 256 : i32
    %add3A_285 = arith.addi %add3A_42, %add3A_284 : i32
    %dma_start3A_286 = arith.constant 0 : i32
    %dma_start3A_287 = arith.constant 0 : i32
    %dma_start3A_288 = arith.constant 0 : i32
    %dma_start3A_289 = tpu.memref_slice %arg15[%dma_start3A_286, %dma_start3A_287, %dma_start3A_288] : memref<2x64x128xf32, #tpu.memory_space<vmem>> -> memref<1x64x128xf32, #tpu.memory_space<vmem>>
    %dma_start3A_290 = tpu.memref_squeeze %dma_start3A_289 : memref<1x64x128xf32, #tpu.memory_space<vmem>> -> memref<64x128xf32, #tpu.memory_space<vmem>>
    %dma_start3A_291 = arith.constant 0 : i32
    %dma_start3A_292 = tpu.memref_slice %arg6[%add3A_285, %dma_start3A_291] : memref<131072x128xf32, #tpu.memory_space<hbm>> -> memref<64x128xf32, #tpu.memory_space<hbm>>
    %dma_start3A_293 = arith.constant 0 : i32
    %dma_start3A_294 = tpu.memref_slice %arg6[%add3A_285, %dma_start3A_293] : memref<131072x128xf32, #tpu.memory_space<hbm>> -> memref<64x128xf32, #tpu.memory_space<hbm>>
    %dma_start3A_295 = arith.constant 0 : i32
    %dma_start3A_296 = arith.constant 0 : i32
    %dma_start3A_297 = tpu.memref_slice %arg15[%dma_start3A_286, %dma_start3A_295, %dma_start3A_296] : memref<2x64x128xf32, #tpu.memory_space<vmem>> -> memref<1x64x128xf32, #tpu.memory_space<vmem>>
    %dma_start3A_298 = tpu.memref_squeeze %dma_start3A_297 : memref<1x64x128xf32, #tpu.memory_space<vmem>> -> memref<64x128xf32, #tpu.memory_space<vmem>>
    tpu.enqueue_dma source(%dma_start3A_298 : memref<64x128xf32, #tpu.memory_space<vmem>>) target(%dma_start3A_294 : memref<64x128xf32, #tpu.memory_space<hbm>>) target_semaphore(%arg18 : memref<!tpu.dma_semaphore, #tpu.memory_space<semaphore_mem>>)
    %add3A_299 = arith.constant 256 : i32
    %add3A_300 = arith.addi %add3A_42, %add3A_299 : i32
    %dma_wait3A_301 = arith.constant 0 : i32
    %dma_wait3A_302 = arith.constant 0 : i32
    %dma_wait3A_303 = arith.constant 0 : i32
    %dma_wait3A_304 = tpu.memref_slice %arg15[%dma_wait3A_301, %dma_wait3A_302, %dma_wait3A_303] : memref<2x64x128xf32, #tpu.memory_space<vmem>> -> memref<1x64x128xf32, #tpu.memory_space<vmem>>
    %dma_wait3A_305 = tpu.memref_squeeze %dma_wait3A_304 : memref<1x64x128xf32, #tpu.memory_space<vmem>> -> memref<64x128xf32, #tpu.memory_space<vmem>>
    %dma_wait3A_306 = arith.constant 0 : i32
    %dma_wait3A_307 = tpu.memref_slice %arg6[%add3A_300, %dma_wait3A_306] : memref<131072x128xf32, #tpu.memory_space<hbm>> -> memref<64x128xf32, #tpu.memory_space<hbm>>
    %dma_wait3A_308 = arith.constant 0 : i32
    %dma_wait3A_309 = tpu.memref_slice %arg6[%add3A_300, %dma_wait3A_308] : memref<131072x128xf32, #tpu.memory_space<hbm>> -> memref<64x128xf32, #tpu.memory_space<hbm>>
    %dma_wait3A_310 = arith.constant 0 : i32
    %dma_wait3A_311 = arith.constant 0 : i32
    %dma_wait3A_312 = tpu.memref_slice %arg15[%dma_wait3A_301, %dma_wait3A_310, %dma_wait3A_311] : memref<2x64x128xf32, #tpu.memory_space<vmem>> -> memref<1x64x128xf32, #tpu.memory_space<vmem>>
    %dma_wait3A_313 = tpu.memref_squeeze %dma_wait3A_312 : memref<1x64x128xf32, #tpu.memory_space<vmem>> -> memref<64x128xf32, #tpu.memory_space<vmem>>
    tpu.wait_dma2 semaphore(%arg18 : memref<!tpu.dma_semaphore, #tpu.memory_space<semaphore_mem>>) src(%dma_wait3A_313 : memref<64x128xf32, #tpu.memory_space<vmem>>) dst(%dma_wait3A_309 : memref<64x128xf32, #tpu.memory_space<hbm>>)
    %dma_start3A_314 = arith.constant 0 : i32
    %dma_start3A_315 = arith.constant 0 : i32
    %dma_start3A_316 = arith.constant 0 : i32
    %dma_start3A_317 = tpu.memref_slice %arg15[%dma_start3A_314, %dma_start3A_315, %dma_start3A_316] : memref<2x64x128xf32, #tpu.memory_space<vmem>> -> memref<1x64x128xf32, #tpu.memory_space<vmem>>
    %dma_start3A_318 = tpu.memref_squeeze %dma_start3A_317 : memref<1x64x128xf32, #tpu.memory_space<vmem>> -> memref<64x128xf32, #tpu.memory_space<vmem>>
    %dma_start3A_319 = arith.constant 384 : i32
    %dma_start3A_320 = tpu.memref_slice %arg10[%dma_start3A_319] : memref<2048xi32, #tpu.memory_space<vmem>> -> memref<64xi32, #tpu.memory_space<vmem>>
    %dma_start3A_321 = arith.constant 0 : i32
    %dma_start3A_322 = arith.constant 0 : i32
    %dma_start3A_323 = tpu.memref_slice %arg2[%dma_start3A_321, %dma_start3A_322] : memref<1000000x128xf32, #tpu.memory_space<hbm>> -> memref<1000000x128xf32, #tpu.memory_space<hbm>>
    tpu.enqueue_indirect_dma source(%dma_start3A_323 : memref<1000000x128xf32, #tpu.memory_space<hbm>>) target(%dma_start3A_318 : memref<64x128xf32, #tpu.memory_space<vmem>>) offsets(%dma_start3A_320 : memref<64xi32, #tpu.memory_space<vmem>>) semaphore(%arg17 : memref<!tpu.dma_semaphore, #tpu.memory_space<semaphore_mem>>)
    %dma_wait3A_324 = arith.constant 1 : i32
    %dma_wait3A_325 = arith.constant 0 : i32
    %dma_wait3A_326 = arith.constant 0 : i32
    %dma_wait3A_327 = tpu.memref_slice %arg15[%dma_wait3A_324, %dma_wait3A_325, %dma_wait3A_326] : memref<2x64x128xf32, #tpu.memory_space<vmem>> -> memref<1x64x128xf32, #tpu.memory_space<vmem>>
    %dma_wait3A_328 = tpu.memref_squeeze %dma_wait3A_327 : memref<1x64x128xf32, #tpu.memory_space<vmem>> -> memref<64x128xf32, #tpu.memory_space<vmem>>
    %dma_wait3A_329 = arith.constant 320 : i32
    %dma_wait3A_330 = tpu.memref_slice %arg10[%dma_wait3A_329] : memref<2048xi32, #tpu.memory_space<vmem>> -> memref<64xi32, #tpu.memory_space<vmem>>
    %dma_wait3A_331 = arith.constant 0 : i32
    %dma_wait3A_332 = arith.constant 0 : i32
    %dma_wait3A_333 = tpu.memref_slice %arg2[%dma_wait3A_331, %dma_wait3A_332] : memref<1000000x128xf32, #tpu.memory_space<hbm>> -> memref<1000000x128xf32, #tpu.memory_space<hbm>>
    tpu.wait_indirect_dma semaphore(%arg17 : memref<!tpu.dma_semaphore, #tpu.memory_space<semaphore_mem>>) src(%dma_wait3A_333 : memref<1000000x128xf32, #tpu.memory_space<hbm>>) dst(%dma_wait3A_328 : memref<64x128xf32, #tpu.memory_space<vmem>>)
    %add3A_334 = arith.constant 320 : i32
    %add3A_335 = arith.addi %add3A_42, %add3A_334 : i32
    %dma_start3A_336 = arith.constant 1 : i32
    %dma_start3A_337 = arith.constant 0 : i32
    %dma_start3A_338 = arith.constant 0 : i32
    %dma_start3A_339 = tpu.memref_slice %arg15[%dma_start3A_336, %dma_start3A_337, %dma_start3A_338] : memref<2x64x128xf32, #tpu.memory_space<vmem>> -> memref<1x64x128xf32, #tpu.memory_space<vmem>>
    %dma_start3A_340 = tpu.memref_squeeze %dma_start3A_339 : memref<1x64x128xf32, #tpu.memory_space<vmem>> -> memref<64x128xf32, #tpu.memory_space<vmem>>
    %dma_start3A_341 = arith.constant 0 : i32
    %dma_start3A_342 = tpu.memref_slice %arg6[%add3A_335, %dma_start3A_341] : memref<131072x128xf32, #tpu.memory_space<hbm>> -> memref<64x128xf32, #tpu.memory_space<hbm>>
    %dma_start3A_343 = arith.constant 0 : i32
    %dma_start3A_344 = tpu.memref_slice %arg6[%add3A_335, %dma_start3A_343] : memref<131072x128xf32, #tpu.memory_space<hbm>> -> memref<64x128xf32, #tpu.memory_space<hbm>>
    %dma_start3A_345 = arith.constant 0 : i32
    %dma_start3A_346 = arith.constant 0 : i32
    %dma_start3A_347 = tpu.memref_slice %arg15[%dma_start3A_336, %dma_start3A_345, %dma_start3A_346] : memref<2x64x128xf32, #tpu.memory_space<vmem>> -> memref<1x64x128xf32, #tpu.memory_space<vmem>>
    %dma_start3A_348 = tpu.memref_squeeze %dma_start3A_347 : memref<1x64x128xf32, #tpu.memory_space<vmem>> -> memref<64x128xf32, #tpu.memory_space<vmem>>
    tpu.enqueue_dma source(%dma_start3A_348 : memref<64x128xf32, #tpu.memory_space<vmem>>) target(%dma_start3A_344 : memref<64x128xf32, #tpu.memory_space<hbm>>) target_semaphore(%arg18 : memref<!tpu.dma_semaphore, #tpu.memory_space<semaphore_mem>>)
    %add3A_349 = arith.constant 320 : i32
    %add3A_350 = arith.addi %add3A_42, %add3A_349 : i32
    %dma_wait3A_351 = arith.constant 1 : i32
    %dma_wait3A_352 = arith.constant 0 : i32
    %dma_wait3A_353 = arith.constant 0 : i32
    %dma_wait3A_354 = tpu.memref_slice %arg15[%dma_wait3A_351, %dma_wait3A_352, %dma_wait3A_353] : memref<2x64x128xf32, #tpu.memory_space<vmem>> -> memref<1x64x128xf32, #tpu.memory_space<vmem>>
    %dma_wait3A_355 = tpu.memref_squeeze %dma_wait3A_354 : memref<1x64x128xf32, #tpu.memory_space<vmem>> -> memref<64x128xf32, #tpu.memory_space<vmem>>
    %dma_wait3A_356 = arith.constant 0 : i32
    %dma_wait3A_357 = tpu.memref_slice %arg6[%add3A_350, %dma_wait3A_356] : memref<131072x128xf32, #tpu.memory_space<hbm>> -> memref<64x128xf32, #tpu.memory_space<hbm>>
    %dma_wait3A_358 = arith.constant 0 : i32
    %dma_wait3A_359 = tpu.memref_slice %arg6[%add3A_350, %dma_wait3A_358] : memref<131072x128xf32, #tpu.memory_space<hbm>> -> memref<64x128xf32, #tpu.memory_space<hbm>>
    %dma_wait3A_360 = arith.constant 0 : i32
    %dma_wait3A_361 = arith.constant 0 : i32
    %dma_wait3A_362 = tpu.memref_slice %arg15[%dma_wait3A_351, %dma_wait3A_360, %dma_wait3A_361] : memref<2x64x128xf32, #tpu.memory_space<vmem>> -> memref<1x64x128xf32, #tpu.memory_space<vmem>>
    %dma_wait3A_363 = tpu.memref_squeeze %dma_wait3A_362 : memref<1x64x128xf32, #tpu.memory_space<vmem>> -> memref<64x128xf32, #tpu.memory_space<vmem>>
    tpu.wait_dma2 semaphore(%arg18 : memref<!tpu.dma_semaphore, #tpu.memory_space<semaphore_mem>>) src(%dma_wait3A_363 : memref<64x128xf32, #tpu.memory_space<vmem>>) dst(%dma_wait3A_359 : memref<64x128xf32, #tpu.memory_space<hbm>>)
    %dma_start3A_364 = arith.constant 1 : i32
    %dma_start3A_365 = arith.constant 0 : i32
    %dma_start3A_366 = arith.constant 0 : i32
    %dma_start3A_367 = tpu.memref_slice %arg15[%dma_start3A_364, %dma_start3A_365, %dma_start3A_366] : memref<2x64x128xf32, #tpu.memory_space<vmem>> -> memref<1x64x128xf32, #tpu.memory_space<vmem>>
    %dma_start3A_368 = tpu.memref_squeeze %dma_start3A_367 : memref<1x64x128xf32, #tpu.memory_space<vmem>> -> memref<64x128xf32, #tpu.memory_space<vmem>>
    %dma_start3A_369 = arith.constant 448 : i32
    %dma_start3A_370 = tpu.memref_slice %arg10[%dma_start3A_369] : memref<2048xi32, #tpu.memory_space<vmem>> -> memref<64xi32, #tpu.memory_space<vmem>>
    %dma_start3A_371 = arith.constant 0 : i32
    %dma_start3A_372 = arith.constant 0 : i32
    %dma_start3A_373 = tpu.memref_slice %arg2[%dma_start3A_371, %dma_start3A_372] : memref<1000000x128xf32, #tpu.memory_space<hbm>> -> memref<1000000x128xf32, #tpu.memory_space<hbm>>
    tpu.enqueue_indirect_dma source(%dma_start3A_373 : memref<1000000x128xf32, #tpu.memory_space<hbm>>) target(%dma_start3A_368 : memref<64x128xf32, #tpu.memory_space<vmem>>) offsets(%dma_start3A_370 : memref<64xi32, #tpu.memory_space<vmem>>) semaphore(%arg17 : memref<!tpu.dma_semaphore, #tpu.memory_space<semaphore_mem>>)
    %dma_wait3A_374 = arith.constant 0 : i32
    %dma_wait3A_375 = arith.constant 0 : i32
    %dma_wait3A_376 = arith.constant 0 : i32
    %dma_wait3A_377 = tpu.memref_slice %arg15[%dma_wait3A_374, %dma_wait3A_375, %dma_wait3A_376] : memref<2x64x128xf32, #tpu.memory_space<vmem>> -> memref<1x64x128xf32, #tpu.memory_space<vmem>>
    %dma_wait3A_378 = tpu.memref_squeeze %dma_wait3A_377 : memref<1x64x128xf32, #tpu.memory_space<vmem>> -> memref<64x128xf32, #tpu.memory_space<vmem>>
    %dma_wait3A_379 = arith.constant 384 : i32
    %dma_wait3A_380 = tpu.memref_slice %arg10[%dma_wait3A_379] : memref<2048xi32, #tpu.memory_space<vmem>> -> memref<64xi32, #tpu.memory_space<vmem>>
    %dma_wait3A_381 = arith.constant 0 : i32
    %dma_wait3A_382 = arith.constant 0 : i32
    %dma_wait3A_383 = tpu.memref_slice %arg2[%dma_wait3A_381, %dma_wait3A_382] : memref<1000000x128xf32, #tpu.memory_space<hbm>> -> memref<1000000x128xf32, #tpu.memory_space<hbm>>
    tpu.wait_indirect_dma semaphore(%arg17 : memref<!tpu.dma_semaphore, #tpu.memory_space<semaphore_mem>>) src(%dma_wait3A_383 : memref<1000000x128xf32, #tpu.memory_space<hbm>>) dst(%dma_wait3A_378 : memref<64x128xf32, #tpu.memory_space<vmem>>)
    %add3A_384 = arith.constant 384 : i32
    %add3A_385 = arith.addi %add3A_42, %add3A_384 : i32
    %dma_start3A_386 = arith.constant 0 : i32
    %dma_start3A_387 = arith.constant 0 : i32
    %dma_start3A_388 = arith.constant 0 : i32
    %dma_start3A_389 = tpu.memref_slice %arg15[%dma_start3A_386, %dma_start3A_387, %dma_start3A_388] : memref<2x64x128xf32, #tpu.memory_space<vmem>> -> memref<1x64x128xf32, #tpu.memory_space<vmem>>
    %dma_start3A_390 = tpu.memref_squeeze %dma_start3A_389 : memref<1x64x128xf32, #tpu.memory_space<vmem>> -> memref<64x128xf32, #tpu.memory_space<vmem>>
    %dma_start3A_391 = arith.constant 0 : i32
    %dma_start3A_392 = tpu.memref_slice %arg6[%add3A_385, %dma_start3A_391] : memref<131072x128xf32, #tpu.memory_space<hbm>> -> memref<64x128xf32, #tpu.memory_space<hbm>>
    %dma_start3A_393 = arith.constant 0 : i32
    %dma_start3A_394 = tpu.memref_slice %arg6[%add3A_385, %dma_start3A_393] : memref<131072x128xf32, #tpu.memory_space<hbm>> -> memref<64x128xf32, #tpu.memory_space<hbm>>
    %dma_start3A_395 = arith.constant 0 : i32
    %dma_start3A_396 = arith.constant 0 : i32
    %dma_start3A_397 = tpu.memref_slice %arg15[%dma_start3A_386, %dma_start3A_395, %dma_start3A_396] : memref<2x64x128xf32, #tpu.memory_space<vmem>> -> memref<1x64x128xf32, #tpu.memory_space<vmem>>
    %dma_start3A_398 = tpu.memref_squeeze %dma_start3A_397 : memref<1x64x128xf32, #tpu.memory_space<vmem>> -> memref<64x128xf32, #tpu.memory_space<vmem>>
    tpu.enqueue_dma source(%dma_start3A_398 : memref<64x128xf32, #tpu.memory_space<vmem>>) target(%dma_start3A_394 : memref<64x128xf32, #tpu.memory_space<hbm>>) target_semaphore(%arg18 : memref<!tpu.dma_semaphore, #tpu.memory_space<semaphore_mem>>)
    %add3A_399 = arith.constant 384 : i32
    %add3A_400 = arith.addi %add3A_42, %add3A_399 : i32
    %dma_wait3A_401 = arith.constant 0 : i32
    %dma_wait3A_402 = arith.constant 0 : i32
    %dma_wait3A_403 = arith.constant 0 : i32
    %dma_wait3A_404 = tpu.memref_slice %arg15[%dma_wait3A_401, %dma_wait3A_402, %dma_wait3A_403] : memref<2x64x128xf32, #tpu.memory_space<vmem>> -> memref<1x64x128xf32, #tpu.memory_space<vmem>>
    %dma_wait3A_405 = tpu.memref_squeeze %dma_wait3A_404 : memref<1x64x128xf32, #tpu.memory_space<vmem>> -> memref<64x128xf32, #tpu.memory_space<vmem>>
    %dma_wait3A_406 = arith.constant 0 : i32
    %dma_wait3A_407 = tpu.memref_slice %arg6[%add3A_400, %dma_wait3A_406] : memref<131072x128xf32, #tpu.memory_space<hbm>> -> memref<64x128xf32, #tpu.memory_space<hbm>>
    %dma_wait3A_408 = arith.constant 0 : i32
    %dma_wait3A_409 = tpu.memref_slice %arg6[%add3A_400, %dma_wait3A_408] : memref<131072x128xf32, #tpu.memory_space<hbm>> -> memref<64x128xf32, #tpu.memory_space<hbm>>
    %dma_wait3A_410 = arith.constant 0 : i32
    %dma_wait3A_411 = arith.constant 0 : i32
    %dma_wait3A_412 = tpu.memref_slice %arg15[%dma_wait3A_401, %dma_wait3A_410, %dma_wait3A_411] : memref<2x64x128xf32, #tpu.memory_space<vmem>> -> memref<1x64x128xf32, #tpu.memory_space<vmem>>
    %dma_wait3A_413 = tpu.memref_squeeze %dma_wait3A_412 : memref<1x64x128xf32, #tpu.memory_space<vmem>> -> memref<64x128xf32, #tpu.memory_space<vmem>>
    tpu.wait_dma2 semaphore(%arg18 : memref<!tpu.dma_semaphore, #tpu.memory_space<semaphore_mem>>) src(%dma_wait3A_413 : memref<64x128xf32, #tpu.memory_space<vmem>>) dst(%dma_wait3A_409 : memref<64x128xf32, #tpu.memory_space<hbm>>)
    %dma_start3A_414 = arith.constant 0 : i32
    %dma_start3A_415 = arith.constant 0 : i32
    %dma_start3A_416 = arith.constant 0 : i32
    %dma_start3A_417 = tpu.memref_slice %arg15[%dma_start3A_414, %dma_start3A_415, %dma_start3A_416] : memref<2x64x128xf32, #tpu.memory_space<vmem>> -> memref<1x64x128xf32, #tpu.memory_space<vmem>>
    %dma_start3A_418 = tpu.memref_squeeze %dma_start3A_417 : memref<1x64x128xf32, #tpu.memory_space<vmem>> -> memref<64x128xf32, #tpu.memory_space<vmem>>
    %dma_start3A_419 = arith.constant 512 : i32
    %dma_start3A_420 = tpu.memref_slice %arg10[%dma_start3A_419] : memref<2048xi32, #tpu.memory_space<vmem>> -> memref<64xi32, #tpu.memory_space<vmem>>
    %dma_start3A_421 = arith.constant 0 : i32
    %dma_start3A_422 = arith.constant 0 : i32
    %dma_start3A_423 = tpu.memref_slice %arg2[%dma_start3A_421, %dma_start3A_422] : memref<1000000x128xf32, #tpu.memory_space<hbm>> -> memref<1000000x128xf32, #tpu.memory_space<hbm>>
    tpu.enqueue_indirect_dma source(%dma_start3A_423 : memref<1000000x128xf32, #tpu.memory_space<hbm>>) target(%dma_start3A_418 : memref<64x128xf32, #tpu.memory_space<vmem>>) offsets(%dma_start3A_420 : memref<64xi32, #tpu.memory_space<vmem>>) semaphore(%arg17 : memref<!tpu.dma_semaphore, #tpu.memory_space<semaphore_mem>>)
    %dma_wait3A_424 = arith.constant 1 : i32
    %dma_wait3A_425 = arith.constant 0 : i32
    %dma_wait3A_426 = arith.constant 0 : i32
    %dma_wait3A_427 = tpu.memref_slice %arg15[%dma_wait3A_424, %dma_wait3A_425, %dma_wait3A_426] : memref<2x64x128xf32, #tpu.memory_space<vmem>> -> memref<1x64x128xf32, #tpu.memory_space<vmem>>
    %dma_wait3A_428 = tpu.memref_squeeze %dma_wait3A_427 : memref<1x64x128xf32, #tpu.memory_space<vmem>> -> memref<64x128xf32, #tpu.memory_space<vmem>>
    %dma_wait3A_429 = arith.constant 448 : i32
    %dma_wait3A_430 = tpu.memref_slice %arg10[%dma_wait3A_429] : memref<2048xi32, #tpu.memory_space<vmem>> -> memref<64xi32, #tpu.memory_space<vmem>>
    %dma_wait3A_431 = arith.constant 0 : i32
    %dma_wait3A_432 = arith.constant 0 : i32
    %dma_wait3A_433 = tpu.memref_slice %arg2[%dma_wait3A_431, %dma_wait3A_432] : memref<1000000x128xf32, #tpu.memory_space<hbm>> -> memref<1000000x128xf32, #tpu.memory_space<hbm>>
    tpu.wait_indirect_dma semaphore(%arg17 : memref<!tpu.dma_semaphore, #tpu.memory_space<semaphore_mem>>) src(%dma_wait3A_433 : memref<1000000x128xf32, #tpu.memory_space<hbm>>) dst(%dma_wait3A_428 : memref<64x128xf32, #tpu.memory_space<vmem>>)
    %add3A_434 = arith.constant 448 : i32
    %add3A_435 = arith.addi %add3A_42, %add3A_434 : i32
    %dma_start3A_436 = arith.constant 1 : i32
    %dma_start3A_437 = arith.constant 0 : i32
    %dma_start3A_438 = arith.constant 0 : i32
    %dma_start3A_439 = tpu.memref_slice %arg15[%dma_start3A_436, %dma_start3A_437, %dma_start3A_438] : memref<2x64x128xf32, #tpu.memory_space<vmem>> -> memref<1x64x128xf32, #tpu.memory_space<vmem>>
    %dma_start3A_440 = tpu.memref_squeeze %dma_start3A_439 : memref<1x64x128xf32, #tpu.memory_space<vmem>> -> memref<64x128xf32, #tpu.memory_space<vmem>>
    %dma_start3A_441 = arith.constant 0 : i32
    %dma_start3A_442 = tpu.memref_slice %arg6[%add3A_435, %dma_start3A_441] : memref<131072x128xf32, #tpu.memory_space<hbm>> -> memref<64x128xf32, #tpu.memory_space<hbm>>
    %dma_start3A_443 = arith.constant 0 : i32
    %dma_start3A_444 = tpu.memref_slice %arg6[%add3A_435, %dma_start3A_443] : memref<131072x128xf32, #tpu.memory_space<hbm>> -> memref<64x128xf32, #tpu.memory_space<hbm>>
    %dma_start3A_445 = arith.constant 0 : i32
    %dma_start3A_446 = arith.constant 0 : i32
    %dma_start3A_447 = tpu.memref_slice %arg15[%dma_start3A_436, %dma_start3A_445, %dma_start3A_446] : memref<2x64x128xf32, #tpu.memory_space<vmem>> -> memref<1x64x128xf32, #tpu.memory_space<vmem>>
    %dma_start3A_448 = tpu.memref_squeeze %dma_start3A_447 : memref<1x64x128xf32, #tpu.memory_space<vmem>> -> memref<64x128xf32, #tpu.memory_space<vmem>>
    tpu.enqueue_dma source(%dma_start3A_448 : memref<64x128xf32, #tpu.memory_space<vmem>>) target(%dma_start3A_444 : memref<64x128xf32, #tpu.memory_space<hbm>>) target_semaphore(%arg18 : memref<!tpu.dma_semaphore, #tpu.memory_space<semaphore_mem>>)
    %add3A_449 = arith.constant 448 : i32
    %add3A_450 = arith.addi %add3A_42, %add3A_449 : i32
    %dma_wait3A_451 = arith.constant 1 : i32
    %dma_wait3A_452 = arith.constant 0 : i32
    %dma_wait3A_453 = arith.constant 0 : i32
    %dma_wait3A_454 = tpu.memref_slice %arg15[%dma_wait3A_451, %dma_wait3A_452, %dma_wait3A_453] : memref<2x64x128xf32, #tpu.memory_space<vmem>> -> memref<1x64x128xf32, #tpu.memory_space<vmem>>
    %dma_wait3A_455 = tpu.memref_squeeze %dma_wait3A_454 : memref<1x64x128xf32, #tpu.memory_space<vmem>> -> memref<64x128xf32, #tpu.memory_space<vmem>>
    %dma_wait3A_456 = arith.constant 0 : i32
    %dma_wait3A_457 = tpu.memref_slice %arg6[%add3A_450, %dma_wait3A_456] : memref<131072x128xf32, #tpu.memory_space<hbm>> -> memref<64x128xf32, #tpu.memory_space<hbm>>
    %dma_wait3A_458 = arith.constant 0 : i32
    %dma_wait3A_459 = tpu.memref_slice %arg6[%add3A_450, %dma_wait3A_458] : memref<131072x128xf32, #tpu.memory_space<hbm>> -> memref<64x128xf32, #tpu.memory_space<hbm>>
    %dma_wait3A_460 = arith.constant 0 : i32
    %dma_wait3A_461 = arith.constant 0 : i32
    %dma_wait3A_462 = tpu.memref_slice %arg15[%dma_wait3A_451, %dma_wait3A_460, %dma_wait3A_461] : memref<2x64x128xf32, #tpu.memory_space<vmem>> -> memref<1x64x128xf32, #tpu.memory_space<vmem>>
    %dma_wait3A_463 = tpu.memref_squeeze %dma_wait3A_462 : memref<1x64x128xf32, #tpu.memory_space<vmem>> -> memref<64x128xf32, #tpu.memory_space<vmem>>
    tpu.wait_dma2 semaphore(%arg18 : memref<!tpu.dma_semaphore, #tpu.memory_space<semaphore_mem>>) src(%dma_wait3A_463 : memref<64x128xf32, #tpu.memory_space<vmem>>) dst(%dma_wait3A_459 : memref<64x128xf32, #tpu.memory_space<hbm>>)
    %dma_start3A_464 = arith.constant 1 : i32
    %dma_start3A_465 = arith.constant 0 : i32
    %dma_start3A_466 = arith.constant 0 : i32
    %dma_start3A_467 = tpu.memref_slice %arg15[%dma_start3A_464, %dma_start3A_465, %dma_start3A_466] : memref<2x64x128xf32, #tpu.memory_space<vmem>> -> memref<1x64x128xf32, #tpu.memory_space<vmem>>
    %dma_start3A_468 = tpu.memref_squeeze %dma_start3A_467 : memref<1x64x128xf32, #tpu.memory_space<vmem>> -> memref<64x128xf32, #tpu.memory_space<vmem>>
    %dma_start3A_469 = arith.constant 576 : i32
    %dma_start3A_470 = tpu.memref_slice %arg10[%dma_start3A_469] : memref<2048xi32, #tpu.memory_space<vmem>> -> memref<64xi32, #tpu.memory_space<vmem>>
    %dma_start3A_471 = arith.constant 0 : i32
    %dma_start3A_472 = arith.constant 0 : i32
    %dma_start3A_473 = tpu.memref_slice %arg2[%dma_start3A_471, %dma_start3A_472] : memref<1000000x128xf32, #tpu.memory_space<hbm>> -> memref<1000000x128xf32, #tpu.memory_space<hbm>>
    tpu.enqueue_indirect_dma source(%dma_start3A_473 : memref<1000000x128xf32, #tpu.memory_space<hbm>>) target(%dma_start3A_468 : memref<64x128xf32, #tpu.memory_space<vmem>>) offsets(%dma_start3A_470 : memref<64xi32, #tpu.memory_space<vmem>>) semaphore(%arg17 : memref<!tpu.dma_semaphore, #tpu.memory_space<semaphore_mem>>)
    %dma_wait3A_474 = arith.constant 0 : i32
    %dma_wait3A_475 = arith.constant 0 : i32
    %dma_wait3A_476 = arith.constant 0 : i32
    %dma_wait3A_477 = tpu.memref_slice %arg15[%dma_wait3A_474, %dma_wait3A_475, %dma_wait3A_476] : memref<2x64x128xf32, #tpu.memory_space<vmem>> -> memref<1x64x128xf32, #tpu.memory_space<vmem>>
    %dma_wait3A_478 = tpu.memref_squeeze %dma_wait3A_477 : memref<1x64x128xf32, #tpu.memory_space<vmem>> -> memref<64x128xf32, #tpu.memory_space<vmem>>
    %dma_wait3A_479 = arith.constant 512 : i32
    %dma_wait3A_480 = tpu.memref_slice %arg10[%dma_wait3A_479] : memref<2048xi32, #tpu.memory_space<vmem>> -> memref<64xi32, #tpu.memory_space<vmem>>
    %dma_wait3A_481 = arith.constant 0 : i32
    %dma_wait3A_482 = arith.constant 0 : i32
    %dma_wait3A_483 = tpu.memref_slice %arg2[%dma_wait3A_481, %dma_wait3A_482] : memref<1000000x128xf32, #tpu.memory_space<hbm>> -> memref<1000000x128xf32, #tpu.memory_space<hbm>>
    tpu.wait_indirect_dma semaphore(%arg17 : memref<!tpu.dma_semaphore, #tpu.memory_space<semaphore_mem>>) src(%dma_wait3A_483 : memref<1000000x128xf32, #tpu.memory_space<hbm>>) dst(%dma_wait3A_478 : memref<64x128xf32, #tpu.memory_space<vmem>>)
    %add3A_484 = arith.constant 512 : i32
    %add3A_485 = arith.addi %add3A_42, %add3A_484 : i32
    %dma_start3A_486 = arith.constant 0 : i32
    %dma_start3A_487 = arith.constant 0 : i32
    %dma_start3A_488 = arith.constant 0 : i32
    %dma_start3A_489 = tpu.memref_slice %arg15[%dma_start3A_486, %dma_start3A_487, %dma_start3A_488] : memref<2x64x128xf32, #tpu.memory_space<vmem>> -> memref<1x64x128xf32, #tpu.memory_space<vmem>>
    %dma_start3A_490 = tpu.memref_squeeze %dma_start3A_489 : memref<1x64x128xf32, #tpu.memory_space<vmem>> -> memref<64x128xf32, #tpu.memory_space<vmem>>
    %dma_start3A_491 = arith.constant 0 : i32
    %dma_start3A_492 = tpu.memref_slice %arg6[%add3A_485, %dma_start3A_491] : memref<131072x128xf32, #tpu.memory_space<hbm>> -> memref<64x128xf32, #tpu.memory_space<hbm>>
    %dma_start3A_493 = arith.constant 0 : i32
    %dma_start3A_494 = tpu.memref_slice %arg6[%add3A_485, %dma_start3A_493] : memref<131072x128xf32, #tpu.memory_space<hbm>> -> memref<64x128xf32, #tpu.memory_space<hbm>>
    %dma_start3A_495 = arith.constant 0 : i32
    %dma_start3A_496 = arith.constant 0 : i32
    %dma_start3A_497 = tpu.memref_slice %arg15[%dma_start3A_486, %dma_start3A_495, %dma_start3A_496] : memref<2x64x128xf32, #tpu.memory_space<vmem>> -> memref<1x64x128xf32, #tpu.memory_space<vmem>>
    %dma_start3A_498 = tpu.memref_squeeze %dma_start3A_497 : memref<1x64x128xf32, #tpu.memory_space<vmem>> -> memref<64x128xf32, #tpu.memory_space<vmem>>
    tpu.enqueue_dma source(%dma_start3A_498 : memref<64x128xf32, #tpu.memory_space<vmem>>) target(%dma_start3A_494 : memref<64x128xf32, #tpu.memory_space<hbm>>) target_semaphore(%arg18 : memref<!tpu.dma_semaphore, #tpu.memory_space<semaphore_mem>>)
    %add3A_499 = arith.constant 512 : i32
    %add3A_500 = arith.addi %add3A_42, %add3A_499 : i32
    %dma_wait3A_501 = arith.constant 0 : i32
    %dma_wait3A_502 = arith.constant 0 : i32
    %dma_wait3A_503 = arith.constant 0 : i32
    %dma_wait3A_504 = tpu.memref_slice %arg15[%dma_wait3A_501, %dma_wait3A_502, %dma_wait3A_503] : memref<2x64x128xf32, #tpu.memory_space<vmem>> -> memref<1x64x128xf32, #tpu.memory_space<vmem>>
    %dma_wait3A_505 = tpu.memref_squeeze %dma_wait3A_504 : memref<1x64x128xf32, #tpu.memory_space<vmem>> -> memref<64x128xf32, #tpu.memory_space<vmem>>
    %dma_wait3A_506 = arith.constant 0 : i32
    %dma_wait3A_507 = tpu.memref_slice %arg6[%add3A_500, %dma_wait3A_506] : memref<131072x128xf32, #tpu.memory_space<hbm>> -> memref<64x128xf32, #tpu.memory_space<hbm>>
    %dma_wait3A_508 = arith.constant 0 : i32
    %dma_wait3A_509 = tpu.memref_slice %arg6[%add3A_500, %dma_wait3A_508] : memref<131072x128xf32, #tpu.memory_space<hbm>> -> memref<64x128xf32, #tpu.memory_space<hbm>>
    %dma_wait3A_510 = arith.constant 0 : i32
    %dma_wait3A_511 = arith.constant 0 : i32
    %dma_wait3A_512 = tpu.memref_slice %arg15[%dma_wait3A_501, %dma_wait3A_510, %dma_wait3A_511] : memref<2x64x128xf32, #tpu.memory_space<vmem>> -> memref<1x64x128xf32, #tpu.memory_space<vmem>>
    %dma_wait3A_513 = tpu.memref_squeeze %dma_wait3A_512 : memref<1x64x128xf32, #tpu.memory_space<vmem>> -> memref<64x128xf32, #tpu.memory_space<vmem>>
    tpu.wait_dma2 semaphore(%arg18 : memref<!tpu.dma_semaphore, #tpu.memory_space<semaphore_mem>>) src(%dma_wait3A_513 : memref<64x128xf32, #tpu.memory_space<vmem>>) dst(%dma_wait3A_509 : memref<64x128xf32, #tpu.memory_space<hbm>>)
    %dma_start3A_514 = arith.constant 0 : i32
    %dma_start3A_515 = arith.constant 0 : i32
    %dma_start3A_516 = arith.constant 0 : i32
    %dma_start3A_517 = tpu.memref_slice %arg15[%dma_start3A_514, %dma_start3A_515, %dma_start3A_516] : memref<2x64x128xf32, #tpu.memory_space<vmem>> -> memref<1x64x128xf32, #tpu.memory_space<vmem>>
    %dma_start3A_518 = tpu.memref_squeeze %dma_start3A_517 : memref<1x64x128xf32, #tpu.memory_space<vmem>> -> memref<64x128xf32, #tpu.memory_space<vmem>>
    %dma_start3A_519 = arith.constant 640 : i32
    %dma_start3A_520 = tpu.memref_slice %arg10[%dma_start3A_519] : memref<2048xi32, #tpu.memory_space<vmem>> -> memref<64xi32, #tpu.memory_space<vmem>>
    %dma_start3A_521 = arith.constant 0 : i32
    %dma_start3A_522 = arith.constant 0 : i32
    %dma_start3A_523 = tpu.memref_slice %arg2[%dma_start3A_521, %dma_start3A_522] : memref<1000000x128xf32, #tpu.memory_space<hbm>> -> memref<1000000x128xf32, #tpu.memory_space<hbm>>
    tpu.enqueue_indirect_dma source(%dma_start3A_523 : memref<1000000x128xf32, #tpu.memory_space<hbm>>) target(%dma_start3A_518 : memref<64x128xf32, #tpu.memory_space<vmem>>) offsets(%dma_start3A_520 : memref<64xi32, #tpu.memory_space<vmem>>) semaphore(%arg17 : memref<!tpu.dma_semaphore, #tpu.memory_space<semaphore_mem>>)
    %dma_wait3A_524 = arith.constant 1 : i32
    %dma_wait3A_525 = arith.constant 0 : i32
    %dma_wait3A_526 = arith.constant 0 : i32
    %dma_wait3A_527 = tpu.memref_slice %arg15[%dma_wait3A_524, %dma_wait3A_525, %dma_wait3A_526] : memref<2x64x128xf32, #tpu.memory_space<vmem>> -> memref<1x64x128xf32, #tpu.memory_space<vmem>>
    %dma_wait3A_528 = tpu.memref_squeeze %dma_wait3A_527 : memref<1x64x128xf32, #tpu.memory_space<vmem>> -> memref<64x128xf32, #tpu.memory_space<vmem>>
    %dma_wait3A_529 = arith.constant 576 : i32
    %dma_wait3A_530 = tpu.memref_slice %arg10[%dma_wait3A_529] : memref<2048xi32, #tpu.memory_space<vmem>> -> memref<64xi32, #tpu.memory_space<vmem>>
    %dma_wait3A_531 = arith.constant 0 : i32
    %dma_wait3A_532 = arith.constant 0 : i32
    %dma_wait3A_533 = tpu.memref_slice %arg2[%dma_wait3A_531, %dma_wait3A_532] : memref<1000000x128xf32, #tpu.memory_space<hbm>> -> memref<1000000x128xf32, #tpu.memory_space<hbm>>
    tpu.wait_indirect_dma semaphore(%arg17 : memref<!tpu.dma_semaphore, #tpu.memory_space<semaphore_mem>>) src(%dma_wait3A_533 : memref<1000000x128xf32, #tpu.memory_space<hbm>>) dst(%dma_wait3A_528 : memref<64x128xf32, #tpu.memory_space<vmem>>)
    %add3A_534 = arith.constant 576 : i32
    %add3A_535 = arith.addi %add3A_42, %add3A_534 : i32
    %dma_start3A_536 = arith.constant 1 : i32
    %dma_start3A_537 = arith.constant 0 : i32
    %dma_start3A_538 = arith.constant 0 : i32
    %dma_start3A_539 = tpu.memref_slice %arg15[%dma_start3A_536, %dma_start3A_537, %dma_start3A_538] : memref<2x64x128xf32, #tpu.memory_space<vmem>> -> memref<1x64x128xf32, #tpu.memory_space<vmem>>
    %dma_start3A_540 = tpu.memref_squeeze %dma_start3A_539 : memref<1x64x128xf32, #tpu.memory_space<vmem>> -> memref<64x128xf32, #tpu.memory_space<vmem>>
    %dma_start3A_541 = arith.constant 0 : i32
    %dma_start3A_542 = tpu.memref_slice %arg6[%add3A_535, %dma_start3A_541] : memref<131072x128xf32, #tpu.memory_space<hbm>> -> memref<64x128xf32, #tpu.memory_space<hbm>>
    %dma_start3A_543 = arith.constant 0 : i32
    %dma_start3A_544 = tpu.memref_slice %arg6[%add3A_535, %dma_start3A_543] : memref<131072x128xf32, #tpu.memory_space<hbm>> -> memref<64x128xf32, #tpu.memory_space<hbm>>
    %dma_start3A_545 = arith.constant 0 : i32
    %dma_start3A_546 = arith.constant 0 : i32
    %dma_start3A_547 = tpu.memref_slice %arg15[%dma_start3A_536, %dma_start3A_545, %dma_start3A_546] : memref<2x64x128xf32, #tpu.memory_space<vmem>> -> memref<1x64x128xf32, #tpu.memory_space<vmem>>
    %dma_start3A_548 = tpu.memref_squeeze %dma_start3A_547 : memref<1x64x128xf32, #tpu.memory_space<vmem>> -> memref<64x128xf32, #tpu.memory_space<vmem>>
    tpu.enqueue_dma source(%dma_start3A_548 : memref<64x128xf32, #tpu.memory_space<vmem>>) target(%dma_start3A_544 : memref<64x128xf32, #tpu.memory_space<hbm>>) target_semaphore(%arg18 : memref<!tpu.dma_semaphore, #tpu.memory_space<semaphore_mem>>)
    %add3A_549 = arith.constant 576 : i32
    %add3A_550 = arith.addi %add3A_42, %add3A_549 : i32
    %dma_wait3A_551 = arith.constant 1 : i32
    %dma_wait3A_552 = arith.constant 0 : i32
    %dma_wait3A_553 = arith.constant 0 : i32
    %dma_wait3A_554 = tpu.memref_slice %arg15[%dma_wait3A_551, %dma_wait3A_552, %dma_wait3A_553] : memref<2x64x128xf32, #tpu.memory_space<vmem>> -> memref<1x64x128xf32, #tpu.memory_space<vmem>>
    %dma_wait3A_555 = tpu.memref_squeeze %dma_wait3A_554 : memref<1x64x128xf32, #tpu.memory_space<vmem>> -> memref<64x128xf32, #tpu.memory_space<vmem>>
    %dma_wait3A_556 = arith.constant 0 : i32
    %dma_wait3A_557 = tpu.memref_slice %arg6[%add3A_550, %dma_wait3A_556] : memref<131072x128xf32, #tpu.memory_space<hbm>> -> memref<64x128xf32, #tpu.memory_space<hbm>>
    %dma_wait3A_558 = arith.constant 0 : i32
    %dma_wait3A_559 = tpu.memref_slice %arg6[%add3A_550, %dma_wait3A_558] : memref<131072x128xf32, #tpu.memory_space<hbm>> -> memref<64x128xf32, #tpu.memory_space<hbm>>
    %dma_wait3A_560 = arith.constant 0 : i32
    %dma_wait3A_561 = arith.constant 0 : i32
    %dma_wait3A_562 = tpu.memref_slice %arg15[%dma_wait3A_551, %dma_wait3A_560, %dma_wait3A_561] : memref<2x64x128xf32, #tpu.memory_space<vmem>> -> memref<1x64x128xf32, #tpu.memory_space<vmem>>
    %dma_wait3A_563 = tpu.memref_squeeze %dma_wait3A_562 : memref<1x64x128xf32, #tpu.memory_space<vmem>> -> memref<64x128xf32, #tpu.memory_space<vmem>>
    tpu.wait_dma2 semaphore(%arg18 : memref<!tpu.dma_semaphore, #tpu.memory_space<semaphore_mem>>) src(%dma_wait3A_563 : memref<64x128xf32, #tpu.memory_space<vmem>>) dst(%dma_wait3A_559 : memref<64x128xf32, #tpu.memory_space<hbm>>)
    %dma_start3A_564 = arith.constant 1 : i32
    %dma_start3A_565 = arith.constant 0 : i32
    %dma_start3A_566 = arith.constant 0 : i32
    %dma_start3A_567 = tpu.memref_slice %arg15[%dma_start3A_564, %dma_start3A_565, %dma_start3A_566] : memref<2x64x128xf32, #tpu.memory_space<vmem>> -> memref<1x64x128xf32, #tpu.memory_space<vmem>>
    %dma_start3A_568 = tpu.memref_squeeze %dma_start3A_567 : memref<1x64x128xf32, #tpu.memory_space<vmem>> -> memref<64x128xf32, #tpu.memory_space<vmem>>
    %dma_start3A_569 = arith.constant 704 : i32
    %dma_start3A_570 = tpu.memref_slice %arg10[%dma_start3A_569] : memref<2048xi32, #tpu.memory_space<vmem>> -> memref<64xi32, #tpu.memory_space<vmem>>
    %dma_start3A_571 = arith.constant 0 : i32
    %dma_start3A_572 = arith.constant 0 : i32
    %dma_start3A_573 = tpu.memref_slice %arg2[%dma_start3A_571, %dma_start3A_572] : memref<1000000x128xf32, #tpu.memory_space<hbm>> -> memref<1000000x128xf32, #tpu.memory_space<hbm>>
    tpu.enqueue_indirect_dma source(%dma_start3A_573 : memref<1000000x128xf32, #tpu.memory_space<hbm>>) target(%dma_start3A_568 : memref<64x128xf32, #tpu.memory_space<vmem>>) offsets(%dma_start3A_570 : memref<64xi32, #tpu.memory_space<vmem>>) semaphore(%arg17 : memref<!tpu.dma_semaphore, #tpu.memory_space<semaphore_mem>>)
    %dma_wait3A_574 = arith.constant 0 : i32
    %dma_wait3A_575 = arith.constant 0 : i32
    %dma_wait3A_576 = arith.constant 0 : i32
    %dma_wait3A_577 = tpu.memref_slice %arg15[%dma_wait3A_574, %dma_wait3A_575, %dma_wait3A_576] : memref<2x64x128xf32, #tpu.memory_space<vmem>> -> memref<1x64x128xf32, #tpu.memory_space<vmem>>
    %dma_wait3A_578 = tpu.memref_squeeze %dma_wait3A_577 : memref<1x64x128xf32, #tpu.memory_space<vmem>> -> memref<64x128xf32, #tpu.memory_space<vmem>>
    %dma_wait3A_579 = arith.constant 640 : i32
    %dma_wait3A_580 = tpu.memref_slice %arg10[%dma_wait3A_579] : memref<2048xi32, #tpu.memory_space<vmem>> -> memref<64xi32, #tpu.memory_space<vmem>>
    %dma_wait3A_581 = arith.constant 0 : i32
    %dma_wait3A_582 = arith.constant 0 : i32
    %dma_wait3A_583 = tpu.memref_slice %arg2[%dma_wait3A_581, %dma_wait3A_582] : memref<1000000x128xf32, #tpu.memory_space<hbm>> -> memref<1000000x128xf32, #tpu.memory_space<hbm>>
    tpu.wait_indirect_dma semaphore(%arg17 : memref<!tpu.dma_semaphore, #tpu.memory_space<semaphore_mem>>) src(%dma_wait3A_583 : memref<1000000x128xf32, #tpu.memory_space<hbm>>) dst(%dma_wait3A_578 : memref<64x128xf32, #tpu.memory_space<vmem>>)
    %add3A_584 = arith.constant 640 : i32
    %add3A_585 = arith.addi %add3A_42, %add3A_584 : i32
    %dma_start3A_586 = arith.constant 0 : i32
    %dma_start3A_587 = arith.constant 0 : i32
    %dma_start3A_588 = arith.constant 0 : i32
    %dma_start3A_589 = tpu.memref_slice %arg15[%dma_start3A_586, %dma_start3A_587, %dma_start3A_588] : memref<2x64x128xf32, #tpu.memory_space<vmem>> -> memref<1x64x128xf32, #tpu.memory_space<vmem>>
    %dma_start3A_590 = tpu.memref_squeeze %dma_start3A_589 : memref<1x64x128xf32, #tpu.memory_space<vmem>> -> memref<64x128xf32, #tpu.memory_space<vmem>>
    %dma_start3A_591 = arith.constant 0 : i32
    %dma_start3A_592 = tpu.memref_slice %arg6[%add3A_585, %dma_start3A_591] : memref<131072x128xf32, #tpu.memory_space<hbm>> -> memref<64x128xf32, #tpu.memory_space<hbm>>
    %dma_start3A_593 = arith.constant 0 : i32
    %dma_start3A_594 = tpu.memref_slice %arg6[%add3A_585, %dma_start3A_593] : memref<131072x128xf32, #tpu.memory_space<hbm>> -> memref<64x128xf32, #tpu.memory_space<hbm>>
    %dma_start3A_595 = arith.constant 0 : i32
    %dma_start3A_596 = arith.constant 0 : i32
    %dma_start3A_597 = tpu.memref_slice %arg15[%dma_start3A_586, %dma_start3A_595, %dma_start3A_596] : memref<2x64x128xf32, #tpu.memory_space<vmem>> -> memref<1x64x128xf32, #tpu.memory_space<vmem>>
    %dma_start3A_598 = tpu.memref_squeeze %dma_start3A_597 : memref<1x64x128xf32, #tpu.memory_space<vmem>> -> memref<64x128xf32, #tpu.memory_space<vmem>>
    tpu.enqueue_dma source(%dma_start3A_598 : memref<64x128xf32, #tpu.memory_space<vmem>>) target(%dma_start3A_594 : memref<64x128xf32, #tpu.memory_space<hbm>>) target_semaphore(%arg18 : memref<!tpu.dma_semaphore, #tpu.memory_space<semaphore_mem>>)
    %add3A_599 = arith.constant 640 : i32
    %add3A_600 = arith.addi %add3A_42, %add3A_599 : i32
    %dma_wait3A_601 = arith.constant 0 : i32
    %dma_wait3A_602 = arith.constant 0 : i32
    %dma_wait3A_603 = arith.constant 0 : i32
    %dma_wait3A_604 = tpu.memref_slice %arg15[%dma_wait3A_601, %dma_wait3A_602, %dma_wait3A_603] : memref<2x64x128xf32, #tpu.memory_space<vmem>> -> memref<1x64x128xf32, #tpu.memory_space<vmem>>
    %dma_wait3A_605 = tpu.memref_squeeze %dma_wait3A_604 : memref<1x64x128xf32, #tpu.memory_space<vmem>> -> memref<64x128xf32, #tpu.memory_space<vmem>>
    %dma_wait3A_606 = arith.constant 0 : i32
    %dma_wait3A_607 = tpu.memref_slice %arg6[%add3A_600, %dma_wait3A_606] : memref<131072x128xf32, #tpu.memory_space<hbm>> -> memref<64x128xf32, #tpu.memory_space<hbm>>
    %dma_wait3A_608 = arith.constant 0 : i32
    %dma_wait3A_609 = tpu.memref_slice %arg6[%add3A_600, %dma_wait3A_608] : memref<131072x128xf32, #tpu.memory_space<hbm>> -> memref<64x128xf32, #tpu.memory_space<hbm>>
    %dma_wait3A_610 = arith.constant 0 : i32
    %dma_wait3A_611 = arith.constant 0 : i32
    %dma_wait3A_612 = tpu.memref_slice %arg15[%dma_wait3A_601, %dma_wait3A_610, %dma_wait3A_611] : memref<2x64x128xf32, #tpu.memory_space<vmem>> -> memref<1x64x128xf32, #tpu.memory_space<vmem>>
    %dma_wait3A_613 = tpu.memref_squeeze %dma_wait3A_612 : memref<1x64x128xf32, #tpu.memory_space<vmem>> -> memref<64x128xf32, #tpu.memory_space<vmem>>
    tpu.wait_dma2 semaphore(%arg18 : memref<!tpu.dma_semaphore, #tpu.memory_space<semaphore_mem>>) src(%dma_wait3A_613 : memref<64x128xf32, #tpu.memory_space<vmem>>) dst(%dma_wait3A_609 : memref<64x128xf32, #tpu.memory_space<hbm>>)
    %dma_start3A_614 = arith.constant 0 : i32
    %dma_start3A_615 = arith.constant 0 : i32
    %dma_start3A_616 = arith.constant 0 : i32
    %dma_start3A_617 = tpu.memref_slice %arg15[%dma_start3A_614, %dma_start3A_615, %dma_start3A_616] : memref<2x64x128xf32, #tpu.memory_space<vmem>> -> memref<1x64x128xf32, #tpu.memory_space<vmem>>
    %dma_start3A_618 = tpu.memref_squeeze %dma_start3A_617 : memref<1x64x128xf32, #tpu.memory_space<vmem>> -> memref<64x128xf32, #tpu.memory_space<vmem>>
    %dma_start3A_619 = arith.constant 768 : i32
    %dma_start3A_620 = tpu.memref_slice %arg10[%dma_start3A_619] : memref<2048xi32, #tpu.memory_space<vmem>> -> memref<64xi32, #tpu.memory_space<vmem>>
    %dma_start3A_621 = arith.constant 0 : i32
    %dma_start3A_622 = arith.constant 0 : i32
    %dma_start3A_623 = tpu.memref_slice %arg2[%dma_start3A_621, %dma_start3A_622] : memref<1000000x128xf32, #tpu.memory_space<hbm>> -> memref<1000000x128xf32, #tpu.memory_space<hbm>>
    tpu.enqueue_indirect_dma source(%dma_start3A_623 : memref<1000000x128xf32, #tpu.memory_space<hbm>>) target(%dma_start3A_618 : memref<64x128xf32, #tpu.memory_space<vmem>>) offsets(%dma_start3A_620 : memref<64xi32, #tpu.memory_space<vmem>>) semaphore(%arg17 : memref<!tpu.dma_semaphore, #tpu.memory_space<semaphore_mem>>)
    %dma_wait3A_624 = arith.constant 1 : i32
    %dma_wait3A_625 = arith.constant 0 : i32
    %dma_wait3A_626 = arith.constant 0 : i32
    %dma_wait3A_627 = tpu.memref_slice %arg15[%dma_wait3A_624, %dma_wait3A_625, %dma_wait3A_626] : memref<2x64x128xf32, #tpu.memory_space<vmem>> -> memref<1x64x128xf32, #tpu.memory_space<vmem>>
    %dma_wait3A_628 = tpu.memref_squeeze %dma_wait3A_627 : memref<1x64x128xf32, #tpu.memory_space<vmem>> -> memref<64x128xf32, #tpu.memory_space<vmem>>
    %dma_wait3A_629 = arith.constant 704 : i32
    %dma_wait3A_630 = tpu.memref_slice %arg10[%dma_wait3A_629] : memref<2048xi32, #tpu.memory_space<vmem>> -> memref<64xi32, #tpu.memory_space<vmem>>
    %dma_wait3A_631 = arith.constant 0 : i32
    %dma_wait3A_632 = arith.constant 0 : i32
    %dma_wait3A_633 = tpu.memref_slice %arg2[%dma_wait3A_631, %dma_wait3A_632] : memref<1000000x128xf32, #tpu.memory_space<hbm>> -> memref<1000000x128xf32, #tpu.memory_space<hbm>>
    tpu.wait_indirect_dma semaphore(%arg17 : memref<!tpu.dma_semaphore, #tpu.memory_space<semaphore_mem>>) src(%dma_wait3A_633 : memref<1000000x128xf32, #tpu.memory_space<hbm>>) dst(%dma_wait3A_628 : memref<64x128xf32, #tpu.memory_space<vmem>>)
    %add3A_634 = arith.constant 704 : i32
    %add3A_635 = arith.addi %add3A_42, %add3A_634 : i32
    %dma_start3A_636 = arith.constant 1 : i32
    %dma_start3A_637 = arith.constant 0 : i32
    %dma_start3A_638 = arith.constant 0 : i32
    %dma_start3A_639 = tpu.memref_slice %arg15[%dma_start3A_636, %dma_start3A_637, %dma_start3A_638] : memref<2x64x128xf32, #tpu.memory_space<vmem>> -> memref<1x64x128xf32, #tpu.memory_space<vmem>>
    %dma_start3A_640 = tpu.memref_squeeze %dma_start3A_639 : memref<1x64x128xf32, #tpu.memory_space<vmem>> -> memref<64x128xf32, #tpu.memory_space<vmem>>
    %dma_start3A_641 = arith.constant 0 : i32
    %dma_start3A_642 = tpu.memref_slice %arg6[%add3A_635, %dma_start3A_641] : memref<131072x128xf32, #tpu.memory_space<hbm>> -> memref<64x128xf32, #tpu.memory_space<hbm>>
    %dma_start3A_643 = arith.constant 0 : i32
    %dma_start3A_644 = tpu.memref_slice %arg6[%add3A_635, %dma_start3A_643] : memref<131072x128xf32, #tpu.memory_space<hbm>> -> memref<64x128xf32, #tpu.memory_space<hbm>>
    %dma_start3A_645 = arith.constant 0 : i32
    %dma_start3A_646 = arith.constant 0 : i32
    %dma_start3A_647 = tpu.memref_slice %arg15[%dma_start3A_636, %dma_start3A_645, %dma_start3A_646] : memref<2x64x128xf32, #tpu.memory_space<vmem>> -> memref<1x64x128xf32, #tpu.memory_space<vmem>>
    %dma_start3A_648 = tpu.memref_squeeze %dma_start3A_647 : memref<1x64x128xf32, #tpu.memory_space<vmem>> -> memref<64x128xf32, #tpu.memory_space<vmem>>
    tpu.enqueue_dma source(%dma_start3A_648 : memref<64x128xf32, #tpu.memory_space<vmem>>) target(%dma_start3A_644 : memref<64x128xf32, #tpu.memory_space<hbm>>) target_semaphore(%arg18 : memref<!tpu.dma_semaphore, #tpu.memory_space<semaphore_mem>>)
    %add3A_649 = arith.constant 704 : i32
    %add3A_650 = arith.addi %add3A_42, %add3A_649 : i32
    %dma_wait3A_651 = arith.constant 1 : i32
    %dma_wait3A_652 = arith.constant 0 : i32
    %dma_wait3A_653 = arith.constant 0 : i32
    %dma_wait3A_654 = tpu.memref_slice %arg15[%dma_wait3A_651, %dma_wait3A_652, %dma_wait3A_653] : memref<2x64x128xf32, #tpu.memory_space<vmem>> -> memref<1x64x128xf32, #tpu.memory_space<vmem>>
    %dma_wait3A_655 = tpu.memref_squeeze %dma_wait3A_654 : memref<1x64x128xf32, #tpu.memory_space<vmem>> -> memref<64x128xf32, #tpu.memory_space<vmem>>
    %dma_wait3A_656 = arith.constant 0 : i32
    %dma_wait3A_657 = tpu.memref_slice %arg6[%add3A_650, %dma_wait3A_656] : memref<131072x128xf32, #tpu.memory_space<hbm>> -> memref<64x128xf32, #tpu.memory_space<hbm>>
    %dma_wait3A_658 = arith.constant 0 : i32
    %dma_wait3A_659 = tpu.memref_slice %arg6[%add3A_650, %dma_wait3A_658] : memref<131072x128xf32, #tpu.memory_space<hbm>> -> memref<64x128xf32, #tpu.memory_space<hbm>>
    %dma_wait3A_660 = arith.constant 0 : i32
    %dma_wait3A_661 = arith.constant 0 : i32
    %dma_wait3A_662 = tpu.memref_slice %arg15[%dma_wait3A_651, %dma_wait3A_660, %dma_wait3A_661] : memref<2x64x128xf32, #tpu.memory_space<vmem>> -> memref<1x64x128xf32, #tpu.memory_space<vmem>>
    %dma_wait3A_663 = tpu.memref_squeeze %dma_wait3A_662 : memref<1x64x128xf32, #tpu.memory_space<vmem>> -> memref<64x128xf32, #tpu.memory_space<vmem>>
    tpu.wait_dma2 semaphore(%arg18 : memref<!tpu.dma_semaphore, #tpu.memory_space<semaphore_mem>>) src(%dma_wait3A_663 : memref<64x128xf32, #tpu.memory_space<vmem>>) dst(%dma_wait3A_659 : memref<64x128xf32, #tpu.memory_space<hbm>>)
    %dma_start3A_664 = arith.constant 1 : i32
    %dma_start3A_665 = arith.constant 0 : i32
    %dma_start3A_666 = arith.constant 0 : i32
    %dma_start3A_667 = tpu.memref_slice %arg15[%dma_start3A_664, %dma_start3A_665, %dma_start3A_666] : memref<2x64x128xf32, #tpu.memory_space<vmem>> -> memref<1x64x128xf32, #tpu.memory_space<vmem>>
    %dma_start3A_668 = tpu.memref_squeeze %dma_start3A_667 : memref<1x64x128xf32, #tpu.memory_space<vmem>> -> memref<64x128xf32, #tpu.memory_space<vmem>>
    %dma_start3A_669 = arith.constant 832 : i32
    %dma_start3A_670 = tpu.memref_slice %arg10[%dma_start3A_669] : memref<2048xi32, #tpu.memory_space<vmem>> -> memref<64xi32, #tpu.memory_space<vmem>>
    %dma_start3A_671 = arith.constant 0 : i32
    %dma_start3A_672 = arith.constant 0 : i32
    %dma_start3A_673 = tpu.memref_slice %arg2[%dma_start3A_671, %dma_start3A_672] : memref<1000000x128xf32, #tpu.memory_space<hbm>> -> memref<1000000x128xf32, #tpu.memory_space<hbm>>
    tpu.enqueue_indirect_dma source(%dma_start3A_673 : memref<1000000x128xf32, #tpu.memory_space<hbm>>) target(%dma_start3A_668 : memref<64x128xf32, #tpu.memory_space<vmem>>) offsets(%dma_start3A_670 : memref<64xi32, #tpu.memory_space<vmem>>) semaphore(%arg17 : memref<!tpu.dma_semaphore, #tpu.memory_space<semaphore_mem>>)
    %dma_wait3A_674 = arith.constant 0 : i32
    %dma_wait3A_675 = arith.constant 0 : i32
    %dma_wait3A_676 = arith.constant 0 : i32
    %dma_wait3A_677 = tpu.memref_slice %arg15[%dma_wait3A_674, %dma_wait3A_675, %dma_wait3A_676] : memref<2x64x128xf32, #tpu.memory_space<vmem>> -> memref<1x64x128xf32, #tpu.memory_space<vmem>>
    %dma_wait3A_678 = tpu.memref_squeeze %dma_wait3A_677 : memref<1x64x128xf32, #tpu.memory_space<vmem>> -> memref<64x128xf32, #tpu.memory_space<vmem>>
    %dma_wait3A_679 = arith.constant 768 : i32
    %dma_wait3A_680 = tpu.memref_slice %arg10[%dma_wait3A_679] : memref<2048xi32, #tpu.memory_space<vmem>> -> memref<64xi32, #tpu.memory_space<vmem>>
    %dma_wait3A_681 = arith.constant 0 : i32
    %dma_wait3A_682 = arith.constant 0 : i32
    %dma_wait3A_683 = tpu.memref_slice %arg2[%dma_wait3A_681, %dma_wait3A_682] : memref<1000000x128xf32, #tpu.memory_space<hbm>> -> memref<1000000x128xf32, #tpu.memory_space<hbm>>
    tpu.wait_indirect_dma semaphore(%arg17 : memref<!tpu.dma_semaphore, #tpu.memory_space<semaphore_mem>>) src(%dma_wait3A_683 : memref<1000000x128xf32, #tpu.memory_space<hbm>>) dst(%dma_wait3A_678 : memref<64x128xf32, #tpu.memory_space<vmem>>)
    %add3A_684 = arith.constant 768 : i32
    %add3A_685 = arith.addi %add3A_42, %add3A_684 : i32
    %dma_start3A_686 = arith.constant 0 : i32
    %dma_start3A_687 = arith.constant 0 : i32
    %dma_start3A_688 = arith.constant 0 : i32
    %dma_start3A_689 = tpu.memref_slice %arg15[%dma_start3A_686, %dma_start3A_687, %dma_start3A_688] : memref<2x64x128xf32, #tpu.memory_space<vmem>> -> memref<1x64x128xf32, #tpu.memory_space<vmem>>
    %dma_start3A_690 = tpu.memref_squeeze %dma_start3A_689 : memref<1x64x128xf32, #tpu.memory_space<vmem>> -> memref<64x128xf32, #tpu.memory_space<vmem>>
    %dma_start3A_691 = arith.constant 0 : i32
    %dma_start3A_692 = tpu.memref_slice %arg6[%add3A_685, %dma_start3A_691] : memref<131072x128xf32, #tpu.memory_space<hbm>> -> memref<64x128xf32, #tpu.memory_space<hbm>>
    %dma_start3A_693 = arith.constant 0 : i32
    %dma_start3A_694 = tpu.memref_slice %arg6[%add3A_685, %dma_start3A_693] : memref<131072x128xf32, #tpu.memory_space<hbm>> -> memref<64x128xf32, #tpu.memory_space<hbm>>
    %dma_start3A_695 = arith.constant 0 : i32
    %dma_start3A_696 = arith.constant 0 : i32
    %dma_start3A_697 = tpu.memref_slice %arg15[%dma_start3A_686, %dma_start3A_695, %dma_start3A_696] : memref<2x64x128xf32, #tpu.memory_space<vmem>> -> memref<1x64x128xf32, #tpu.memory_space<vmem>>
    %dma_start3A_698 = tpu.memref_squeeze %dma_start3A_697 : memref<1x64x128xf32, #tpu.memory_space<vmem>> -> memref<64x128xf32, #tpu.memory_space<vmem>>
    tpu.enqueue_dma source(%dma_start3A_698 : memref<64x128xf32, #tpu.memory_space<vmem>>) target(%dma_start3A_694 : memref<64x128xf32, #tpu.memory_space<hbm>>) target_semaphore(%arg18 : memref<!tpu.dma_semaphore, #tpu.memory_space<semaphore_mem>>)
    %add3A_699 = arith.constant 768 : i32
    %add3A_700 = arith.addi %add3A_42, %add3A_699 : i32
    %dma_wait3A_701 = arith.constant 0 : i32
    %dma_wait3A_702 = arith.constant 0 : i32
    %dma_wait3A_703 = arith.constant 0 : i32
    %dma_wait3A_704 = tpu.memref_slice %arg15[%dma_wait3A_701, %dma_wait3A_702, %dma_wait3A_703] : memref<2x64x128xf32, #tpu.memory_space<vmem>> -> memref<1x64x128xf32, #tpu.memory_space<vmem>>
    %dma_wait3A_705 = tpu.memref_squeeze %dma_wait3A_704 : memref<1x64x128xf32, #tpu.memory_space<vmem>> -> memref<64x128xf32, #tpu.memory_space<vmem>>
    %dma_wait3A_706 = arith.constant 0 : i32
    %dma_wait3A_707 = tpu.memref_slice %arg6[%add3A_700, %dma_wait3A_706] : memref<131072x128xf32, #tpu.memory_space<hbm>> -> memref<64x128xf32, #tpu.memory_space<hbm>>
    %dma_wait3A_708 = arith.constant 0 : i32
    %dma_wait3A_709 = tpu.memref_slice %arg6[%add3A_700, %dma_wait3A_708] : memref<131072x128xf32, #tpu.memory_space<hbm>> -> memref<64x128xf32, #tpu.memory_space<hbm>>
    %dma_wait3A_710 = arith.constant 0 : i32
    %dma_wait3A_711 = arith.constant 0 : i32
    %dma_wait3A_712 = tpu.memref_slice %arg15[%dma_wait3A_701, %dma_wait3A_710, %dma_wait3A_711] : memref<2x64x128xf32, #tpu.memory_space<vmem>> -> memref<1x64x128xf32, #tpu.memory_space<vmem>>
    %dma_wait3A_713 = tpu.memref_squeeze %dma_wait3A_712 : memref<1x64x128xf32, #tpu.memory_space<vmem>> -> memref<64x128xf32, #tpu.memory_space<vmem>>
    tpu.wait_dma2 semaphore(%arg18 : memref<!tpu.dma_semaphore, #tpu.memory_space<semaphore_mem>>) src(%dma_wait3A_713 : memref<64x128xf32, #tpu.memory_space<vmem>>) dst(%dma_wait3A_709 : memref<64x128xf32, #tpu.memory_space<hbm>>)
    %dma_start3A_714 = arith.constant 0 : i32
    %dma_start3A_715 = arith.constant 0 : i32
    %dma_start3A_716 = arith.constant 0 : i32
    %dma_start3A_717 = tpu.memref_slice %arg15[%dma_start3A_714, %dma_start3A_715, %dma_start3A_716] : memref<2x64x128xf32, #tpu.memory_space<vmem>> -> memref<1x64x128xf32, #tpu.memory_space<vmem>>
    %dma_start3A_718 = tpu.memref_squeeze %dma_start3A_717 : memref<1x64x128xf32, #tpu.memory_space<vmem>> -> memref<64x128xf32, #tpu.memory_space<vmem>>
    %dma_start3A_719 = arith.constant 896 : i32
    %dma_start3A_720 = tpu.memref_slice %arg10[%dma_start3A_719] : memref<2048xi32, #tpu.memory_space<vmem>> -> memref<64xi32, #tpu.memory_space<vmem>>
    %dma_start3A_721 = arith.constant 0 : i32
    %dma_start3A_722 = arith.constant 0 : i32
    %dma_start3A_723 = tpu.memref_slice %arg2[%dma_start3A_721, %dma_start3A_722] : memref<1000000x128xf32, #tpu.memory_space<hbm>> -> memref<1000000x128xf32, #tpu.memory_space<hbm>>
    tpu.enqueue_indirect_dma source(%dma_start3A_723 : memref<1000000x128xf32, #tpu.memory_space<hbm>>) target(%dma_start3A_718 : memref<64x128xf32, #tpu.memory_space<vmem>>) offsets(%dma_start3A_720 : memref<64xi32, #tpu.memory_space<vmem>>) semaphore(%arg17 : memref<!tpu.dma_semaphore, #tpu.memory_space<semaphore_mem>>)
    %dma_wait3A_724 = arith.constant 1 : i32
    %dma_wait3A_725 = arith.constant 0 : i32
    %dma_wait3A_726 = arith.constant 0 : i32
    %dma_wait3A_727 = tpu.memref_slice %arg15[%dma_wait3A_724, %dma_wait3A_725, %dma_wait3A_726] : memref<2x64x128xf32, #tpu.memory_space<vmem>> -> memref<1x64x128xf32, #tpu.memory_space<vmem>>
    %dma_wait3A_728 = tpu.memref_squeeze %dma_wait3A_727 : memref<1x64x128xf32, #tpu.memory_space<vmem>> -> memref<64x128xf32, #tpu.memory_space<vmem>>
    %dma_wait3A_729 = arith.constant 832 : i32
    %dma_wait3A_730 = tpu.memref_slice %arg10[%dma_wait3A_729] : memref<2048xi32, #tpu.memory_space<vmem>> -> memref<64xi32, #tpu.memory_space<vmem>>
    %dma_wait3A_731 = arith.constant 0 : i32
    %dma_wait3A_732 = arith.constant 0 : i32
    %dma_wait3A_733 = tpu.memref_slice %arg2[%dma_wait3A_731, %dma_wait3A_732] : memref<1000000x128xf32, #tpu.memory_space<hbm>> -> memref<1000000x128xf32, #tpu.memory_space<hbm>>
    tpu.wait_indirect_dma semaphore(%arg17 : memref<!tpu.dma_semaphore, #tpu.memory_space<semaphore_mem>>) src(%dma_wait3A_733 : memref<1000000x128xf32, #tpu.memory_space<hbm>>) dst(%dma_wait3A_728 : memref<64x128xf32, #tpu.memory_space<vmem>>)
    %add3A_734 = arith.constant 832 : i32
    %add3A_735 = arith.addi %add3A_42, %add3A_734 : i32
    %dma_start3A_736 = arith.constant 1 : i32
    %dma_start3A_737 = arith.constant 0 : i32
    %dma_start3A_738 = arith.constant 0 : i32
    %dma_start3A_739 = tpu.memref_slice %arg15[%dma_start3A_736, %dma_start3A_737, %dma_start3A_738] : memref<2x64x128xf32, #tpu.memory_space<vmem>> -> memref<1x64x128xf32, #tpu.memory_space<vmem>>
    %dma_start3A_740 = tpu.memref_squeeze %dma_start3A_739 : memref<1x64x128xf32, #tpu.memory_space<vmem>> -> memref<64x128xf32, #tpu.memory_space<vmem>>
    %dma_start3A_741 = arith.constant 0 : i32
    %dma_start3A_742 = tpu.memref_slice %arg6[%add3A_735, %dma_start3A_741] : memref<131072x128xf32, #tpu.memory_space<hbm>> -> memref<64x128xf32, #tpu.memory_space<hbm>>
    %dma_start3A_743 = arith.constant 0 : i32
    %dma_start3A_744 = tpu.memref_slice %arg6[%add3A_735, %dma_start3A_743] : memref<131072x128xf32, #tpu.memory_space<hbm>> -> memref<64x128xf32, #tpu.memory_space<hbm>>
    %dma_start3A_745 = arith.constant 0 : i32
    %dma_start3A_746 = arith.constant 0 : i32
    %dma_start3A_747 = tpu.memref_slice %arg15[%dma_start3A_736, %dma_start3A_745, %dma_start3A_746] : memref<2x64x128xf32, #tpu.memory_space<vmem>> -> memref<1x64x128xf32, #tpu.memory_space<vmem>>
    %dma_start3A_748 = tpu.memref_squeeze %dma_start3A_747 : memref<1x64x128xf32, #tpu.memory_space<vmem>> -> memref<64x128xf32, #tpu.memory_space<vmem>>
    tpu.enqueue_dma source(%dma_start3A_748 : memref<64x128xf32, #tpu.memory_space<vmem>>) target(%dma_start3A_744 : memref<64x128xf32, #tpu.memory_space<hbm>>) target_semaphore(%arg18 : memref<!tpu.dma_semaphore, #tpu.memory_space<semaphore_mem>>)
    %add3A_749 = arith.constant 832 : i32
    %add3A_750 = arith.addi %add3A_42, %add3A_749 : i32
    %dma_wait3A_751 = arith.constant 1 : i32
    %dma_wait3A_752 = arith.constant 0 : i32
    %dma_wait3A_753 = arith.constant 0 : i32
    %dma_wait3A_754 = tpu.memref_slice %arg15[%dma_wait3A_751, %dma_wait3A_752, %dma_wait3A_753] : memref<2x64x128xf32, #tpu.memory_space<vmem>> -> memref<1x64x128xf32, #tpu.memory_space<vmem>>
    %dma_wait3A_755 = tpu.memref_squeeze %dma_wait3A_754 : memref<1x64x128xf32, #tpu.memory_space<vmem>> -> memref<64x128xf32, #tpu.memory_space<vmem>>
    %dma_wait3A_756 = arith.constant 0 : i32
    %dma_wait3A_757 = tpu.memref_slice %arg6[%add3A_750, %dma_wait3A_756] : memref<131072x128xf32, #tpu.memory_space<hbm>> -> memref<64x128xf32, #tpu.memory_space<hbm>>
    %dma_wait3A_758 = arith.constant 0 : i32
    %dma_wait3A_759 = tpu.memref_slice %arg6[%add3A_750, %dma_wait3A_758] : memref<131072x128xf32, #tpu.memory_space<hbm>> -> memref<64x128xf32, #tpu.memory_space<hbm>>
    %dma_wait3A_760 = arith.constant 0 : i32
    %dma_wait3A_761 = arith.constant 0 : i32
    %dma_wait3A_762 = tpu.memref_slice %arg15[%dma_wait3A_751, %dma_wait3A_760, %dma_wait3A_761] : memref<2x64x128xf32, #tpu.memory_space<vmem>> -> memref<1x64x128xf32, #tpu.memory_space<vmem>>
    %dma_wait3A_763 = tpu.memref_squeeze %dma_wait3A_762 : memref<1x64x128xf32, #tpu.memory_space<vmem>> -> memref<64x128xf32, #tpu.memory_space<vmem>>
    tpu.wait_dma2 semaphore(%arg18 : memref<!tpu.dma_semaphore, #tpu.memory_space<semaphore_mem>>) src(%dma_wait3A_763 : memref<64x128xf32, #tpu.memory_space<vmem>>) dst(%dma_wait3A_759 : memref<64x128xf32, #tpu.memory_space<hbm>>)
    %dma_start3A_764 = arith.constant 1 : i32
    %dma_start3A_765 = arith.constant 0 : i32
    %dma_start3A_766 = arith.constant 0 : i32
    %dma_start3A_767 = tpu.memref_slice %arg15[%dma_start3A_764, %dma_start3A_765, %dma_start3A_766] : memref<2x64x128xf32, #tpu.memory_space<vmem>> -> memref<1x64x128xf32, #tpu.memory_space<vmem>>
    %dma_start3A_768 = tpu.memref_squeeze %dma_start3A_767 : memref<1x64x128xf32, #tpu.memory_space<vmem>> -> memref<64x128xf32, #tpu.memory_space<vmem>>
    %dma_start3A_769 = arith.constant 960 : i32
    %dma_start3A_770 = tpu.memref_slice %arg10[%dma_start3A_769] : memref<2048xi32, #tpu.memory_space<vmem>> -> memref<64xi32, #tpu.memory_space<vmem>>
    %dma_start3A_771 = arith.constant 0 : i32
    %dma_start3A_772 = arith.constant 0 : i32
    %dma_start3A_773 = tpu.memref_slice %arg2[%dma_start3A_771, %dma_start3A_772] : memref<1000000x128xf32, #tpu.memory_space<hbm>> -> memref<1000000x128xf32, #tpu.memory_space<hbm>>
    tpu.enqueue_indirect_dma source(%dma_start3A_773 : memref<1000000x128xf32, #tpu.memory_space<hbm>>) target(%dma_start3A_768 : memref<64x128xf32, #tpu.memory_space<vmem>>) offsets(%dma_start3A_770 : memref<64xi32, #tpu.memory_space<vmem>>) semaphore(%arg17 : memref<!tpu.dma_semaphore, #tpu.memory_space<semaphore_mem>>)
    %dma_wait3A_774 = arith.constant 0 : i32
    %dma_wait3A_775 = arith.constant 0 : i32
    %dma_wait3A_776 = arith.constant 0 : i32
    %dma_wait3A_777 = tpu.memref_slice %arg15[%dma_wait3A_774, %dma_wait3A_775, %dma_wait3A_776] : memref<2x64x128xf32, #tpu.memory_space<vmem>> -> memref<1x64x128xf32, #tpu.memory_space<vmem>>
    %dma_wait3A_778 = tpu.memref_squeeze %dma_wait3A_777 : memref<1x64x128xf32, #tpu.memory_space<vmem>> -> memref<64x128xf32, #tpu.memory_space<vmem>>
    %dma_wait3A_779 = arith.constant 896 : i32
    %dma_wait3A_780 = tpu.memref_slice %arg10[%dma_wait3A_779] : memref<2048xi32, #tpu.memory_space<vmem>> -> memref<64xi32, #tpu.memory_space<vmem>>
    %dma_wait3A_781 = arith.constant 0 : i32
    %dma_wait3A_782 = arith.constant 0 : i32
    %dma_wait3A_783 = tpu.memref_slice %arg2[%dma_wait3A_781, %dma_wait3A_782] : memref<1000000x128xf32, #tpu.memory_space<hbm>> -> memref<1000000x128xf32, #tpu.memory_space<hbm>>
    tpu.wait_indirect_dma semaphore(%arg17 : memref<!tpu.dma_semaphore, #tpu.memory_space<semaphore_mem>>) src(%dma_wait3A_783 : memref<1000000x128xf32, #tpu.memory_space<hbm>>) dst(%dma_wait3A_778 : memref<64x128xf32, #tpu.memory_space<vmem>>)
    %add3A_784 = arith.constant 896 : i32
    %add3A_785 = arith.addi %add3A_42, %add3A_784 : i32
    %dma_start3A_786 = arith.constant 0 : i32
    %dma_start3A_787 = arith.constant 0 : i32
    %dma_start3A_788 = arith.constant 0 : i32
    %dma_start3A_789 = tpu.memref_slice %arg15[%dma_start3A_786, %dma_start3A_787, %dma_start3A_788] : memref<2x64x128xf32, #tpu.memory_space<vmem>> -> memref<1x64x128xf32, #tpu.memory_space<vmem>>
    %dma_start3A_790 = tpu.memref_squeeze %dma_start3A_789 : memref<1x64x128xf32, #tpu.memory_space<vmem>> -> memref<64x128xf32, #tpu.memory_space<vmem>>
    %dma_start3A_791 = arith.constant 0 : i32
    %dma_start3A_792 = tpu.memref_slice %arg6[%add3A_785, %dma_start3A_791] : memref<131072x128xf32, #tpu.memory_space<hbm>> -> memref<64x128xf32, #tpu.memory_space<hbm>>
    %dma_start3A_793 = arith.constant 0 : i32
    %dma_start3A_794 = tpu.memref_slice %arg6[%add3A_785, %dma_start3A_793] : memref<131072x128xf32, #tpu.memory_space<hbm>> -> memref<64x128xf32, #tpu.memory_space<hbm>>
    %dma_start3A_795 = arith.constant 0 : i32
    %dma_start3A_796 = arith.constant 0 : i32
    %dma_start3A_797 = tpu.memref_slice %arg15[%dma_start3A_786, %dma_start3A_795, %dma_start3A_796] : memref<2x64x128xf32, #tpu.memory_space<vmem>> -> memref<1x64x128xf32, #tpu.memory_space<vmem>>
    %dma_start3A_798 = tpu.memref_squeeze %dma_start3A_797 : memref<1x64x128xf32, #tpu.memory_space<vmem>> -> memref<64x128xf32, #tpu.memory_space<vmem>>
    tpu.enqueue_dma source(%dma_start3A_798 : memref<64x128xf32, #tpu.memory_space<vmem>>) target(%dma_start3A_794 : memref<64x128xf32, #tpu.memory_space<hbm>>) target_semaphore(%arg18 : memref<!tpu.dma_semaphore, #tpu.memory_space<semaphore_mem>>)
    %add3A_799 = arith.constant 896 : i32
    %add3A_800 = arith.addi %add3A_42, %add3A_799 : i32
    %dma_wait3A_801 = arith.constant 0 : i32
    %dma_wait3A_802 = arith.constant 0 : i32
    %dma_wait3A_803 = arith.constant 0 : i32
    %dma_wait3A_804 = tpu.memref_slice %arg15[%dma_wait3A_801, %dma_wait3A_802, %dma_wait3A_803] : memref<2x64x128xf32, #tpu.memory_space<vmem>> -> memref<1x64x128xf32, #tpu.memory_space<vmem>>
    %dma_wait3A_805 = tpu.memref_squeeze %dma_wait3A_804 : memref<1x64x128xf32, #tpu.memory_space<vmem>> -> memref<64x128xf32, #tpu.memory_space<vmem>>
    %dma_wait3A_806 = arith.constant 0 : i32
    %dma_wait3A_807 = tpu.memref_slice %arg6[%add3A_800, %dma_wait3A_806] : memref<131072x128xf32, #tpu.memory_space<hbm>> -> memref<64x128xf32, #tpu.memory_space<hbm>>
    %dma_wait3A_808 = arith.constant 0 : i32
    %dma_wait3A_809 = tpu.memref_slice %arg6[%add3A_800, %dma_wait3A_808] : memref<131072x128xf32, #tpu.memory_space<hbm>> -> memref<64x128xf32, #tpu.memory_space<hbm>>
    %dma_wait3A_810 = arith.constant 0 : i32
    %dma_wait3A_811 = arith.constant 0 : i32
    %dma_wait3A_812 = tpu.memref_slice %arg15[%dma_wait3A_801, %dma_wait3A_810, %dma_wait3A_811] : memref<2x64x128xf32, #tpu.memory_space<vmem>> -> memref<1x64x128xf32, #tpu.memory_space<vmem>>
    %dma_wait3A_813 = tpu.memref_squeeze %dma_wait3A_812 : memref<1x64x128xf32, #tpu.memory_space<vmem>> -> memref<64x128xf32, #tpu.memory_space<vmem>>
    tpu.wait_dma2 semaphore(%arg18 : memref<!tpu.dma_semaphore, #tpu.memory_space<semaphore_mem>>) src(%dma_wait3A_813 : memref<64x128xf32, #tpu.memory_space<vmem>>) dst(%dma_wait3A_809 : memref<64x128xf32, #tpu.memory_space<hbm>>)
    %dma_start3A_814 = arith.constant 0 : i32
    %dma_start3A_815 = arith.constant 0 : i32
    %dma_start3A_816 = arith.constant 0 : i32
    %dma_start3A_817 = tpu.memref_slice %arg15[%dma_start3A_814, %dma_start3A_815, %dma_start3A_816] : memref<2x64x128xf32, #tpu.memory_space<vmem>> -> memref<1x64x128xf32, #tpu.memory_space<vmem>>
    %dma_start3A_818 = tpu.memref_squeeze %dma_start3A_817 : memref<1x64x128xf32, #tpu.memory_space<vmem>> -> memref<64x128xf32, #tpu.memory_space<vmem>>
    %dma_start3A_819 = arith.constant 1024 : i32
    %dma_start3A_820 = tpu.memref_slice %arg10[%dma_start3A_819] : memref<2048xi32, #tpu.memory_space<vmem>> -> memref<64xi32, #tpu.memory_space<vmem>>
    %dma_start3A_821 = arith.constant 0 : i32
    %dma_start3A_822 = arith.constant 0 : i32
    %dma_start3A_823 = tpu.memref_slice %arg2[%dma_start3A_821, %dma_start3A_822] : memref<1000000x128xf32, #tpu.memory_space<hbm>> -> memref<1000000x128xf32, #tpu.memory_space<hbm>>
    tpu.enqueue_indirect_dma source(%dma_start3A_823 : memref<1000000x128xf32, #tpu.memory_space<hbm>>) target(%dma_start3A_818 : memref<64x128xf32, #tpu.memory_space<vmem>>) offsets(%dma_start3A_820 : memref<64xi32, #tpu.memory_space<vmem>>) semaphore(%arg17 : memref<!tpu.dma_semaphore, #tpu.memory_space<semaphore_mem>>)
    %dma_wait3A_824 = arith.constant 1 : i32
    %dma_wait3A_825 = arith.constant 0 : i32
    %dma_wait3A_826 = arith.constant 0 : i32
    %dma_wait3A_827 = tpu.memref_slice %arg15[%dma_wait3A_824, %dma_wait3A_825, %dma_wait3A_826] : memref<2x64x128xf32, #tpu.memory_space<vmem>> -> memref<1x64x128xf32, #tpu.memory_space<vmem>>
    %dma_wait3A_828 = tpu.memref_squeeze %dma_wait3A_827 : memref<1x64x128xf32, #tpu.memory_space<vmem>> -> memref<64x128xf32, #tpu.memory_space<vmem>>
    %dma_wait3A_829 = arith.constant 960 : i32
    %dma_wait3A_830 = tpu.memref_slice %arg10[%dma_wait3A_829] : memref<2048xi32, #tpu.memory_space<vmem>> -> memref<64xi32, #tpu.memory_space<vmem>>
    %dma_wait3A_831 = arith.constant 0 : i32
    %dma_wait3A_832 = arith.constant 0 : i32
    %dma_wait3A_833 = tpu.memref_slice %arg2[%dma_wait3A_831, %dma_wait3A_832] : memref<1000000x128xf32, #tpu.memory_space<hbm>> -> memref<1000000x128xf32, #tpu.memory_space<hbm>>
    tpu.wait_indirect_dma semaphore(%arg17 : memref<!tpu.dma_semaphore, #tpu.memory_space<semaphore_mem>>) src(%dma_wait3A_833 : memref<1000000x128xf32, #tpu.memory_space<hbm>>) dst(%dma_wait3A_828 : memref<64x128xf32, #tpu.memory_space<vmem>>)
    %add3A_834 = arith.constant 960 : i32
    %add3A_835 = arith.addi %add3A_42, %add3A_834 : i32
    %dma_start3A_836 = arith.constant 1 : i32
    %dma_start3A_837 = arith.constant 0 : i32
    %dma_start3A_838 = arith.constant 0 : i32
    %dma_start3A_839 = tpu.memref_slice %arg15[%dma_start3A_836, %dma_start3A_837, %dma_start3A_838] : memref<2x64x128xf32, #tpu.memory_space<vmem>> -> memref<1x64x128xf32, #tpu.memory_space<vmem>>
    %dma_start3A_840 = tpu.memref_squeeze %dma_start3A_839 : memref<1x64x128xf32, #tpu.memory_space<vmem>> -> memref<64x128xf32, #tpu.memory_space<vmem>>
    %dma_start3A_841 = arith.constant 0 : i32
    %dma_start3A_842 = tpu.memref_slice %arg6[%add3A_835, %dma_start3A_841] : memref<131072x128xf32, #tpu.memory_space<hbm>> -> memref<64x128xf32, #tpu.memory_space<hbm>>
    %dma_start3A_843 = arith.constant 0 : i32
    %dma_start3A_844 = tpu.memref_slice %arg6[%add3A_835, %dma_start3A_843] : memref<131072x128xf32, #tpu.memory_space<hbm>> -> memref<64x128xf32, #tpu.memory_space<hbm>>
    %dma_start3A_845 = arith.constant 0 : i32
    %dma_start3A_846 = arith.constant 0 : i32
    %dma_start3A_847 = tpu.memref_slice %arg15[%dma_start3A_836, %dma_start3A_845, %dma_start3A_846] : memref<2x64x128xf32, #tpu.memory_space<vmem>> -> memref<1x64x128xf32, #tpu.memory_space<vmem>>
    %dma_start3A_848 = tpu.memref_squeeze %dma_start3A_847 : memref<1x64x128xf32, #tpu.memory_space<vmem>> -> memref<64x128xf32, #tpu.memory_space<vmem>>
    tpu.enqueue_dma source(%dma_start3A_848 : memref<64x128xf32, #tpu.memory_space<vmem>>) target(%dma_start3A_844 : memref<64x128xf32, #tpu.memory_space<hbm>>) target_semaphore(%arg18 : memref<!tpu.dma_semaphore, #tpu.memory_space<semaphore_mem>>)
    %add3A_849 = arith.constant 960 : i32
    %add3A_850 = arith.addi %add3A_42, %add3A_849 : i32
    %dma_wait3A_851 = arith.constant 1 : i32
    %dma_wait3A_852 = arith.constant 0 : i32
    %dma_wait3A_853 = arith.constant 0 : i32
    %dma_wait3A_854 = tpu.memref_slice %arg15[%dma_wait3A_851, %dma_wait3A_852, %dma_wait3A_853] : memref<2x64x128xf32, #tpu.memory_space<vmem>> -> memref<1x64x128xf32, #tpu.memory_space<vmem>>
    %dma_wait3A_855 = tpu.memref_squeeze %dma_wait3A_854 : memref<1x64x128xf32, #tpu.memory_space<vmem>> -> memref<64x128xf32, #tpu.memory_space<vmem>>
    %dma_wait3A_856 = arith.constant 0 : i32
    %dma_wait3A_857 = tpu.memref_slice %arg6[%add3A_850, %dma_wait3A_856] : memref<131072x128xf32, #tpu.memory_space<hbm>> -> memref<64x128xf32, #tpu.memory_space<hbm>>
    %dma_wait3A_858 = arith.constant 0 : i32
    %dma_wait3A_859 = tpu.memref_slice %arg6[%add3A_850, %dma_wait3A_858] : memref<131072x128xf32, #tpu.memory_space<hbm>> -> memref<64x128xf32, #tpu.memory_space<hbm>>
    %dma_wait3A_860 = arith.constant 0 : i32
    %dma_wait3A_861 = arith.constant 0 : i32
    %dma_wait3A_862 = tpu.memref_slice %arg15[%dma_wait3A_851, %dma_wait3A_860, %dma_wait3A_861] : memref<2x64x128xf32, #tpu.memory_space<vmem>> -> memref<1x64x128xf32, #tpu.memory_space<vmem>>
    %dma_wait3A_863 = tpu.memref_squeeze %dma_wait3A_862 : memref<1x64x128xf32, #tpu.memory_space<vmem>> -> memref<64x128xf32, #tpu.memory_space<vmem>>
    tpu.wait_dma2 semaphore(%arg18 : memref<!tpu.dma_semaphore, #tpu.memory_space<semaphore_mem>>) src(%dma_wait3A_863 : memref<64x128xf32, #tpu.memory_space<vmem>>) dst(%dma_wait3A_859 : memref<64x128xf32, #tpu.memory_space<hbm>>)
    %dma_start3A_864 = arith.constant 1 : i32
    %dma_start3A_865 = arith.constant 0 : i32
    %dma_start3A_866 = arith.constant 0 : i32
    %dma_start3A_867 = tpu.memref_slice %arg15[%dma_start3A_864, %dma_start3A_865, %dma_start3A_866] : memref<2x64x128xf32, #tpu.memory_space<vmem>> -> memref<1x64x128xf32, #tpu.memory_space<vmem>>
    %dma_start3A_868 = tpu.memref_squeeze %dma_start3A_867 : memref<1x64x128xf32, #tpu.memory_space<vmem>> -> memref<64x128xf32, #tpu.memory_space<vmem>>
    %dma_start3A_869 = arith.constant 1088 : i32
    %dma_start3A_870 = tpu.memref_slice %arg10[%dma_start3A_869] : memref<2048xi32, #tpu.memory_space<vmem>> -> memref<64xi32, #tpu.memory_space<vmem>>
    %dma_start3A_871 = arith.constant 0 : i32
    %dma_start3A_872 = arith.constant 0 : i32
    %dma_start3A_873 = tpu.memref_slice %arg2[%dma_start3A_871, %dma_start3A_872] : memref<1000000x128xf32, #tpu.memory_space<hbm>> -> memref<1000000x128xf32, #tpu.memory_space<hbm>>
    tpu.enqueue_indirect_dma source(%dma_start3A_873 : memref<1000000x128xf32, #tpu.memory_space<hbm>>) target(%dma_start3A_868 : memref<64x128xf32, #tpu.memory_space<vmem>>) offsets(%dma_start3A_870 : memref<64xi32, #tpu.memory_space<vmem>>) semaphore(%arg17 : memref<!tpu.dma_semaphore, #tpu.memory_space<semaphore_mem>>)
    %dma_wait3A_874 = arith.constant 0 : i32
    %dma_wait3A_875 = arith.constant 0 : i32
    %dma_wait3A_876 = arith.constant 0 : i32
    %dma_wait3A_877 = tpu.memref_slice %arg15[%dma_wait3A_874, %dma_wait3A_875, %dma_wait3A_876] : memref<2x64x128xf32, #tpu.memory_space<vmem>> -> memref<1x64x128xf32, #tpu.memory_space<vmem>>
    %dma_wait3A_878 = tpu.memref_squeeze %dma_wait3A_877 : memref<1x64x128xf32, #tpu.memory_space<vmem>> -> memref<64x128xf32, #tpu.memory_space<vmem>>
    %dma_wait3A_879 = arith.constant 1024 : i32
    %dma_wait3A_880 = tpu.memref_slice %arg10[%dma_wait3A_879] : memref<2048xi32, #tpu.memory_space<vmem>> -> memref<64xi32, #tpu.memory_space<vmem>>
    %dma_wait3A_881 = arith.constant 0 : i32
    %dma_wait3A_882 = arith.constant 0 : i32
    %dma_wait3A_883 = tpu.memref_slice %arg2[%dma_wait3A_881, %dma_wait3A_882] : memref<1000000x128xf32, #tpu.memory_space<hbm>> -> memref<1000000x128xf32, #tpu.memory_space<hbm>>
    tpu.wait_indirect_dma semaphore(%arg17 : memref<!tpu.dma_semaphore, #tpu.memory_space<semaphore_mem>>) src(%dma_wait3A_883 : memref<1000000x128xf32, #tpu.memory_space<hbm>>) dst(%dma_wait3A_878 : memref<64x128xf32, #tpu.memory_space<vmem>>)
    %add3A_884 = arith.constant 1024 : i32
    %add3A_885 = arith.addi %add3A_42, %add3A_884 : i32
    %dma_start3A_886 = arith.constant 0 : i32
    %dma_start3A_887 = arith.constant 0 : i32
    %dma_start3A_888 = arith.constant 0 : i32
    %dma_start3A_889 = tpu.memref_slice %arg15[%dma_start3A_886, %dma_start3A_887, %dma_start3A_888] : memref<2x64x128xf32, #tpu.memory_space<vmem>> -> memref<1x64x128xf32, #tpu.memory_space<vmem>>
    %dma_start3A_890 = tpu.memref_squeeze %dma_start3A_889 : memref<1x64x128xf32, #tpu.memory_space<vmem>> -> memref<64x128xf32, #tpu.memory_space<vmem>>
    %dma_start3A_891 = arith.constant 0 : i32
    %dma_start3A_892 = tpu.memref_slice %arg6[%add3A_885, %dma_start3A_891] : memref<131072x128xf32, #tpu.memory_space<hbm>> -> memref<64x128xf32, #tpu.memory_space<hbm>>
    %dma_start3A_893 = arith.constant 0 : i32
    %dma_start3A_894 = tpu.memref_slice %arg6[%add3A_885, %dma_start3A_893] : memref<131072x128xf32, #tpu.memory_space<hbm>> -> memref<64x128xf32, #tpu.memory_space<hbm>>
    %dma_start3A_895 = arith.constant 0 : i32
    %dma_start3A_896 = arith.constant 0 : i32
    %dma_start3A_897 = tpu.memref_slice %arg15[%dma_start3A_886, %dma_start3A_895, %dma_start3A_896] : memref<2x64x128xf32, #tpu.memory_space<vmem>> -> memref<1x64x128xf32, #tpu.memory_space<vmem>>
    %dma_start3A_898 = tpu.memref_squeeze %dma_start3A_897 : memref<1x64x128xf32, #tpu.memory_space<vmem>> -> memref<64x128xf32, #tpu.memory_space<vmem>>
    tpu.enqueue_dma source(%dma_start3A_898 : memref<64x128xf32, #tpu.memory_space<vmem>>) target(%dma_start3A_894 : memref<64x128xf32, #tpu.memory_space<hbm>>) target_semaphore(%arg18 : memref<!tpu.dma_semaphore, #tpu.memory_space<semaphore_mem>>)
    %add3A_899 = arith.constant 1024 : i32
    %add3A_900 = arith.addi %add3A_42, %add3A_899 : i32
    %dma_wait3A_901 = arith.constant 0 : i32
    %dma_wait3A_902 = arith.constant 0 : i32
    %dma_wait3A_903 = arith.constant 0 : i32
    %dma_wait3A_904 = tpu.memref_slice %arg15[%dma_wait3A_901, %dma_wait3A_902, %dma_wait3A_903] : memref<2x64x128xf32, #tpu.memory_space<vmem>> -> memref<1x64x128xf32, #tpu.memory_space<vmem>>
    %dma_wait3A_905 = tpu.memref_squeeze %dma_wait3A_904 : memref<1x64x128xf32, #tpu.memory_space<vmem>> -> memref<64x128xf32, #tpu.memory_space<vmem>>
    %dma_wait3A_906 = arith.constant 0 : i32
    %dma_wait3A_907 = tpu.memref_slice %arg6[%add3A_900, %dma_wait3A_906] : memref<131072x128xf32, #tpu.memory_space<hbm>> -> memref<64x128xf32, #tpu.memory_space<hbm>>
    %dma_wait3A_908 = arith.constant 0 : i32
    %dma_wait3A_909 = tpu.memref_slice %arg6[%add3A_900, %dma_wait3A_908] : memref<131072x128xf32, #tpu.memory_space<hbm>> -> memref<64x128xf32, #tpu.memory_space<hbm>>
    %dma_wait3A_910 = arith.constant 0 : i32
    %dma_wait3A_911 = arith.constant 0 : i32
    %dma_wait3A_912 = tpu.memref_slice %arg15[%dma_wait3A_901, %dma_wait3A_910, %dma_wait3A_911] : memref<2x64x128xf32, #tpu.memory_space<vmem>> -> memref<1x64x128xf32, #tpu.memory_space<vmem>>
    %dma_wait3A_913 = tpu.memref_squeeze %dma_wait3A_912 : memref<1x64x128xf32, #tpu.memory_space<vmem>> -> memref<64x128xf32, #tpu.memory_space<vmem>>
    tpu.wait_dma2 semaphore(%arg18 : memref<!tpu.dma_semaphore, #tpu.memory_space<semaphore_mem>>) src(%dma_wait3A_913 : memref<64x128xf32, #tpu.memory_space<vmem>>) dst(%dma_wait3A_909 : memref<64x128xf32, #tpu.memory_space<hbm>>)
    %dma_start3A_914 = arith.constant 0 : i32
    %dma_start3A_915 = arith.constant 0 : i32
    %dma_start3A_916 = arith.constant 0 : i32
    %dma_start3A_917 = tpu.memref_slice %arg15[%dma_start3A_914, %dma_start3A_915, %dma_start3A_916] : memref<2x64x128xf32, #tpu.memory_space<vmem>> -> memref<1x64x128xf32, #tpu.memory_space<vmem>>
    %dma_start3A_918 = tpu.memref_squeeze %dma_start3A_917 : memref<1x64x128xf32, #tpu.memory_space<vmem>> -> memref<64x128xf32, #tpu.memory_space<vmem>>
    %dma_start3A_919 = arith.constant 1152 : i32
    %dma_start3A_920 = tpu.memref_slice %arg10[%dma_start3A_919] : memref<2048xi32, #tpu.memory_space<vmem>> -> memref<64xi32, #tpu.memory_space<vmem>>
    %dma_start3A_921 = arith.constant 0 : i32
    %dma_start3A_922 = arith.constant 0 : i32
    %dma_start3A_923 = tpu.memref_slice %arg2[%dma_start3A_921, %dma_start3A_922] : memref<1000000x128xf32, #tpu.memory_space<hbm>> -> memref<1000000x128xf32, #tpu.memory_space<hbm>>
    tpu.enqueue_indirect_dma source(%dma_start3A_923 : memref<1000000x128xf32, #tpu.memory_space<hbm>>) target(%dma_start3A_918 : memref<64x128xf32, #tpu.memory_space<vmem>>) offsets(%dma_start3A_920 : memref<64xi32, #tpu.memory_space<vmem>>) semaphore(%arg17 : memref<!tpu.dma_semaphore, #tpu.memory_space<semaphore_mem>>)
    %dma_wait3A_924 = arith.constant 1 : i32
    %dma_wait3A_925 = arith.constant 0 : i32
    %dma_wait3A_926 = arith.constant 0 : i32
    %dma_wait3A_927 = tpu.memref_slice %arg15[%dma_wait3A_924, %dma_wait3A_925, %dma_wait3A_926] : memref<2x64x128xf32, #tpu.memory_space<vmem>> -> memref<1x64x128xf32, #tpu.memory_space<vmem>>
    %dma_wait3A_928 = tpu.memref_squeeze %dma_wait3A_927 : memref<1x64x128xf32, #tpu.memory_space<vmem>> -> memref<64x128xf32, #tpu.memory_space<vmem>>
    %dma_wait3A_929 = arith.constant 1088 : i32
    %dma_wait3A_930 = tpu.memref_slice %arg10[%dma_wait3A_929] : memref<2048xi32, #tpu.memory_space<vmem>> -> memref<64xi32, #tpu.memory_space<vmem>>
    %dma_wait3A_931 = arith.constant 0 : i32
    %dma_wait3A_932 = arith.constant 0 : i32
    %dma_wait3A_933 = tpu.memref_slice %arg2[%dma_wait3A_931, %dma_wait3A_932] : memref<1000000x128xf32, #tpu.memory_space<hbm>> -> memref<1000000x128xf32, #tpu.memory_space<hbm>>
    tpu.wait_indirect_dma semaphore(%arg17 : memref<!tpu.dma_semaphore, #tpu.memory_space<semaphore_mem>>) src(%dma_wait3A_933 : memref<1000000x128xf32, #tpu.memory_space<hbm>>) dst(%dma_wait3A_928 : memref<64x128xf32, #tpu.memory_space<vmem>>)
    %add3A_934 = arith.constant 1088 : i32
    %add3A_935 = arith.addi %add3A_42, %add3A_934 : i32
    %dma_start3A_936 = arith.constant 1 : i32
    %dma_start3A_937 = arith.constant 0 : i32
    %dma_start3A_938 = arith.constant 0 : i32
    %dma_start3A_939 = tpu.memref_slice %arg15[%dma_start3A_936, %dma_start3A_937, %dma_start3A_938] : memref<2x64x128xf32, #tpu.memory_space<vmem>> -> memref<1x64x128xf32, #tpu.memory_space<vmem>>
    %dma_start3A_940 = tpu.memref_squeeze %dma_start3A_939 : memref<1x64x128xf32, #tpu.memory_space<vmem>> -> memref<64x128xf32, #tpu.memory_space<vmem>>
    %dma_start3A_941 = arith.constant 0 : i32
    %dma_start3A_942 = tpu.memref_slice %arg6[%add3A_935, %dma_start3A_941] : memref<131072x128xf32, #tpu.memory_space<hbm>> -> memref<64x128xf32, #tpu.memory_space<hbm>>
    %dma_start3A_943 = arith.constant 0 : i32
    %dma_start3A_944 = tpu.memref_slice %arg6[%add3A_935, %dma_start3A_943] : memref<131072x128xf32, #tpu.memory_space<hbm>> -> memref<64x128xf32, #tpu.memory_space<hbm>>
    %dma_start3A_945 = arith.constant 0 : i32
    %dma_start3A_946 = arith.constant 0 : i32
    %dma_start3A_947 = tpu.memref_slice %arg15[%dma_start3A_936, %dma_start3A_945, %dma_start3A_946] : memref<2x64x128xf32, #tpu.memory_space<vmem>> -> memref<1x64x128xf32, #tpu.memory_space<vmem>>
    %dma_start3A_948 = tpu.memref_squeeze %dma_start3A_947 : memref<1x64x128xf32, #tpu.memory_space<vmem>> -> memref<64x128xf32, #tpu.memory_space<vmem>>
    tpu.enqueue_dma source(%dma_start3A_948 : memref<64x128xf32, #tpu.memory_space<vmem>>) target(%dma_start3A_944 : memref<64x128xf32, #tpu.memory_space<hbm>>) target_semaphore(%arg18 : memref<!tpu.dma_semaphore, #tpu.memory_space<semaphore_mem>>)
    %add3A_949 = arith.constant 1088 : i32
    %add3A_950 = arith.addi %add3A_42, %add3A_949 : i32
    %dma_wait3A_951 = arith.constant 1 : i32
    %dma_wait3A_952 = arith.constant 0 : i32
    %dma_wait3A_953 = arith.constant 0 : i32
    %dma_wait3A_954 = tpu.memref_slice %arg15[%dma_wait3A_951, %dma_wait3A_952, %dma_wait3A_953] : memref<2x64x128xf32, #tpu.memory_space<vmem>> -> memref<1x64x128xf32, #tpu.memory_space<vmem>>
    %dma_wait3A_955 = tpu.memref_squeeze %dma_wait3A_954 : memref<1x64x128xf32, #tpu.memory_space<vmem>> -> memref<64x128xf32, #tpu.memory_space<vmem>>
    %dma_wait3A_956 = arith.constant 0 : i32
    %dma_wait3A_957 = tpu.memref_slice %arg6[%add3A_950, %dma_wait3A_956] : memref<131072x128xf32, #tpu.memory_space<hbm>> -> memref<64x128xf32, #tpu.memory_space<hbm>>
    %dma_wait3A_958 = arith.constant 0 : i32
    %dma_wait3A_959 = tpu.memref_slice %arg6[%add3A_950, %dma_wait3A_958] : memref<131072x128xf32, #tpu.memory_space<hbm>> -> memref<64x128xf32, #tpu.memory_space<hbm>>
    %dma_wait3A_960 = arith.constant 0 : i32
    %dma_wait3A_961 = arith.constant 0 : i32
    %dma_wait3A_962 = tpu.memref_slice %arg15[%dma_wait3A_951, %dma_wait3A_960, %dma_wait3A_961] : memref<2x64x128xf32, #tpu.memory_space<vmem>> -> memref<1x64x128xf32, #tpu.memory_space<vmem>>
    %dma_wait3A_963 = tpu.memref_squeeze %dma_wait3A_962 : memref<1x64x128xf32, #tpu.memory_space<vmem>> -> memref<64x128xf32, #tpu.memory_space<vmem>>
    tpu.wait_dma2 semaphore(%arg18 : memref<!tpu.dma_semaphore, #tpu.memory_space<semaphore_mem>>) src(%dma_wait3A_963 : memref<64x128xf32, #tpu.memory_space<vmem>>) dst(%dma_wait3A_959 : memref<64x128xf32, #tpu.memory_space<hbm>>)
    %dma_start3A_964 = arith.constant 1 : i32
    %dma_start3A_965 = arith.constant 0 : i32
    %dma_start3A_966 = arith.constant 0 : i32
    %dma_start3A_967 = tpu.memref_slice %arg15[%dma_start3A_964, %dma_start3A_965, %dma_start3A_966] : memref<2x64x128xf32, #tpu.memory_space<vmem>> -> memref<1x64x128xf32, #tpu.memory_space<vmem>>
    %dma_start3A_968 = tpu.memref_squeeze %dma_start3A_967 : memref<1x64x128xf32, #tpu.memory_space<vmem>> -> memref<64x128xf32, #tpu.memory_space<vmem>>
    %dma_start3A_969 = arith.constant 1216 : i32
    %dma_start3A_970 = tpu.memref_slice %arg10[%dma_start3A_969] : memref<2048xi32, #tpu.memory_space<vmem>> -> memref<64xi32, #tpu.memory_space<vmem>>
    %dma_start3A_971 = arith.constant 0 : i32
    %dma_start3A_972 = arith.constant 0 : i32
    %dma_start3A_973 = tpu.memref_slice %arg2[%dma_start3A_971, %dma_start3A_972] : memref<1000000x128xf32, #tpu.memory_space<hbm>> -> memref<1000000x128xf32, #tpu.memory_space<hbm>>
    tpu.enqueue_indirect_dma source(%dma_start3A_973 : memref<1000000x128xf32, #tpu.memory_space<hbm>>) target(%dma_start3A_968 : memref<64x128xf32, #tpu.memory_space<vmem>>) offsets(%dma_start3A_970 : memref<64xi32, #tpu.memory_space<vmem>>) semaphore(%arg17 : memref<!tpu.dma_semaphore, #tpu.memory_space<semaphore_mem>>)
    %dma_wait3A_974 = arith.constant 0 : i32
    %dma_wait3A_975 = arith.constant 0 : i32
    %dma_wait3A_976 = arith.constant 0 : i32
    %dma_wait3A_977 = tpu.memref_slice %arg15[%dma_wait3A_974, %dma_wait3A_975, %dma_wait3A_976] : memref<2x64x128xf32, #tpu.memory_space<vmem>> -> memref<1x64x128xf32, #tpu.memory_space<vmem>>
    %dma_wait3A_978 = tpu.memref_squeeze %dma_wait3A_977 : memref<1x64x128xf32, #tpu.memory_space<vmem>> -> memref<64x128xf32, #tpu.memory_space<vmem>>
    %dma_wait3A_979 = arith.constant 1152 : i32
    %dma_wait3A_980 = tpu.memref_slice %arg10[%dma_wait3A_979] : memref<2048xi32, #tpu.memory_space<vmem>> -> memref<64xi32, #tpu.memory_space<vmem>>
    %dma_wait3A_981 = arith.constant 0 : i32
    %dma_wait3A_982 = arith.constant 0 : i32
    %dma_wait3A_983 = tpu.memref_slice %arg2[%dma_wait3A_981, %dma_wait3A_982] : memref<1000000x128xf32, #tpu.memory_space<hbm>> -> memref<1000000x128xf32, #tpu.memory_space<hbm>>
    tpu.wait_indirect_dma semaphore(%arg17 : memref<!tpu.dma_semaphore, #tpu.memory_space<semaphore_mem>>) src(%dma_wait3A_983 : memref<1000000x128xf32, #tpu.memory_space<hbm>>) dst(%dma_wait3A_978 : memref<64x128xf32, #tpu.memory_space<vmem>>)
    %add3A_984 = arith.constant 1152 : i32
    %add3A_985 = arith.addi %add3A_42, %add3A_984 : i32
    %dma_start3A_986 = arith.constant 0 : i32
    %dma_start3A_987 = arith.constant 0 : i32
    %dma_start3A_988 = arith.constant 0 : i32
    %dma_start3A_989 = tpu.memref_slice %arg15[%dma_start3A_986, %dma_start3A_987, %dma_start3A_988] : memref<2x64x128xf32, #tpu.memory_space<vmem>> -> memref<1x64x128xf32, #tpu.memory_space<vmem>>
    %dma_start3A_990 = tpu.memref_squeeze %dma_start3A_989 : memref<1x64x128xf32, #tpu.memory_space<vmem>> -> memref<64x128xf32, #tpu.memory_space<vmem>>
    %dma_start3A_991 = arith.constant 0 : i32
    %dma_start3A_992 = tpu.memref_slice %arg6[%add3A_985, %dma_start3A_991] : memref<131072x128xf32, #tpu.memory_space<hbm>> -> memref<64x128xf32, #tpu.memory_space<hbm>>
    %dma_start3A_993 = arith.constant 0 : i32
    %dma_start3A_994 = tpu.memref_slice %arg6[%add3A_985, %dma_start3A_993] : memref<131072x128xf32, #tpu.memory_space<hbm>> -> memref<64x128xf32, #tpu.memory_space<hbm>>
    %dma_start3A_995 = arith.constant 0 : i32
    %dma_start3A_996 = arith.constant 0 : i32
    %dma_start3A_997 = tpu.memref_slice %arg15[%dma_start3A_986, %dma_start3A_995, %dma_start3A_996] : memref<2x64x128xf32, #tpu.memory_space<vmem>> -> memref<1x64x128xf32, #tpu.memory_space<vmem>>
    %dma_start3A_998 = tpu.memref_squeeze %dma_start3A_997 : memref<1x64x128xf32, #tpu.memory_space<vmem>> -> memref<64x128xf32, #tpu.memory_space<vmem>>
    tpu.enqueue_dma source(%dma_start3A_998 : memref<64x128xf32, #tpu.memory_space<vmem>>) target(%dma_start3A_994 : memref<64x128xf32, #tpu.memory_space<hbm>>) target_semaphore(%arg18 : memref<!tpu.dma_semaphore, #tpu.memory_space<semaphore_mem>>)
    %add3A_999 = arith.constant 1152 : i32
    %add3A_1000 = arith.addi %add3A_42, %add3A_999 : i32
    %dma_wait3A_1001 = arith.constant 0 : i32
    %dma_wait3A_1002 = arith.constant 0 : i32
    %dma_wait3A_1003 = arith.constant 0 : i32
    %dma_wait3A_1004 = tpu.memref_slice %arg15[%dma_wait3A_1001, %dma_wait3A_1002, %dma_wait3A_1003] : memref<2x64x128xf32, #tpu.memory_space<vmem>> -> memref<1x64x128xf32, #tpu.memory_space<vmem>>
    %dma_wait3A_1005 = tpu.memref_squeeze %dma_wait3A_1004 : memref<1x64x128xf32, #tpu.memory_space<vmem>> -> memref<64x128xf32, #tpu.memory_space<vmem>>
    %dma_wait3A_1006 = arith.constant 0 : i32
    %dma_wait3A_1007 = tpu.memref_slice %arg6[%add3A_1000, %dma_wait3A_1006] : memref<131072x128xf32, #tpu.memory_space<hbm>> -> memref<64x128xf32, #tpu.memory_space<hbm>>
    %dma_wait3A_1008 = arith.constant 0 : i32
    %dma_wait3A_1009 = tpu.memref_slice %arg6[%add3A_1000, %dma_wait3A_1008] : memref<131072x128xf32, #tpu.memory_space<hbm>> -> memref<64x128xf32, #tpu.memory_space<hbm>>
    %dma_wait3A_1010 = arith.constant 0 : i32
    %dma_wait3A_1011 = arith.constant 0 : i32
    %dma_wait3A_1012 = tpu.memref_slice %arg15[%dma_wait3A_1001, %dma_wait3A_1010, %dma_wait3A_1011] : memref<2x64x128xf32, #tpu.memory_space<vmem>> -> memref<1x64x128xf32, #tpu.memory_space<vmem>>
    %dma_wait3A_1013 = tpu.memref_squeeze %dma_wait3A_1012 : memref<1x64x128xf32, #tpu.memory_space<vmem>> -> memref<64x128xf32, #tpu.memory_space<vmem>>
    tpu.wait_dma2 semaphore(%arg18 : memref<!tpu.dma_semaphore, #tpu.memory_space<semaphore_mem>>) src(%dma_wait3A_1013 : memref<64x128xf32, #tpu.memory_space<vmem>>) dst(%dma_wait3A_1009 : memref<64x128xf32, #tpu.memory_space<hbm>>)
    %dma_start3A_1014 = arith.constant 0 : i32
    %dma_start3A_1015 = arith.constant 0 : i32
    %dma_start3A_1016 = arith.constant 0 : i32
    %dma_start3A_1017 = tpu.memref_slice %arg15[%dma_start3A_1014, %dma_start3A_1015, %dma_start3A_1016] : memref<2x64x128xf32, #tpu.memory_space<vmem>> -> memref<1x64x128xf32, #tpu.memory_space<vmem>>
    %dma_start3A_1018 = tpu.memref_squeeze %dma_start3A_1017 : memref<1x64x128xf32, #tpu.memory_space<vmem>> -> memref<64x128xf32, #tpu.memory_space<vmem>>
    %dma_start3A_1019 = arith.constant 1280 : i32
    %dma_start3A_1020 = tpu.memref_slice %arg10[%dma_start3A_1019] : memref<2048xi32, #tpu.memory_space<vmem>> -> memref<64xi32, #tpu.memory_space<vmem>>
    %dma_start3A_1021 = arith.constant 0 : i32
    %dma_start3A_1022 = arith.constant 0 : i32
    %dma_start3A_1023 = tpu.memref_slice %arg2[%dma_start3A_1021, %dma_start3A_1022] : memref<1000000x128xf32, #tpu.memory_space<hbm>> -> memref<1000000x128xf32, #tpu.memory_space<hbm>>
    tpu.enqueue_indirect_dma source(%dma_start3A_1023 : memref<1000000x128xf32, #tpu.memory_space<hbm>>) target(%dma_start3A_1018 : memref<64x128xf32, #tpu.memory_space<vmem>>) offsets(%dma_start3A_1020 : memref<64xi32, #tpu.memory_space<vmem>>) semaphore(%arg17 : memref<!tpu.dma_semaphore, #tpu.memory_space<semaphore_mem>>)
    %dma_wait3A_1024 = arith.constant 1 : i32
    %dma_wait3A_1025 = arith.constant 0 : i32
    %dma_wait3A_1026 = arith.constant 0 : i32
    %dma_wait3A_1027 = tpu.memref_slice %arg15[%dma_wait3A_1024, %dma_wait3A_1025, %dma_wait3A_1026] : memref<2x64x128xf32, #tpu.memory_space<vmem>> -> memref<1x64x128xf32, #tpu.memory_space<vmem>>
    %dma_wait3A_1028 = tpu.memref_squeeze %dma_wait3A_1027 : memref<1x64x128xf32, #tpu.memory_space<vmem>> -> memref<64x128xf32, #tpu.memory_space<vmem>>
    %dma_wait3A_1029 = arith.constant 1216 : i32
    %dma_wait3A_1030 = tpu.memref_slice %arg10[%dma_wait3A_1029] : memref<2048xi32, #tpu.memory_space<vmem>> -> memref<64xi32, #tpu.memory_space<vmem>>
    %dma_wait3A_1031 = arith.constant 0 : i32
    %dma_wait3A_1032 = arith.constant 0 : i32
    %dma_wait3A_1033 = tpu.memref_slice %arg2[%dma_wait3A_1031, %dma_wait3A_1032] : memref<1000000x128xf32, #tpu.memory_space<hbm>> -> memref<1000000x128xf32, #tpu.memory_space<hbm>>
    tpu.wait_indirect_dma semaphore(%arg17 : memref<!tpu.dma_semaphore, #tpu.memory_space<semaphore_mem>>) src(%dma_wait3A_1033 : memref<1000000x128xf32, #tpu.memory_space<hbm>>) dst(%dma_wait3A_1028 : memref<64x128xf32, #tpu.memory_space<vmem>>)
    %add3A_1034 = arith.constant 1216 : i32
    %add3A_1035 = arith.addi %add3A_42, %add3A_1034 : i32
    %dma_start3A_1036 = arith.constant 1 : i32
    %dma_start3A_1037 = arith.constant 0 : i32
    %dma_start3A_1038 = arith.constant 0 : i32
    %dma_start3A_1039 = tpu.memref_slice %arg15[%dma_start3A_1036, %dma_start3A_1037, %dma_start3A_1038] : memref<2x64x128xf32, #tpu.memory_space<vmem>> -> memref<1x64x128xf32, #tpu.memory_space<vmem>>
    %dma_start3A_1040 = tpu.memref_squeeze %dma_start3A_1039 : memref<1x64x128xf32, #tpu.memory_space<vmem>> -> memref<64x128xf32, #tpu.memory_space<vmem>>
    %dma_start3A_1041 = arith.constant 0 : i32
    %dma_start3A_1042 = tpu.memref_slice %arg6[%add3A_1035, %dma_start3A_1041] : memref<131072x128xf32, #tpu.memory_space<hbm>> -> memref<64x128xf32, #tpu.memory_space<hbm>>
    %dma_start3A_1043 = arith.constant 0 : i32
    %dma_start3A_1044 = tpu.memref_slice %arg6[%add3A_1035, %dma_start3A_1043] : memref<131072x128xf32, #tpu.memory_space<hbm>> -> memref<64x128xf32, #tpu.memory_space<hbm>>
    %dma_start3A_1045 = arith.constant 0 : i32
    %dma_start3A_1046 = arith.constant 0 : i32
    %dma_start3A_1047 = tpu.memref_slice %arg15[%dma_start3A_1036, %dma_start3A_1045, %dma_start3A_1046] : memref<2x64x128xf32, #tpu.memory_space<vmem>> -> memref<1x64x128xf32, #tpu.memory_space<vmem>>
    %dma_start3A_1048 = tpu.memref_squeeze %dma_start3A_1047 : memref<1x64x128xf32, #tpu.memory_space<vmem>> -> memref<64x128xf32, #tpu.memory_space<vmem>>
    tpu.enqueue_dma source(%dma_start3A_1048 : memref<64x128xf32, #tpu.memory_space<vmem>>) target(%dma_start3A_1044 : memref<64x128xf32, #tpu.memory_space<hbm>>) target_semaphore(%arg18 : memref<!tpu.dma_semaphore, #tpu.memory_space<semaphore_mem>>)
    %add3A_1049 = arith.constant 1216 : i32
    %add3A_1050 = arith.addi %add3A_42, %add3A_1049 : i32
    %dma_wait3A_1051 = arith.constant 1 : i32
    %dma_wait3A_1052 = arith.constant 0 : i32
    %dma_wait3A_1053 = arith.constant 0 : i32
    %dma_wait3A_1054 = tpu.memref_slice %arg15[%dma_wait3A_1051, %dma_wait3A_1052, %dma_wait3A_1053] : memref<2x64x128xf32, #tpu.memory_space<vmem>> -> memref<1x64x128xf32, #tpu.memory_space<vmem>>
    %dma_wait3A_1055 = tpu.memref_squeeze %dma_wait3A_1054 : memref<1x64x128xf32, #tpu.memory_space<vmem>> -> memref<64x128xf32, #tpu.memory_space<vmem>>
    %dma_wait3A_1056 = arith.constant 0 : i32
    %dma_wait3A_1057 = tpu.memref_slice %arg6[%add3A_1050, %dma_wait3A_1056] : memref<131072x128xf32, #tpu.memory_space<hbm>> -> memref<64x128xf32, #tpu.memory_space<hbm>>
    %dma_wait3A_1058 = arith.constant 0 : i32
    %dma_wait3A_1059 = tpu.memref_slice %arg6[%add3A_1050, %dma_wait3A_1058] : memref<131072x128xf32, #tpu.memory_space<hbm>> -> memref<64x128xf32, #tpu.memory_space<hbm>>
    %dma_wait3A_1060 = arith.constant 0 : i32
    %dma_wait3A_1061 = arith.constant 0 : i32
    %dma_wait3A_1062 = tpu.memref_slice %arg15[%dma_wait3A_1051, %dma_wait3A_1060, %dma_wait3A_1061] : memref<2x64x128xf32, #tpu.memory_space<vmem>> -> memref<1x64x128xf32, #tpu.memory_space<vmem>>
    %dma_wait3A_1063 = tpu.memref_squeeze %dma_wait3A_1062 : memref<1x64x128xf32, #tpu.memory_space<vmem>> -> memref<64x128xf32, #tpu.memory_space<vmem>>
    tpu.wait_dma2 semaphore(%arg18 : memref<!tpu.dma_semaphore, #tpu.memory_space<semaphore_mem>>) src(%dma_wait3A_1063 : memref<64x128xf32, #tpu.memory_space<vmem>>) dst(%dma_wait3A_1059 : memref<64x128xf32, #tpu.memory_space<hbm>>)
    %dma_start3A_1064 = arith.constant 1 : i32
    %dma_start3A_1065 = arith.constant 0 : i32
    %dma_start3A_1066 = arith.constant 0 : i32
    %dma_start3A_1067 = tpu.memref_slice %arg15[%dma_start3A_1064, %dma_start3A_1065, %dma_start3A_1066] : memref<2x64x128xf32, #tpu.memory_space<vmem>> -> memref<1x64x128xf32, #tpu.memory_space<vmem>>
    %dma_start3A_1068 = tpu.memref_squeeze %dma_start3A_1067 : memref<1x64x128xf32, #tpu.memory_space<vmem>> -> memref<64x128xf32, #tpu.memory_space<vmem>>
    %dma_start3A_1069 = arith.constant 1344 : i32
    %dma_start3A_1070 = tpu.memref_slice %arg10[%dma_start3A_1069] : memref<2048xi32, #tpu.memory_space<vmem>> -> memref<64xi32, #tpu.memory_space<vmem>>
    %dma_start3A_1071 = arith.constant 0 : i32
    %dma_start3A_1072 = arith.constant 0 : i32
    %dma_start3A_1073 = tpu.memref_slice %arg2[%dma_start3A_1071, %dma_start3A_1072] : memref<1000000x128xf32, #tpu.memory_space<hbm>> -> memref<1000000x128xf32, #tpu.memory_space<hbm>>
    tpu.enqueue_indirect_dma source(%dma_start3A_1073 : memref<1000000x128xf32, #tpu.memory_space<hbm>>) target(%dma_start3A_1068 : memref<64x128xf32, #tpu.memory_space<vmem>>) offsets(%dma_start3A_1070 : memref<64xi32, #tpu.memory_space<vmem>>) semaphore(%arg17 : memref<!tpu.dma_semaphore, #tpu.memory_space<semaphore_mem>>)
    %dma_wait3A_1074 = arith.constant 0 : i32
    %dma_wait3A_1075 = arith.constant 0 : i32
    %dma_wait3A_1076 = arith.constant 0 : i32
    %dma_wait3A_1077 = tpu.memref_slice %arg15[%dma_wait3A_1074, %dma_wait3A_1075, %dma_wait3A_1076] : memref<2x64x128xf32, #tpu.memory_space<vmem>> -> memref<1x64x128xf32, #tpu.memory_space<vmem>>
    %dma_wait3A_1078 = tpu.memref_squeeze %dma_wait3A_1077 : memref<1x64x128xf32, #tpu.memory_space<vmem>> -> memref<64x128xf32, #tpu.memory_space<vmem>>
    %dma_wait3A_1079 = arith.constant 1280 : i32
    %dma_wait3A_1080 = tpu.memref_slice %arg10[%dma_wait3A_1079] : memref<2048xi32, #tpu.memory_space<vmem>> -> memref<64xi32, #tpu.memory_space<vmem>>
    %dma_wait3A_1081 = arith.constant 0 : i32
    %dma_wait3A_1082 = arith.constant 0 : i32
    %dma_wait3A_1083 = tpu.memref_slice %arg2[%dma_wait3A_1081, %dma_wait3A_1082] : memref<1000000x128xf32, #tpu.memory_space<hbm>> -> memref<1000000x128xf32, #tpu.memory_space<hbm>>
    tpu.wait_indirect_dma semaphore(%arg17 : memref<!tpu.dma_semaphore, #tpu.memory_space<semaphore_mem>>) src(%dma_wait3A_1083 : memref<1000000x128xf32, #tpu.memory_space<hbm>>) dst(%dma_wait3A_1078 : memref<64x128xf32, #tpu.memory_space<vmem>>)
    %add3A_1084 = arith.constant 1280 : i32
    %add3A_1085 = arith.addi %add3A_42, %add3A_1084 : i32
    %dma_start3A_1086 = arith.constant 0 : i32
    %dma_start3A_1087 = arith.constant 0 : i32
    %dma_start3A_1088 = arith.constant 0 : i32
    %dma_start3A_1089 = tpu.memref_slice %arg15[%dma_start3A_1086, %dma_start3A_1087, %dma_start3A_1088] : memref<2x64x128xf32, #tpu.memory_space<vmem>> -> memref<1x64x128xf32, #tpu.memory_space<vmem>>
    %dma_start3A_1090 = tpu.memref_squeeze %dma_start3A_1089 : memref<1x64x128xf32, #tpu.memory_space<vmem>> -> memref<64x128xf32, #tpu.memory_space<vmem>>
    %dma_start3A_1091 = arith.constant 0 : i32
    %dma_start3A_1092 = tpu.memref_slice %arg6[%add3A_1085, %dma_start3A_1091] : memref<131072x128xf32, #tpu.memory_space<hbm>> -> memref<64x128xf32, #tpu.memory_space<hbm>>
    %dma_start3A_1093 = arith.constant 0 : i32
    %dma_start3A_1094 = tpu.memref_slice %arg6[%add3A_1085, %dma_start3A_1093] : memref<131072x128xf32, #tpu.memory_space<hbm>> -> memref<64x128xf32, #tpu.memory_space<hbm>>
    %dma_start3A_1095 = arith.constant 0 : i32
    %dma_start3A_1096 = arith.constant 0 : i32
    %dma_start3A_1097 = tpu.memref_slice %arg15[%dma_start3A_1086, %dma_start3A_1095, %dma_start3A_1096] : memref<2x64x128xf32, #tpu.memory_space<vmem>> -> memref<1x64x128xf32, #tpu.memory_space<vmem>>
    %dma_start3A_1098 = tpu.memref_squeeze %dma_start3A_1097 : memref<1x64x128xf32, #tpu.memory_space<vmem>> -> memref<64x128xf32, #tpu.memory_space<vmem>>
    tpu.enqueue_dma source(%dma_start3A_1098 : memref<64x128xf32, #tpu.memory_space<vmem>>) target(%dma_start3A_1094 : memref<64x128xf32, #tpu.memory_space<hbm>>) target_semaphore(%arg18 : memref<!tpu.dma_semaphore, #tpu.memory_space<semaphore_mem>>)
    %add3A_1099 = arith.constant 1280 : i32
    %add3A_1100 = arith.addi %add3A_42, %add3A_1099 : i32
    %dma_wait3A_1101 = arith.constant 0 : i32
    %dma_wait3A_1102 = arith.constant 0 : i32
    %dma_wait3A_1103 = arith.constant 0 : i32
    %dma_wait3A_1104 = tpu.memref_slice %arg15[%dma_wait3A_1101, %dma_wait3A_1102, %dma_wait3A_1103] : memref<2x64x128xf32, #tpu.memory_space<vmem>> -> memref<1x64x128xf32, #tpu.memory_space<vmem>>
    %dma_wait3A_1105 = tpu.memref_squeeze %dma_wait3A_1104 : memref<1x64x128xf32, #tpu.memory_space<vmem>> -> memref<64x128xf32, #tpu.memory_space<vmem>>
    %dma_wait3A_1106 = arith.constant 0 : i32
    %dma_wait3A_1107 = tpu.memref_slice %arg6[%add3A_1100, %dma_wait3A_1106] : memref<131072x128xf32, #tpu.memory_space<hbm>> -> memref<64x128xf32, #tpu.memory_space<hbm>>
    %dma_wait3A_1108 = arith.constant 0 : i32
    %dma_wait3A_1109 = tpu.memref_slice %arg6[%add3A_1100, %dma_wait3A_1108] : memref<131072x128xf32, #tpu.memory_space<hbm>> -> memref<64x128xf32, #tpu.memory_space<hbm>>
    %dma_wait3A_1110 = arith.constant 0 : i32
    %dma_wait3A_1111 = arith.constant 0 : i32
    %dma_wait3A_1112 = tpu.memref_slice %arg15[%dma_wait3A_1101, %dma_wait3A_1110, %dma_wait3A_1111] : memref<2x64x128xf32, #tpu.memory_space<vmem>> -> memref<1x64x128xf32, #tpu.memory_space<vmem>>
    %dma_wait3A_1113 = tpu.memref_squeeze %dma_wait3A_1112 : memref<1x64x128xf32, #tpu.memory_space<vmem>> -> memref<64x128xf32, #tpu.memory_space<vmem>>
    tpu.wait_dma2 semaphore(%arg18 : memref<!tpu.dma_semaphore, #tpu.memory_space<semaphore_mem>>) src(%dma_wait3A_1113 : memref<64x128xf32, #tpu.memory_space<vmem>>) dst(%dma_wait3A_1109 : memref<64x128xf32, #tpu.memory_space<hbm>>)
    %dma_start3A_1114 = arith.constant 0 : i32
    %dma_start3A_1115 = arith.constant 0 : i32
    %dma_start3A_1116 = arith.constant 0 : i32
    %dma_start3A_1117 = tpu.memref_slice %arg15[%dma_start3A_1114, %dma_start3A_1115, %dma_start3A_1116] : memref<2x64x128xf32, #tpu.memory_space<vmem>> -> memref<1x64x128xf32, #tpu.memory_space<vmem>>
    %dma_start3A_1118 = tpu.memref_squeeze %dma_start3A_1117 : memref<1x64x128xf32, #tpu.memory_space<vmem>> -> memref<64x128xf32, #tpu.memory_space<vmem>>
    %dma_start3A_1119 = arith.constant 1408 : i32
    %dma_start3A_1120 = tpu.memref_slice %arg10[%dma_start3A_1119] : memref<2048xi32, #tpu.memory_space<vmem>> -> memref<64xi32, #tpu.memory_space<vmem>>
    %dma_start3A_1121 = arith.constant 0 : i32
    %dma_start3A_1122 = arith.constant 0 : i32
    %dma_start3A_1123 = tpu.memref_slice %arg2[%dma_start3A_1121, %dma_start3A_1122] : memref<1000000x128xf32, #tpu.memory_space<hbm>> -> memref<1000000x128xf32, #tpu.memory_space<hbm>>
    tpu.enqueue_indirect_dma source(%dma_start3A_1123 : memref<1000000x128xf32, #tpu.memory_space<hbm>>) target(%dma_start3A_1118 : memref<64x128xf32, #tpu.memory_space<vmem>>) offsets(%dma_start3A_1120 : memref<64xi32, #tpu.memory_space<vmem>>) semaphore(%arg17 : memref<!tpu.dma_semaphore, #tpu.memory_space<semaphore_mem>>)
    %dma_wait3A_1124 = arith.constant 1 : i32
    %dma_wait3A_1125 = arith.constant 0 : i32
    %dma_wait3A_1126 = arith.constant 0 : i32
    %dma_wait3A_1127 = tpu.memref_slice %arg15[%dma_wait3A_1124, %dma_wait3A_1125, %dma_wait3A_1126] : memref<2x64x128xf32, #tpu.memory_space<vmem>> -> memref<1x64x128xf32, #tpu.memory_space<vmem>>
    %dma_wait3A_1128 = tpu.memref_squeeze %dma_wait3A_1127 : memref<1x64x128xf32, #tpu.memory_space<vmem>> -> memref<64x128xf32, #tpu.memory_space<vmem>>
    %dma_wait3A_1129 = arith.constant 1344 : i32
    %dma_wait3A_1130 = tpu.memref_slice %arg10[%dma_wait3A_1129] : memref<2048xi32, #tpu.memory_space<vmem>> -> memref<64xi32, #tpu.memory_space<vmem>>
    %dma_wait3A_1131 = arith.constant 0 : i32
    %dma_wait3A_1132 = arith.constant 0 : i32
    %dma_wait3A_1133 = tpu.memref_slice %arg2[%dma_wait3A_1131, %dma_wait3A_1132] : memref<1000000x128xf32, #tpu.memory_space<hbm>> -> memref<1000000x128xf32, #tpu.memory_space<hbm>>
    tpu.wait_indirect_dma semaphore(%arg17 : memref<!tpu.dma_semaphore, #tpu.memory_space<semaphore_mem>>) src(%dma_wait3A_1133 : memref<1000000x128xf32, #tpu.memory_space<hbm>>) dst(%dma_wait3A_1128 : memref<64x128xf32, #tpu.memory_space<vmem>>)
    %add3A_1134 = arith.constant 1344 : i32
    %add3A_1135 = arith.addi %add3A_42, %add3A_1134 : i32
    %dma_start3A_1136 = arith.constant 1 : i32
    %dma_start3A_1137 = arith.constant 0 : i32
    %dma_start3A_1138 = arith.constant 0 : i32
    %dma_start3A_1139 = tpu.memref_slice %arg15[%dma_start3A_1136, %dma_start3A_1137, %dma_start3A_1138] : memref<2x64x128xf32, #tpu.memory_space<vmem>> -> memref<1x64x128xf32, #tpu.memory_space<vmem>>
    %dma_start3A_1140 = tpu.memref_squeeze %dma_start3A_1139 : memref<1x64x128xf32, #tpu.memory_space<vmem>> -> memref<64x128xf32, #tpu.memory_space<vmem>>
    %dma_start3A_1141 = arith.constant 0 : i32
    %dma_start3A_1142 = tpu.memref_slice %arg6[%add3A_1135, %dma_start3A_1141] : memref<131072x128xf32, #tpu.memory_space<hbm>> -> memref<64x128xf32, #tpu.memory_space<hbm>>
    %dma_start3A_1143 = arith.constant 0 : i32
    %dma_start3A_1144 = tpu.memref_slice %arg6[%add3A_1135, %dma_start3A_1143] : memref<131072x128xf32, #tpu.memory_space<hbm>> -> memref<64x128xf32, #tpu.memory_space<hbm>>
    %dma_start3A_1145 = arith.constant 0 : i32
    %dma_start3A_1146 = arith.constant 0 : i32
    %dma_start3A_1147 = tpu.memref_slice %arg15[%dma_start3A_1136, %dma_start3A_1145, %dma_start3A_1146] : memref<2x64x128xf32, #tpu.memory_space<vmem>> -> memref<1x64x128xf32, #tpu.memory_space<vmem>>
    %dma_start3A_1148 = tpu.memref_squeeze %dma_start3A_1147 : memref<1x64x128xf32, #tpu.memory_space<vmem>> -> memref<64x128xf32, #tpu.memory_space<vmem>>
    tpu.enqueue_dma source(%dma_start3A_1148 : memref<64x128xf32, #tpu.memory_space<vmem>>) target(%dma_start3A_1144 : memref<64x128xf32, #tpu.memory_space<hbm>>) target_semaphore(%arg18 : memref<!tpu.dma_semaphore, #tpu.memory_space<semaphore_mem>>)
    %add3A_1149 = arith.constant 1344 : i32
    %add3A_1150 = arith.addi %add3A_42, %add3A_1149 : i32
    %dma_wait3A_1151 = arith.constant 1 : i32
    %dma_wait3A_1152 = arith.constant 0 : i32
    %dma_wait3A_1153 = arith.constant 0 : i32
    %dma_wait3A_1154 = tpu.memref_slice %arg15[%dma_wait3A_1151, %dma_wait3A_1152, %dma_wait3A_1153] : memref<2x64x128xf32, #tpu.memory_space<vmem>> -> memref<1x64x128xf32, #tpu.memory_space<vmem>>
    %dma_wait3A_1155 = tpu.memref_squeeze %dma_wait3A_1154 : memref<1x64x128xf32, #tpu.memory_space<vmem>> -> memref<64x128xf32, #tpu.memory_space<vmem>>
    %dma_wait3A_1156 = arith.constant 0 : i32
    %dma_wait3A_1157 = tpu.memref_slice %arg6[%add3A_1150, %dma_wait3A_1156] : memref<131072x128xf32, #tpu.memory_space<hbm>> -> memref<64x128xf32, #tpu.memory_space<hbm>>
    %dma_wait3A_1158 = arith.constant 0 : i32
    %dma_wait3A_1159 = tpu.memref_slice %arg6[%add3A_1150, %dma_wait3A_1158] : memref<131072x128xf32, #tpu.memory_space<hbm>> -> memref<64x128xf32, #tpu.memory_space<hbm>>
    %dma_wait3A_1160 = arith.constant 0 : i32
    %dma_wait3A_1161 = arith.constant 0 : i32
    %dma_wait3A_1162 = tpu.memref_slice %arg15[%dma_wait3A_1151, %dma_wait3A_1160, %dma_wait3A_1161] : memref<2x64x128xf32, #tpu.memory_space<vmem>> -> memref<1x64x128xf32, #tpu.memory_space<vmem>>
    %dma_wait3A_1163 = tpu.memref_squeeze %dma_wait3A_1162 : memref<1x64x128xf32, #tpu.memory_space<vmem>> -> memref<64x128xf32, #tpu.memory_space<vmem>>
    tpu.wait_dma2 semaphore(%arg18 : memref<!tpu.dma_semaphore, #tpu.memory_space<semaphore_mem>>) src(%dma_wait3A_1163 : memref<64x128xf32, #tpu.memory_space<vmem>>) dst(%dma_wait3A_1159 : memref<64x128xf32, #tpu.memory_space<hbm>>)
    %dma_start3A_1164 = arith.constant 1 : i32
    %dma_start3A_1165 = arith.constant 0 : i32
    %dma_start3A_1166 = arith.constant 0 : i32
    %dma_start3A_1167 = tpu.memref_slice %arg15[%dma_start3A_1164, %dma_start3A_1165, %dma_start3A_1166] : memref<2x64x128xf32, #tpu.memory_space<vmem>> -> memref<1x64x128xf32, #tpu.memory_space<vmem>>
    %dma_start3A_1168 = tpu.memref_squeeze %dma_start3A_1167 : memref<1x64x128xf32, #tpu.memory_space<vmem>> -> memref<64x128xf32, #tpu.memory_space<vmem>>
    %dma_start3A_1169 = arith.constant 1472 : i32
    %dma_start3A_1170 = tpu.memref_slice %arg10[%dma_start3A_1169] : memref<2048xi32, #tpu.memory_space<vmem>> -> memref<64xi32, #tpu.memory_space<vmem>>
    %dma_start3A_1171 = arith.constant 0 : i32
    %dma_start3A_1172 = arith.constant 0 : i32
    %dma_start3A_1173 = tpu.memref_slice %arg2[%dma_start3A_1171, %dma_start3A_1172] : memref<1000000x128xf32, #tpu.memory_space<hbm>> -> memref<1000000x128xf32, #tpu.memory_space<hbm>>
    tpu.enqueue_indirect_dma source(%dma_start3A_1173 : memref<1000000x128xf32, #tpu.memory_space<hbm>>) target(%dma_start3A_1168 : memref<64x128xf32, #tpu.memory_space<vmem>>) offsets(%dma_start3A_1170 : memref<64xi32, #tpu.memory_space<vmem>>) semaphore(%arg17 : memref<!tpu.dma_semaphore, #tpu.memory_space<semaphore_mem>>)
    %dma_wait3A_1174 = arith.constant 0 : i32
    %dma_wait3A_1175 = arith.constant 0 : i32
    %dma_wait3A_1176 = arith.constant 0 : i32
    %dma_wait3A_1177 = tpu.memref_slice %arg15[%dma_wait3A_1174, %dma_wait3A_1175, %dma_wait3A_1176] : memref<2x64x128xf32, #tpu.memory_space<vmem>> -> memref<1x64x128xf32, #tpu.memory_space<vmem>>
    %dma_wait3A_1178 = tpu.memref_squeeze %dma_wait3A_1177 : memref<1x64x128xf32, #tpu.memory_space<vmem>> -> memref<64x128xf32, #tpu.memory_space<vmem>>
    %dma_wait3A_1179 = arith.constant 1408 : i32
    %dma_wait3A_1180 = tpu.memref_slice %arg10[%dma_wait3A_1179] : memref<2048xi32, #tpu.memory_space<vmem>> -> memref<64xi32, #tpu.memory_space<vmem>>
    %dma_wait3A_1181 = arith.constant 0 : i32
    %dma_wait3A_1182 = arith.constant 0 : i32
    %dma_wait3A_1183 = tpu.memref_slice %arg2[%dma_wait3A_1181, %dma_wait3A_1182] : memref<1000000x128xf32, #tpu.memory_space<hbm>> -> memref<1000000x128xf32, #tpu.memory_space<hbm>>
    tpu.wait_indirect_dma semaphore(%arg17 : memref<!tpu.dma_semaphore, #tpu.memory_space<semaphore_mem>>) src(%dma_wait3A_1183 : memref<1000000x128xf32, #tpu.memory_space<hbm>>) dst(%dma_wait3A_1178 : memref<64x128xf32, #tpu.memory_space<vmem>>)
    %add3A_1184 = arith.constant 1408 : i32
    %add3A_1185 = arith.addi %add3A_42, %add3A_1184 : i32
    %dma_start3A_1186 = arith.constant 0 : i32
    %dma_start3A_1187 = arith.constant 0 : i32
    %dma_start3A_1188 = arith.constant 0 : i32
    %dma_start3A_1189 = tpu.memref_slice %arg15[%dma_start3A_1186, %dma_start3A_1187, %dma_start3A_1188] : memref<2x64x128xf32, #tpu.memory_space<vmem>> -> memref<1x64x128xf32, #tpu.memory_space<vmem>>
    %dma_start3A_1190 = tpu.memref_squeeze %dma_start3A_1189 : memref<1x64x128xf32, #tpu.memory_space<vmem>> -> memref<64x128xf32, #tpu.memory_space<vmem>>
    %dma_start3A_1191 = arith.constant 0 : i32
    %dma_start3A_1192 = tpu.memref_slice %arg6[%add3A_1185, %dma_start3A_1191] : memref<131072x128xf32, #tpu.memory_space<hbm>> -> memref<64x128xf32, #tpu.memory_space<hbm>>
    %dma_start3A_1193 = arith.constant 0 : i32
    %dma_start3A_1194 = tpu.memref_slice %arg6[%add3A_1185, %dma_start3A_1193] : memref<131072x128xf32, #tpu.memory_space<hbm>> -> memref<64x128xf32, #tpu.memory_space<hbm>>
    %dma_start3A_1195 = arith.constant 0 : i32
    %dma_start3A_1196 = arith.constant 0 : i32
    %dma_start3A_1197 = tpu.memref_slice %arg15[%dma_start3A_1186, %dma_start3A_1195, %dma_start3A_1196] : memref<2x64x128xf32, #tpu.memory_space<vmem>> -> memref<1x64x128xf32, #tpu.memory_space<vmem>>
    %dma_start3A_1198 = tpu.memref_squeeze %dma_start3A_1197 : memref<1x64x128xf32, #tpu.memory_space<vmem>> -> memref<64x128xf32, #tpu.memory_space<vmem>>
    tpu.enqueue_dma source(%dma_start3A_1198 : memref<64x128xf32, #tpu.memory_space<vmem>>) target(%dma_start3A_1194 : memref<64x128xf32, #tpu.memory_space<hbm>>) target_semaphore(%arg18 : memref<!tpu.dma_semaphore, #tpu.memory_space<semaphore_mem>>)
    %add3A_1199 = arith.constant 1408 : i32
    %add3A_1200 = arith.addi %add3A_42, %add3A_1199 : i32
    %dma_wait3A_1201 = arith.constant 0 : i32
    %dma_wait3A_1202 = arith.constant 0 : i32
    %dma_wait3A_1203 = arith.constant 0 : i32
    %dma_wait3A_1204 = tpu.memref_slice %arg15[%dma_wait3A_1201, %dma_wait3A_1202, %dma_wait3A_1203] : memref<2x64x128xf32, #tpu.memory_space<vmem>> -> memref<1x64x128xf32, #tpu.memory_space<vmem>>
    %dma_wait3A_1205 = tpu.memref_squeeze %dma_wait3A_1204 : memref<1x64x128xf32, #tpu.memory_space<vmem>> -> memref<64x128xf32, #tpu.memory_space<vmem>>
    %dma_wait3A_1206 = arith.constant 0 : i32
    %dma_wait3A_1207 = tpu.memref_slice %arg6[%add3A_1200, %dma_wait3A_1206] : memref<131072x128xf32, #tpu.memory_space<hbm>> -> memref<64x128xf32, #tpu.memory_space<hbm>>
    %dma_wait3A_1208 = arith.constant 0 : i32
    %dma_wait3A_1209 = tpu.memref_slice %arg6[%add3A_1200, %dma_wait3A_1208] : memref<131072x128xf32, #tpu.memory_space<hbm>> -> memref<64x128xf32, #tpu.memory_space<hbm>>
    %dma_wait3A_1210 = arith.constant 0 : i32
    %dma_wait3A_1211 = arith.constant 0 : i32
    %dma_wait3A_1212 = tpu.memref_slice %arg15[%dma_wait3A_1201, %dma_wait3A_1210, %dma_wait3A_1211] : memref<2x64x128xf32, #tpu.memory_space<vmem>> -> memref<1x64x128xf32, #tpu.memory_space<vmem>>
    %dma_wait3A_1213 = tpu.memref_squeeze %dma_wait3A_1212 : memref<1x64x128xf32, #tpu.memory_space<vmem>> -> memref<64x128xf32, #tpu.memory_space<vmem>>
    tpu.wait_dma2 semaphore(%arg18 : memref<!tpu.dma_semaphore, #tpu.memory_space<semaphore_mem>>) src(%dma_wait3A_1213 : memref<64x128xf32, #tpu.memory_space<vmem>>) dst(%dma_wait3A_1209 : memref<64x128xf32, #tpu.memory_space<hbm>>)
    %dma_start3A_1214 = arith.constant 0 : i32
    %dma_start3A_1215 = arith.constant 0 : i32
    %dma_start3A_1216 = arith.constant 0 : i32
    %dma_start3A_1217 = tpu.memref_slice %arg15[%dma_start3A_1214, %dma_start3A_1215, %dma_start3A_1216] : memref<2x64x128xf32, #tpu.memory_space<vmem>> -> memref<1x64x128xf32, #tpu.memory_space<vmem>>
    %dma_start3A_1218 = tpu.memref_squeeze %dma_start3A_1217 : memref<1x64x128xf32, #tpu.memory_space<vmem>> -> memref<64x128xf32, #tpu.memory_space<vmem>>
    %dma_start3A_1219 = arith.constant 1536 : i32
    %dma_start3A_1220 = tpu.memref_slice %arg10[%dma_start3A_1219] : memref<2048xi32, #tpu.memory_space<vmem>> -> memref<64xi32, #tpu.memory_space<vmem>>
    %dma_start3A_1221 = arith.constant 0 : i32
    %dma_start3A_1222 = arith.constant 0 : i32
    %dma_start3A_1223 = tpu.memref_slice %arg2[%dma_start3A_1221, %dma_start3A_1222] : memref<1000000x128xf32, #tpu.memory_space<hbm>> -> memref<1000000x128xf32, #tpu.memory_space<hbm>>
    tpu.enqueue_indirect_dma source(%dma_start3A_1223 : memref<1000000x128xf32, #tpu.memory_space<hbm>>) target(%dma_start3A_1218 : memref<64x128xf32, #tpu.memory_space<vmem>>) offsets(%dma_start3A_1220 : memref<64xi32, #tpu.memory_space<vmem>>) semaphore(%arg17 : memref<!tpu.dma_semaphore, #tpu.memory_space<semaphore_mem>>)
    %dma_wait3A_1224 = arith.constant 1 : i32
    %dma_wait3A_1225 = arith.constant 0 : i32
    %dma_wait3A_1226 = arith.constant 0 : i32
    %dma_wait3A_1227 = tpu.memref_slice %arg15[%dma_wait3A_1224, %dma_wait3A_1225, %dma_wait3A_1226] : memref<2x64x128xf32, #tpu.memory_space<vmem>> -> memref<1x64x128xf32, #tpu.memory_space<vmem>>
    %dma_wait3A_1228 = tpu.memref_squeeze %dma_wait3A_1227 : memref<1x64x128xf32, #tpu.memory_space<vmem>> -> memref<64x128xf32, #tpu.memory_space<vmem>>
    %dma_wait3A_1229 = arith.constant 1472 : i32
    %dma_wait3A_1230 = tpu.memref_slice %arg10[%dma_wait3A_1229] : memref<2048xi32, #tpu.memory_space<vmem>> -> memref<64xi32, #tpu.memory_space<vmem>>
    %dma_wait3A_1231 = arith.constant 0 : i32
    %dma_wait3A_1232 = arith.constant 0 : i32
    %dma_wait3A_1233 = tpu.memref_slice %arg2[%dma_wait3A_1231, %dma_wait3A_1232] : memref<1000000x128xf32, #tpu.memory_space<hbm>> -> memref<1000000x128xf32, #tpu.memory_space<hbm>>
    tpu.wait_indirect_dma semaphore(%arg17 : memref<!tpu.dma_semaphore, #tpu.memory_space<semaphore_mem>>) src(%dma_wait3A_1233 : memref<1000000x128xf32, #tpu.memory_space<hbm>>) dst(%dma_wait3A_1228 : memref<64x128xf32, #tpu.memory_space<vmem>>)
    %add3A_1234 = arith.constant 1472 : i32
    %add3A_1235 = arith.addi %add3A_42, %add3A_1234 : i32
    %dma_start3A_1236 = arith.constant 1 : i32
    %dma_start3A_1237 = arith.constant 0 : i32
    %dma_start3A_1238 = arith.constant 0 : i32
    %dma_start3A_1239 = tpu.memref_slice %arg15[%dma_start3A_1236, %dma_start3A_1237, %dma_start3A_1238] : memref<2x64x128xf32, #tpu.memory_space<vmem>> -> memref<1x64x128xf32, #tpu.memory_space<vmem>>
    %dma_start3A_1240 = tpu.memref_squeeze %dma_start3A_1239 : memref<1x64x128xf32, #tpu.memory_space<vmem>> -> memref<64x128xf32, #tpu.memory_space<vmem>>
    %dma_start3A_1241 = arith.constant 0 : i32
    %dma_start3A_1242 = tpu.memref_slice %arg6[%add3A_1235, %dma_start3A_1241] : memref<131072x128xf32, #tpu.memory_space<hbm>> -> memref<64x128xf32, #tpu.memory_space<hbm>>
    %dma_start3A_1243 = arith.constant 0 : i32
    %dma_start3A_1244 = tpu.memref_slice %arg6[%add3A_1235, %dma_start3A_1243] : memref<131072x128xf32, #tpu.memory_space<hbm>> -> memref<64x128xf32, #tpu.memory_space<hbm>>
    %dma_start3A_1245 = arith.constant 0 : i32
    %dma_start3A_1246 = arith.constant 0 : i32
    %dma_start3A_1247 = tpu.memref_slice %arg15[%dma_start3A_1236, %dma_start3A_1245, %dma_start3A_1246] : memref<2x64x128xf32, #tpu.memory_space<vmem>> -> memref<1x64x128xf32, #tpu.memory_space<vmem>>
    %dma_start3A_1248 = tpu.memref_squeeze %dma_start3A_1247 : memref<1x64x128xf32, #tpu.memory_space<vmem>> -> memref<64x128xf32, #tpu.memory_space<vmem>>
    tpu.enqueue_dma source(%dma_start3A_1248 : memref<64x128xf32, #tpu.memory_space<vmem>>) target(%dma_start3A_1244 : memref<64x128xf32, #tpu.memory_space<hbm>>) target_semaphore(%arg18 : memref<!tpu.dma_semaphore, #tpu.memory_space<semaphore_mem>>)
    %add3A_1249 = arith.constant 1472 : i32
    %add3A_1250 = arith.addi %add3A_42, %add3A_1249 : i32
    %dma_wait3A_1251 = arith.constant 1 : i32
    %dma_wait3A_1252 = arith.constant 0 : i32
    %dma_wait3A_1253 = arith.constant 0 : i32
    %dma_wait3A_1254 = tpu.memref_slice %arg15[%dma_wait3A_1251, %dma_wait3A_1252, %dma_wait3A_1253] : memref<2x64x128xf32, #tpu.memory_space<vmem>> -> memref<1x64x128xf32, #tpu.memory_space<vmem>>
    %dma_wait3A_1255 = tpu.memref_squeeze %dma_wait3A_1254 : memref<1x64x128xf32, #tpu.memory_space<vmem>> -> memref<64x128xf32, #tpu.memory_space<vmem>>
    %dma_wait3A_1256 = arith.constant 0 : i32
    %dma_wait3A_1257 = tpu.memref_slice %arg6[%add3A_1250, %dma_wait3A_1256] : memref<131072x128xf32, #tpu.memory_space<hbm>> -> memref<64x128xf32, #tpu.memory_space<hbm>>
    %dma_wait3A_1258 = arith.constant 0 : i32
    %dma_wait3A_1259 = tpu.memref_slice %arg6[%add3A_1250, %dma_wait3A_1258] : memref<131072x128xf32, #tpu.memory_space<hbm>> -> memref<64x128xf32, #tpu.memory_space<hbm>>
    %dma_wait3A_1260 = arith.constant 0 : i32
    %dma_wait3A_1261 = arith.constant 0 : i32
    %dma_wait3A_1262 = tpu.memref_slice %arg15[%dma_wait3A_1251, %dma_wait3A_1260, %dma_wait3A_1261] : memref<2x64x128xf32, #tpu.memory_space<vmem>> -> memref<1x64x128xf32, #tpu.memory_space<vmem>>
    %dma_wait3A_1263 = tpu.memref_squeeze %dma_wait3A_1262 : memref<1x64x128xf32, #tpu.memory_space<vmem>> -> memref<64x128xf32, #tpu.memory_space<vmem>>
    tpu.wait_dma2 semaphore(%arg18 : memref<!tpu.dma_semaphore, #tpu.memory_space<semaphore_mem>>) src(%dma_wait3A_1263 : memref<64x128xf32, #tpu.memory_space<vmem>>) dst(%dma_wait3A_1259 : memref<64x128xf32, #tpu.memory_space<hbm>>)
    %dma_start3A_1264 = arith.constant 1 : i32
    %dma_start3A_1265 = arith.constant 0 : i32
    %dma_start3A_1266 = arith.constant 0 : i32
    %dma_start3A_1267 = tpu.memref_slice %arg15[%dma_start3A_1264, %dma_start3A_1265, %dma_start3A_1266] : memref<2x64x128xf32, #tpu.memory_space<vmem>> -> memref<1x64x128xf32, #tpu.memory_space<vmem>>
    %dma_start3A_1268 = tpu.memref_squeeze %dma_start3A_1267 : memref<1x64x128xf32, #tpu.memory_space<vmem>> -> memref<64x128xf32, #tpu.memory_space<vmem>>
    %dma_start3A_1269 = arith.constant 1600 : i32
    %dma_start3A_1270 = tpu.memref_slice %arg10[%dma_start3A_1269] : memref<2048xi32, #tpu.memory_space<vmem>> -> memref<64xi32, #tpu.memory_space<vmem>>
    %dma_start3A_1271 = arith.constant 0 : i32
    %dma_start3A_1272 = arith.constant 0 : i32
    %dma_start3A_1273 = tpu.memref_slice %arg2[%dma_start3A_1271, %dma_start3A_1272] : memref<1000000x128xf32, #tpu.memory_space<hbm>> -> memref<1000000x128xf32, #tpu.memory_space<hbm>>
    tpu.enqueue_indirect_dma source(%dma_start3A_1273 : memref<1000000x128xf32, #tpu.memory_space<hbm>>) target(%dma_start3A_1268 : memref<64x128xf32, #tpu.memory_space<vmem>>) offsets(%dma_start3A_1270 : memref<64xi32, #tpu.memory_space<vmem>>) semaphore(%arg17 : memref<!tpu.dma_semaphore, #tpu.memory_space<semaphore_mem>>)
    %dma_wait3A_1274 = arith.constant 0 : i32
    %dma_wait3A_1275 = arith.constant 0 : i32
    %dma_wait3A_1276 = arith.constant 0 : i32
    %dma_wait3A_1277 = tpu.memref_slice %arg15[%dma_wait3A_1274, %dma_wait3A_1275, %dma_wait3A_1276] : memref<2x64x128xf32, #tpu.memory_space<vmem>> -> memref<1x64x128xf32, #tpu.memory_space<vmem>>
    %dma_wait3A_1278 = tpu.memref_squeeze %dma_wait3A_1277 : memref<1x64x128xf32, #tpu.memory_space<vmem>> -> memref<64x128xf32, #tpu.memory_space<vmem>>
    %dma_wait3A_1279 = arith.constant 1536 : i32
    %dma_wait3A_1280 = tpu.memref_slice %arg10[%dma_wait3A_1279] : memref<2048xi32, #tpu.memory_space<vmem>> -> memref<64xi32, #tpu.memory_space<vmem>>
    %dma_wait3A_1281 = arith.constant 0 : i32
    %dma_wait3A_1282 = arith.constant 0 : i32
    %dma_wait3A_1283 = tpu.memref_slice %arg2[%dma_wait3A_1281, %dma_wait3A_1282] : memref<1000000x128xf32, #tpu.memory_space<hbm>> -> memref<1000000x128xf32, #tpu.memory_space<hbm>>
    tpu.wait_indirect_dma semaphore(%arg17 : memref<!tpu.dma_semaphore, #tpu.memory_space<semaphore_mem>>) src(%dma_wait3A_1283 : memref<1000000x128xf32, #tpu.memory_space<hbm>>) dst(%dma_wait3A_1278 : memref<64x128xf32, #tpu.memory_space<vmem>>)
    %add3A_1284 = arith.constant 1536 : i32
    %add3A_1285 = arith.addi %add3A_42, %add3A_1284 : i32
    %dma_start3A_1286 = arith.constant 0 : i32
    %dma_start3A_1287 = arith.constant 0 : i32
    %dma_start3A_1288 = arith.constant 0 : i32
    %dma_start3A_1289 = tpu.memref_slice %arg15[%dma_start3A_1286, %dma_start3A_1287, %dma_start3A_1288] : memref<2x64x128xf32, #tpu.memory_space<vmem>> -> memref<1x64x128xf32, #tpu.memory_space<vmem>>
    %dma_start3A_1290 = tpu.memref_squeeze %dma_start3A_1289 : memref<1x64x128xf32, #tpu.memory_space<vmem>> -> memref<64x128xf32, #tpu.memory_space<vmem>>
    %dma_start3A_1291 = arith.constant 0 : i32
    %dma_start3A_1292 = tpu.memref_slice %arg6[%add3A_1285, %dma_start3A_1291] : memref<131072x128xf32, #tpu.memory_space<hbm>> -> memref<64x128xf32, #tpu.memory_space<hbm>>
    %dma_start3A_1293 = arith.constant 0 : i32
    %dma_start3A_1294 = tpu.memref_slice %arg6[%add3A_1285, %dma_start3A_1293] : memref<131072x128xf32, #tpu.memory_space<hbm>> -> memref<64x128xf32, #tpu.memory_space<hbm>>
    %dma_start3A_1295 = arith.constant 0 : i32
    %dma_start3A_1296 = arith.constant 0 : i32
    %dma_start3A_1297 = tpu.memref_slice %arg15[%dma_start3A_1286, %dma_start3A_1295, %dma_start3A_1296] : memref<2x64x128xf32, #tpu.memory_space<vmem>> -> memref<1x64x128xf32, #tpu.memory_space<vmem>>
    %dma_start3A_1298 = tpu.memref_squeeze %dma_start3A_1297 : memref<1x64x128xf32, #tpu.memory_space<vmem>> -> memref<64x128xf32, #tpu.memory_space<vmem>>
    tpu.enqueue_dma source(%dma_start3A_1298 : memref<64x128xf32, #tpu.memory_space<vmem>>) target(%dma_start3A_1294 : memref<64x128xf32, #tpu.memory_space<hbm>>) target_semaphore(%arg18 : memref<!tpu.dma_semaphore, #tpu.memory_space<semaphore_mem>>)
    %add3A_1299 = arith.constant 1536 : i32
    %add3A_1300 = arith.addi %add3A_42, %add3A_1299 : i32
    %dma_wait3A_1301 = arith.constant 0 : i32
    %dma_wait3A_1302 = arith.constant 0 : i32
    %dma_wait3A_1303 = arith.constant 0 : i32
    %dma_wait3A_1304 = tpu.memref_slice %arg15[%dma_wait3A_1301, %dma_wait3A_1302, %dma_wait3A_1303] : memref<2x64x128xf32, #tpu.memory_space<vmem>> -> memref<1x64x128xf32, #tpu.memory_space<vmem>>
    %dma_wait3A_1305 = tpu.memref_squeeze %dma_wait3A_1304 : memref<1x64x128xf32, #tpu.memory_space<vmem>> -> memref<64x128xf32, #tpu.memory_space<vmem>>
    %dma_wait3A_1306 = arith.constant 0 : i32
    %dma_wait3A_1307 = tpu.memref_slice %arg6[%add3A_1300, %dma_wait3A_1306] : memref<131072x128xf32, #tpu.memory_space<hbm>> -> memref<64x128xf32, #tpu.memory_space<hbm>>
    %dma_wait3A_1308 = arith.constant 0 : i32
    %dma_wait3A_1309 = tpu.memref_slice %arg6[%add3A_1300, %dma_wait3A_1308] : memref<131072x128xf32, #tpu.memory_space<hbm>> -> memref<64x128xf32, #tpu.memory_space<hbm>>
    %dma_wait3A_1310 = arith.constant 0 : i32
    %dma_wait3A_1311 = arith.constant 0 : i32
    %dma_wait3A_1312 = tpu.memref_slice %arg15[%dma_wait3A_1301, %dma_wait3A_1310, %dma_wait3A_1311] : memref<2x64x128xf32, #tpu.memory_space<vmem>> -> memref<1x64x128xf32, #tpu.memory_space<vmem>>
    %dma_wait3A_1313 = tpu.memref_squeeze %dma_wait3A_1312 : memref<1x64x128xf32, #tpu.memory_space<vmem>> -> memref<64x128xf32, #tpu.memory_space<vmem>>
    tpu.wait_dma2 semaphore(%arg18 : memref<!tpu.dma_semaphore, #tpu.memory_space<semaphore_mem>>) src(%dma_wait3A_1313 : memref<64x128xf32, #tpu.memory_space<vmem>>) dst(%dma_wait3A_1309 : memref<64x128xf32, #tpu.memory_space<hbm>>)
    %dma_start3A_1314 = arith.constant 0 : i32
    %dma_start3A_1315 = arith.constant 0 : i32
    %dma_start3A_1316 = arith.constant 0 : i32
    %dma_start3A_1317 = tpu.memref_slice %arg15[%dma_start3A_1314, %dma_start3A_1315, %dma_start3A_1316] : memref<2x64x128xf32, #tpu.memory_space<vmem>> -> memref<1x64x128xf32, #tpu.memory_space<vmem>>
    %dma_start3A_1318 = tpu.memref_squeeze %dma_start3A_1317 : memref<1x64x128xf32, #tpu.memory_space<vmem>> -> memref<64x128xf32, #tpu.memory_space<vmem>>
    %dma_start3A_1319 = arith.constant 1664 : i32
    %dma_start3A_1320 = tpu.memref_slice %arg10[%dma_start3A_1319] : memref<2048xi32, #tpu.memory_space<vmem>> -> memref<64xi32, #tpu.memory_space<vmem>>
    %dma_start3A_1321 = arith.constant 0 : i32
    %dma_start3A_1322 = arith.constant 0 : i32
    %dma_start3A_1323 = tpu.memref_slice %arg2[%dma_start3A_1321, %dma_start3A_1322] : memref<1000000x128xf32, #tpu.memory_space<hbm>> -> memref<1000000x128xf32, #tpu.memory_space<hbm>>
    tpu.enqueue_indirect_dma source(%dma_start3A_1323 : memref<1000000x128xf32, #tpu.memory_space<hbm>>) target(%dma_start3A_1318 : memref<64x128xf32, #tpu.memory_space<vmem>>) offsets(%dma_start3A_1320 : memref<64xi32, #tpu.memory_space<vmem>>) semaphore(%arg17 : memref<!tpu.dma_semaphore, #tpu.memory_space<semaphore_mem>>)
    %dma_wait3A_1324 = arith.constant 1 : i32
    %dma_wait3A_1325 = arith.constant 0 : i32
    %dma_wait3A_1326 = arith.constant 0 : i32
    %dma_wait3A_1327 = tpu.memref_slice %arg15[%dma_wait3A_1324, %dma_wait3A_1325, %dma_wait3A_1326] : memref<2x64x128xf32, #tpu.memory_space<vmem>> -> memref<1x64x128xf32, #tpu.memory_space<vmem>>
    %dma_wait3A_1328 = tpu.memref_squeeze %dma_wait3A_1327 : memref<1x64x128xf32, #tpu.memory_space<vmem>> -> memref<64x128xf32, #tpu.memory_space<vmem>>
    %dma_wait3A_1329 = arith.constant 1600 : i32
    %dma_wait3A_1330 = tpu.memref_slice %arg10[%dma_wait3A_1329] : memref<2048xi32, #tpu.memory_space<vmem>> -> memref<64xi32, #tpu.memory_space<vmem>>
    %dma_wait3A_1331 = arith.constant 0 : i32
    %dma_wait3A_1332 = arith.constant 0 : i32
    %dma_wait3A_1333 = tpu.memref_slice %arg2[%dma_wait3A_1331, %dma_wait3A_1332] : memref<1000000x128xf32, #tpu.memory_space<hbm>> -> memref<1000000x128xf32, #tpu.memory_space<hbm>>
    tpu.wait_indirect_dma semaphore(%arg17 : memref<!tpu.dma_semaphore, #tpu.memory_space<semaphore_mem>>) src(%dma_wait3A_1333 : memref<1000000x128xf32, #tpu.memory_space<hbm>>) dst(%dma_wait3A_1328 : memref<64x128xf32, #tpu.memory_space<vmem>>)
    %add3A_1334 = arith.constant 1600 : i32
    %add3A_1335 = arith.addi %add3A_42, %add3A_1334 : i32
    %dma_start3A_1336 = arith.constant 1 : i32
    %dma_start3A_1337 = arith.constant 0 : i32
    %dma_start3A_1338 = arith.constant 0 : i32
    %dma_start3A_1339 = tpu.memref_slice %arg15[%dma_start3A_1336, %dma_start3A_1337, %dma_start3A_1338] : memref<2x64x128xf32, #tpu.memory_space<vmem>> -> memref<1x64x128xf32, #tpu.memory_space<vmem>>
    %dma_start3A_1340 = tpu.memref_squeeze %dma_start3A_1339 : memref<1x64x128xf32, #tpu.memory_space<vmem>> -> memref<64x128xf32, #tpu.memory_space<vmem>>
    %dma_start3A_1341 = arith.constant 0 : i32
    %dma_start3A_1342 = tpu.memref_slice %arg6[%add3A_1335, %dma_start3A_1341] : memref<131072x128xf32, #tpu.memory_space<hbm>> -> memref<64x128xf32, #tpu.memory_space<hbm>>
    %dma_start3A_1343 = arith.constant 0 : i32
    %dma_start3A_1344 = tpu.memref_slice %arg6[%add3A_1335, %dma_start3A_1343] : memref<131072x128xf32, #tpu.memory_space<hbm>> -> memref<64x128xf32, #tpu.memory_space<hbm>>
    %dma_start3A_1345 = arith.constant 0 : i32
    %dma_start3A_1346 = arith.constant 0 : i32
    %dma_start3A_1347 = tpu.memref_slice %arg15[%dma_start3A_1336, %dma_start3A_1345, %dma_start3A_1346] : memref<2x64x128xf32, #tpu.memory_space<vmem>> -> memref<1x64x128xf32, #tpu.memory_space<vmem>>
    %dma_start3A_1348 = tpu.memref_squeeze %dma_start3A_1347 : memref<1x64x128xf32, #tpu.memory_space<vmem>> -> memref<64x128xf32, #tpu.memory_space<vmem>>
    tpu.enqueue_dma source(%dma_start3A_1348 : memref<64x128xf32, #tpu.memory_space<vmem>>) target(%dma_start3A_1344 : memref<64x128xf32, #tpu.memory_space<hbm>>) target_semaphore(%arg18 : memref<!tpu.dma_semaphore, #tpu.memory_space<semaphore_mem>>)
    %add3A_1349 = arith.constant 1600 : i32
    %add3A_1350 = arith.addi %add3A_42, %add3A_1349 : i32
    %dma_wait3A_1351 = arith.constant 1 : i32
    %dma_wait3A_1352 = arith.constant 0 : i32
    %dma_wait3A_1353 = arith.constant 0 : i32
    %dma_wait3A_1354 = tpu.memref_slice %arg15[%dma_wait3A_1351, %dma_wait3A_1352, %dma_wait3A_1353] : memref<2x64x128xf32, #tpu.memory_space<vmem>> -> memref<1x64x128xf32, #tpu.memory_space<vmem>>
    %dma_wait3A_1355 = tpu.memref_squeeze %dma_wait3A_1354 : memref<1x64x128xf32, #tpu.memory_space<vmem>> -> memref<64x128xf32, #tpu.memory_space<vmem>>
    %dma_wait3A_1356 = arith.constant 0 : i32
    %dma_wait3A_1357 = tpu.memref_slice %arg6[%add3A_1350, %dma_wait3A_1356] : memref<131072x128xf32, #tpu.memory_space<hbm>> -> memref<64x128xf32, #tpu.memory_space<hbm>>
    %dma_wait3A_1358 = arith.constant 0 : i32
    %dma_wait3A_1359 = tpu.memref_slice %arg6[%add3A_1350, %dma_wait3A_1358] : memref<131072x128xf32, #tpu.memory_space<hbm>> -> memref<64x128xf32, #tpu.memory_space<hbm>>
    %dma_wait3A_1360 = arith.constant 0 : i32
    %dma_wait3A_1361 = arith.constant 0 : i32
    %dma_wait3A_1362 = tpu.memref_slice %arg15[%dma_wait3A_1351, %dma_wait3A_1360, %dma_wait3A_1361] : memref<2x64x128xf32, #tpu.memory_space<vmem>> -> memref<1x64x128xf32, #tpu.memory_space<vmem>>
    %dma_wait3A_1363 = tpu.memref_squeeze %dma_wait3A_1362 : memref<1x64x128xf32, #tpu.memory_space<vmem>> -> memref<64x128xf32, #tpu.memory_space<vmem>>
    tpu.wait_dma2 semaphore(%arg18 : memref<!tpu.dma_semaphore, #tpu.memory_space<semaphore_mem>>) src(%dma_wait3A_1363 : memref<64x128xf32, #tpu.memory_space<vmem>>) dst(%dma_wait3A_1359 : memref<64x128xf32, #tpu.memory_space<hbm>>)
    %dma_start3A_1364 = arith.constant 1 : i32
    %dma_start3A_1365 = arith.constant 0 : i32
    %dma_start3A_1366 = arith.constant 0 : i32
    %dma_start3A_1367 = tpu.memref_slice %arg15[%dma_start3A_1364, %dma_start3A_1365, %dma_start3A_1366] : memref<2x64x128xf32, #tpu.memory_space<vmem>> -> memref<1x64x128xf32, #tpu.memory_space<vmem>>
    %dma_start3A_1368 = tpu.memref_squeeze %dma_start3A_1367 : memref<1x64x128xf32, #tpu.memory_space<vmem>> -> memref<64x128xf32, #tpu.memory_space<vmem>>
    %dma_start3A_1369 = arith.constant 1728 : i32
    %dma_start3A_1370 = tpu.memref_slice %arg10[%dma_start3A_1369] : memref<2048xi32, #tpu.memory_space<vmem>> -> memref<64xi32, #tpu.memory_space<vmem>>
    %dma_start3A_1371 = arith.constant 0 : i32
    %dma_start3A_1372 = arith.constant 0 : i32
    %dma_start3A_1373 = tpu.memref_slice %arg2[%dma_start3A_1371, %dma_start3A_1372] : memref<1000000x128xf32, #tpu.memory_space<hbm>> -> memref<1000000x128xf32, #tpu.memory_space<hbm>>
    tpu.enqueue_indirect_dma source(%dma_start3A_1373 : memref<1000000x128xf32, #tpu.memory_space<hbm>>) target(%dma_start3A_1368 : memref<64x128xf32, #tpu.memory_space<vmem>>) offsets(%dma_start3A_1370 : memref<64xi32, #tpu.memory_space<vmem>>) semaphore(%arg17 : memref<!tpu.dma_semaphore, #tpu.memory_space<semaphore_mem>>)
    %dma_wait3A_1374 = arith.constant 0 : i32
    %dma_wait3A_1375 = arith.constant 0 : i32
    %dma_wait3A_1376 = arith.constant 0 : i32
    %dma_wait3A_1377 = tpu.memref_slice %arg15[%dma_wait3A_1374, %dma_wait3A_1375, %dma_wait3A_1376] : memref<2x64x128xf32, #tpu.memory_space<vmem>> -> memref<1x64x128xf32, #tpu.memory_space<vmem>>
    %dma_wait3A_1378 = tpu.memref_squeeze %dma_wait3A_1377 : memref<1x64x128xf32, #tpu.memory_space<vmem>> -> memref<64x128xf32, #tpu.memory_space<vmem>>
    %dma_wait3A_1379 = arith.constant 1664 : i32
    %dma_wait3A_1380 = tpu.memref_slice %arg10[%dma_wait3A_1379] : memref<2048xi32, #tpu.memory_space<vmem>> -> memref<64xi32, #tpu.memory_space<vmem>>
    %dma_wait3A_1381 = arith.constant 0 : i32
    %dma_wait3A_1382 = arith.constant 0 : i32
    %dma_wait3A_1383 = tpu.memref_slice %arg2[%dma_wait3A_1381, %dma_wait3A_1382] : memref<1000000x128xf32, #tpu.memory_space<hbm>> -> memref<1000000x128xf32, #tpu.memory_space<hbm>>
    tpu.wait_indirect_dma semaphore(%arg17 : memref<!tpu.dma_semaphore, #tpu.memory_space<semaphore_mem>>) src(%dma_wait3A_1383 : memref<1000000x128xf32, #tpu.memory_space<hbm>>) dst(%dma_wait3A_1378 : memref<64x128xf32, #tpu.memory_space<vmem>>)
    %add3A_1384 = arith.constant 1664 : i32
    %add3A_1385 = arith.addi %add3A_42, %add3A_1384 : i32
    %dma_start3A_1386 = arith.constant 0 : i32
    %dma_start3A_1387 = arith.constant 0 : i32
    %dma_start3A_1388 = arith.constant 0 : i32
    %dma_start3A_1389 = tpu.memref_slice %arg15[%dma_start3A_1386, %dma_start3A_1387, %dma_start3A_1388] : memref<2x64x128xf32, #tpu.memory_space<vmem>> -> memref<1x64x128xf32, #tpu.memory_space<vmem>>
    %dma_start3A_1390 = tpu.memref_squeeze %dma_start3A_1389 : memref<1x64x128xf32, #tpu.memory_space<vmem>> -> memref<64x128xf32, #tpu.memory_space<vmem>>
    %dma_start3A_1391 = arith.constant 0 : i32
    %dma_start3A_1392 = tpu.memref_slice %arg6[%add3A_1385, %dma_start3A_1391] : memref<131072x128xf32, #tpu.memory_space<hbm>> -> memref<64x128xf32, #tpu.memory_space<hbm>>
    %dma_start3A_1393 = arith.constant 0 : i32
    %dma_start3A_1394 = tpu.memref_slice %arg6[%add3A_1385, %dma_start3A_1393] : memref<131072x128xf32, #tpu.memory_space<hbm>> -> memref<64x128xf32, #tpu.memory_space<hbm>>
    %dma_start3A_1395 = arith.constant 0 : i32
    %dma_start3A_1396 = arith.constant 0 : i32
    %dma_start3A_1397 = tpu.memref_slice %arg15[%dma_start3A_1386, %dma_start3A_1395, %dma_start3A_1396] : memref<2x64x128xf32, #tpu.memory_space<vmem>> -> memref<1x64x128xf32, #tpu.memory_space<vmem>>
    %dma_start3A_1398 = tpu.memref_squeeze %dma_start3A_1397 : memref<1x64x128xf32, #tpu.memory_space<vmem>> -> memref<64x128xf32, #tpu.memory_space<vmem>>
    tpu.enqueue_dma source(%dma_start3A_1398 : memref<64x128xf32, #tpu.memory_space<vmem>>) target(%dma_start3A_1394 : memref<64x128xf32, #tpu.memory_space<hbm>>) target_semaphore(%arg18 : memref<!tpu.dma_semaphore, #tpu.memory_space<semaphore_mem>>)
    %add3A_1399 = arith.constant 1664 : i32
    %add3A_1400 = arith.addi %add3A_42, %add3A_1399 : i32
    %dma_wait3A_1401 = arith.constant 0 : i32
    %dma_wait3A_1402 = arith.constant 0 : i32
    %dma_wait3A_1403 = arith.constant 0 : i32
    %dma_wait3A_1404 = tpu.memref_slice %arg15[%dma_wait3A_1401, %dma_wait3A_1402, %dma_wait3A_1403] : memref<2x64x128xf32, #tpu.memory_space<vmem>> -> memref<1x64x128xf32, #tpu.memory_space<vmem>>
    %dma_wait3A_1405 = tpu.memref_squeeze %dma_wait3A_1404 : memref<1x64x128xf32, #tpu.memory_space<vmem>> -> memref<64x128xf32, #tpu.memory_space<vmem>>
    %dma_wait3A_1406 = arith.constant 0 : i32
    %dma_wait3A_1407 = tpu.memref_slice %arg6[%add3A_1400, %dma_wait3A_1406] : memref<131072x128xf32, #tpu.memory_space<hbm>> -> memref<64x128xf32, #tpu.memory_space<hbm>>
    %dma_wait3A_1408 = arith.constant 0 : i32
    %dma_wait3A_1409 = tpu.memref_slice %arg6[%add3A_1400, %dma_wait3A_1408] : memref<131072x128xf32, #tpu.memory_space<hbm>> -> memref<64x128xf32, #tpu.memory_space<hbm>>
    %dma_wait3A_1410 = arith.constant 0 : i32
    %dma_wait3A_1411 = arith.constant 0 : i32
    %dma_wait3A_1412 = tpu.memref_slice %arg15[%dma_wait3A_1401, %dma_wait3A_1410, %dma_wait3A_1411] : memref<2x64x128xf32, #tpu.memory_space<vmem>> -> memref<1x64x128xf32, #tpu.memory_space<vmem>>
    %dma_wait3A_1413 = tpu.memref_squeeze %dma_wait3A_1412 : memref<1x64x128xf32, #tpu.memory_space<vmem>> -> memref<64x128xf32, #tpu.memory_space<vmem>>
    tpu.wait_dma2 semaphore(%arg18 : memref<!tpu.dma_semaphore, #tpu.memory_space<semaphore_mem>>) src(%dma_wait3A_1413 : memref<64x128xf32, #tpu.memory_space<vmem>>) dst(%dma_wait3A_1409 : memref<64x128xf32, #tpu.memory_space<hbm>>)
    %dma_start3A_1414 = arith.constant 0 : i32
    %dma_start3A_1415 = arith.constant 0 : i32
    %dma_start3A_1416 = arith.constant 0 : i32
    %dma_start3A_1417 = tpu.memref_slice %arg15[%dma_start3A_1414, %dma_start3A_1415, %dma_start3A_1416] : memref<2x64x128xf32, #tpu.memory_space<vmem>> -> memref<1x64x128xf32, #tpu.memory_space<vmem>>
    %dma_start3A_1418 = tpu.memref_squeeze %dma_start3A_1417 : memref<1x64x128xf32, #tpu.memory_space<vmem>> -> memref<64x128xf32, #tpu.memory_space<vmem>>
    %dma_start3A_1419 = arith.constant 1792 : i32
    %dma_start3A_1420 = tpu.memref_slice %arg10[%dma_start3A_1419] : memref<2048xi32, #tpu.memory_space<vmem>> -> memref<64xi32, #tpu.memory_space<vmem>>
    %dma_start3A_1421 = arith.constant 0 : i32
    %dma_start3A_1422 = arith.constant 0 : i32
    %dma_start3A_1423 = tpu.memref_slice %arg2[%dma_start3A_1421, %dma_start3A_1422] : memref<1000000x128xf32, #tpu.memory_space<hbm>> -> memref<1000000x128xf32, #tpu.memory_space<hbm>>
    tpu.enqueue_indirect_dma source(%dma_start3A_1423 : memref<1000000x128xf32, #tpu.memory_space<hbm>>) target(%dma_start3A_1418 : memref<64x128xf32, #tpu.memory_space<vmem>>) offsets(%dma_start3A_1420 : memref<64xi32, #tpu.memory_space<vmem>>) semaphore(%arg17 : memref<!tpu.dma_semaphore, #tpu.memory_space<semaphore_mem>>)
    %dma_wait3A_1424 = arith.constant 1 : i32
    %dma_wait3A_1425 = arith.constant 0 : i32
    %dma_wait3A_1426 = arith.constant 0 : i32
    %dma_wait3A_1427 = tpu.memref_slice %arg15[%dma_wait3A_1424, %dma_wait3A_1425, %dma_wait3A_1426] : memref<2x64x128xf32, #tpu.memory_space<vmem>> -> memref<1x64x128xf32, #tpu.memory_space<vmem>>
    %dma_wait3A_1428 = tpu.memref_squeeze %dma_wait3A_1427 : memref<1x64x128xf32, #tpu.memory_space<vmem>> -> memref<64x128xf32, #tpu.memory_space<vmem>>
    %dma_wait3A_1429 = arith.constant 1728 : i32
    %dma_wait3A_1430 = tpu.memref_slice %arg10[%dma_wait3A_1429] : memref<2048xi32, #tpu.memory_space<vmem>> -> memref<64xi32, #tpu.memory_space<vmem>>
    %dma_wait3A_1431 = arith.constant 0 : i32
    %dma_wait3A_1432 = arith.constant 0 : i32
    %dma_wait3A_1433 = tpu.memref_slice %arg2[%dma_wait3A_1431, %dma_wait3A_1432] : memref<1000000x128xf32, #tpu.memory_space<hbm>> -> memref<1000000x128xf32, #tpu.memory_space<hbm>>
    tpu.wait_indirect_dma semaphore(%arg17 : memref<!tpu.dma_semaphore, #tpu.memory_space<semaphore_mem>>) src(%dma_wait3A_1433 : memref<1000000x128xf32, #tpu.memory_space<hbm>>) dst(%dma_wait3A_1428 : memref<64x128xf32, #tpu.memory_space<vmem>>)
    %add3A_1434 = arith.constant 1728 : i32
    %add3A_1435 = arith.addi %add3A_42, %add3A_1434 : i32
    %dma_start3A_1436 = arith.constant 1 : i32
    %dma_start3A_1437 = arith.constant 0 : i32
    %dma_start3A_1438 = arith.constant 0 : i32
    %dma_start3A_1439 = tpu.memref_slice %arg15[%dma_start3A_1436, %dma_start3A_1437, %dma_start3A_1438] : memref<2x64x128xf32, #tpu.memory_space<vmem>> -> memref<1x64x128xf32, #tpu.memory_space<vmem>>
    %dma_start3A_1440 = tpu.memref_squeeze %dma_start3A_1439 : memref<1x64x128xf32, #tpu.memory_space<vmem>> -> memref<64x128xf32, #tpu.memory_space<vmem>>
    %dma_start3A_1441 = arith.constant 0 : i32
    %dma_start3A_1442 = tpu.memref_slice %arg6[%add3A_1435, %dma_start3A_1441] : memref<131072x128xf32, #tpu.memory_space<hbm>> -> memref<64x128xf32, #tpu.memory_space<hbm>>
    %dma_start3A_1443 = arith.constant 0 : i32
    %dma_start3A_1444 = tpu.memref_slice %arg6[%add3A_1435, %dma_start3A_1443] : memref<131072x128xf32, #tpu.memory_space<hbm>> -> memref<64x128xf32, #tpu.memory_space<hbm>>
    %dma_start3A_1445 = arith.constant 0 : i32
    %dma_start3A_1446 = arith.constant 0 : i32
    %dma_start3A_1447 = tpu.memref_slice %arg15[%dma_start3A_1436, %dma_start3A_1445, %dma_start3A_1446] : memref<2x64x128xf32, #tpu.memory_space<vmem>> -> memref<1x64x128xf32, #tpu.memory_space<vmem>>
    %dma_start3A_1448 = tpu.memref_squeeze %dma_start3A_1447 : memref<1x64x128xf32, #tpu.memory_space<vmem>> -> memref<64x128xf32, #tpu.memory_space<vmem>>
    tpu.enqueue_dma source(%dma_start3A_1448 : memref<64x128xf32, #tpu.memory_space<vmem>>) target(%dma_start3A_1444 : memref<64x128xf32, #tpu.memory_space<hbm>>) target_semaphore(%arg18 : memref<!tpu.dma_semaphore, #tpu.memory_space<semaphore_mem>>)
    %add3A_1449 = arith.constant 1728 : i32
    %add3A_1450 = arith.addi %add3A_42, %add3A_1449 : i32
    %dma_wait3A_1451 = arith.constant 1 : i32
    %dma_wait3A_1452 = arith.constant 0 : i32
    %dma_wait3A_1453 = arith.constant 0 : i32
    %dma_wait3A_1454 = tpu.memref_slice %arg15[%dma_wait3A_1451, %dma_wait3A_1452, %dma_wait3A_1453] : memref<2x64x128xf32, #tpu.memory_space<vmem>> -> memref<1x64x128xf32, #tpu.memory_space<vmem>>
    %dma_wait3A_1455 = tpu.memref_squeeze %dma_wait3A_1454 : memref<1x64x128xf32, #tpu.memory_space<vmem>> -> memref<64x128xf32, #tpu.memory_space<vmem>>
    %dma_wait3A_1456 = arith.constant 0 : i32
    %dma_wait3A_1457 = tpu.memref_slice %arg6[%add3A_1450, %dma_wait3A_1456] : memref<131072x128xf32, #tpu.memory_space<hbm>> -> memref<64x128xf32, #tpu.memory_space<hbm>>
    %dma_wait3A_1458 = arith.constant 0 : i32
    %dma_wait3A_1459 = tpu.memref_slice %arg6[%add3A_1450, %dma_wait3A_1458] : memref<131072x128xf32, #tpu.memory_space<hbm>> -> memref<64x128xf32, #tpu.memory_space<hbm>>
    %dma_wait3A_1460 = arith.constant 0 : i32
    %dma_wait3A_1461 = arith.constant 0 : i32
    %dma_wait3A_1462 = tpu.memref_slice %arg15[%dma_wait3A_1451, %dma_wait3A_1460, %dma_wait3A_1461] : memref<2x64x128xf32, #tpu.memory_space<vmem>> -> memref<1x64x128xf32, #tpu.memory_space<vmem>>
    %dma_wait3A_1463 = tpu.memref_squeeze %dma_wait3A_1462 : memref<1x64x128xf32, #tpu.memory_space<vmem>> -> memref<64x128xf32, #tpu.memory_space<vmem>>
    tpu.wait_dma2 semaphore(%arg18 : memref<!tpu.dma_semaphore, #tpu.memory_space<semaphore_mem>>) src(%dma_wait3A_1463 : memref<64x128xf32, #tpu.memory_space<vmem>>) dst(%dma_wait3A_1459 : memref<64x128xf32, #tpu.memory_space<hbm>>)
    %dma_start3A_1464 = arith.constant 1 : i32
    %dma_start3A_1465 = arith.constant 0 : i32
    %dma_start3A_1466 = arith.constant 0 : i32
    %dma_start3A_1467 = tpu.memref_slice %arg15[%dma_start3A_1464, %dma_start3A_1465, %dma_start3A_1466] : memref<2x64x128xf32, #tpu.memory_space<vmem>> -> memref<1x64x128xf32, #tpu.memory_space<vmem>>
    %dma_start3A_1468 = tpu.memref_squeeze %dma_start3A_1467 : memref<1x64x128xf32, #tpu.memory_space<vmem>> -> memref<64x128xf32, #tpu.memory_space<vmem>>
    %dma_start3A_1469 = arith.constant 1856 : i32
    %dma_start3A_1470 = tpu.memref_slice %arg10[%dma_start3A_1469] : memref<2048xi32, #tpu.memory_space<vmem>> -> memref<64xi32, #tpu.memory_space<vmem>>
    %dma_start3A_1471 = arith.constant 0 : i32
    %dma_start3A_1472 = arith.constant 0 : i32
    %dma_start3A_1473 = tpu.memref_slice %arg2[%dma_start3A_1471, %dma_start3A_1472] : memref<1000000x128xf32, #tpu.memory_space<hbm>> -> memref<1000000x128xf32, #tpu.memory_space<hbm>>
    tpu.enqueue_indirect_dma source(%dma_start3A_1473 : memref<1000000x128xf32, #tpu.memory_space<hbm>>) target(%dma_start3A_1468 : memref<64x128xf32, #tpu.memory_space<vmem>>) offsets(%dma_start3A_1470 : memref<64xi32, #tpu.memory_space<vmem>>) semaphore(%arg17 : memref<!tpu.dma_semaphore, #tpu.memory_space<semaphore_mem>>)
    %dma_wait3A_1474 = arith.constant 0 : i32
    %dma_wait3A_1475 = arith.constant 0 : i32
    %dma_wait3A_1476 = arith.constant 0 : i32
    %dma_wait3A_1477 = tpu.memref_slice %arg15[%dma_wait3A_1474, %dma_wait3A_1475, %dma_wait3A_1476] : memref<2x64x128xf32, #tpu.memory_space<vmem>> -> memref<1x64x128xf32, #tpu.memory_space<vmem>>
    %dma_wait3A_1478 = tpu.memref_squeeze %dma_wait3A_1477 : memref<1x64x128xf32, #tpu.memory_space<vmem>> -> memref<64x128xf32, #tpu.memory_space<vmem>>
    %dma_wait3A_1479 = arith.constant 1792 : i32
    %dma_wait3A_1480 = tpu.memref_slice %arg10[%dma_wait3A_1479] : memref<2048xi32, #tpu.memory_space<vmem>> -> memref<64xi32, #tpu.memory_space<vmem>>
    %dma_wait3A_1481 = arith.constant 0 : i32
    %dma_wait3A_1482 = arith.constant 0 : i32
    %dma_wait3A_1483 = tpu.memref_slice %arg2[%dma_wait3A_1481, %dma_wait3A_1482] : memref<1000000x128xf32, #tpu.memory_space<hbm>> -> memref<1000000x128xf32, #tpu.memory_space<hbm>>
    tpu.wait_indirect_dma semaphore(%arg17 : memref<!tpu.dma_semaphore, #tpu.memory_space<semaphore_mem>>) src(%dma_wait3A_1483 : memref<1000000x128xf32, #tpu.memory_space<hbm>>) dst(%dma_wait3A_1478 : memref<64x128xf32, #tpu.memory_space<vmem>>)
    %add3A_1484 = arith.constant 1792 : i32
    %add3A_1485 = arith.addi %add3A_42, %add3A_1484 : i32
    %dma_start3A_1486 = arith.constant 0 : i32
    %dma_start3A_1487 = arith.constant 0 : i32
    %dma_start3A_1488 = arith.constant 0 : i32
    %dma_start3A_1489 = tpu.memref_slice %arg15[%dma_start3A_1486, %dma_start3A_1487, %dma_start3A_1488] : memref<2x64x128xf32, #tpu.memory_space<vmem>> -> memref<1x64x128xf32, #tpu.memory_space<vmem>>
    %dma_start3A_1490 = tpu.memref_squeeze %dma_start3A_1489 : memref<1x64x128xf32, #tpu.memory_space<vmem>> -> memref<64x128xf32, #tpu.memory_space<vmem>>
    %dma_start3A_1491 = arith.constant 0 : i32
    %dma_start3A_1492 = tpu.memref_slice %arg6[%add3A_1485, %dma_start3A_1491] : memref<131072x128xf32, #tpu.memory_space<hbm>> -> memref<64x128xf32, #tpu.memory_space<hbm>>
    %dma_start3A_1493 = arith.constant 0 : i32
    %dma_start3A_1494 = tpu.memref_slice %arg6[%add3A_1485, %dma_start3A_1493] : memref<131072x128xf32, #tpu.memory_space<hbm>> -> memref<64x128xf32, #tpu.memory_space<hbm>>
    %dma_start3A_1495 = arith.constant 0 : i32
    %dma_start3A_1496 = arith.constant 0 : i32
    %dma_start3A_1497 = tpu.memref_slice %arg15[%dma_start3A_1486, %dma_start3A_1495, %dma_start3A_1496] : memref<2x64x128xf32, #tpu.memory_space<vmem>> -> memref<1x64x128xf32, #tpu.memory_space<vmem>>
    %dma_start3A_1498 = tpu.memref_squeeze %dma_start3A_1497 : memref<1x64x128xf32, #tpu.memory_space<vmem>> -> memref<64x128xf32, #tpu.memory_space<vmem>>
    tpu.enqueue_dma source(%dma_start3A_1498 : memref<64x128xf32, #tpu.memory_space<vmem>>) target(%dma_start3A_1494 : memref<64x128xf32, #tpu.memory_space<hbm>>) target_semaphore(%arg18 : memref<!tpu.dma_semaphore, #tpu.memory_space<semaphore_mem>>)
    %add3A_1499 = arith.constant 1792 : i32
    %add3A_1500 = arith.addi %add3A_42, %add3A_1499 : i32
    %dma_wait3A_1501 = arith.constant 0 : i32
    %dma_wait3A_1502 = arith.constant 0 : i32
    %dma_wait3A_1503 = arith.constant 0 : i32
    %dma_wait3A_1504 = tpu.memref_slice %arg15[%dma_wait3A_1501, %dma_wait3A_1502, %dma_wait3A_1503] : memref<2x64x128xf32, #tpu.memory_space<vmem>> -> memref<1x64x128xf32, #tpu.memory_space<vmem>>
    %dma_wait3A_1505 = tpu.memref_squeeze %dma_wait3A_1504 : memref<1x64x128xf32, #tpu.memory_space<vmem>> -> memref<64x128xf32, #tpu.memory_space<vmem>>
    %dma_wait3A_1506 = arith.constant 0 : i32
    %dma_wait3A_1507 = tpu.memref_slice %arg6[%add3A_1500, %dma_wait3A_1506] : memref<131072x128xf32, #tpu.memory_space<hbm>> -> memref<64x128xf32, #tpu.memory_space<hbm>>
    %dma_wait3A_1508 = arith.constant 0 : i32
    %dma_wait3A_1509 = tpu.memref_slice %arg6[%add3A_1500, %dma_wait3A_1508] : memref<131072x128xf32, #tpu.memory_space<hbm>> -> memref<64x128xf32, #tpu.memory_space<hbm>>
    %dma_wait3A_1510 = arith.constant 0 : i32
    %dma_wait3A_1511 = arith.constant 0 : i32
    %dma_wait3A_1512 = tpu.memref_slice %arg15[%dma_wait3A_1501, %dma_wait3A_1510, %dma_wait3A_1511] : memref<2x64x128xf32, #tpu.memory_space<vmem>> -> memref<1x64x128xf32, #tpu.memory_space<vmem>>
    %dma_wait3A_1513 = tpu.memref_squeeze %dma_wait3A_1512 : memref<1x64x128xf32, #tpu.memory_space<vmem>> -> memref<64x128xf32, #tpu.memory_space<vmem>>
    tpu.wait_dma2 semaphore(%arg18 : memref<!tpu.dma_semaphore, #tpu.memory_space<semaphore_mem>>) src(%dma_wait3A_1513 : memref<64x128xf32, #tpu.memory_space<vmem>>) dst(%dma_wait3A_1509 : memref<64x128xf32, #tpu.memory_space<hbm>>)
    %dma_start3A_1514 = arith.constant 0 : i32
    %dma_start3A_1515 = arith.constant 0 : i32
    %dma_start3A_1516 = arith.constant 0 : i32
    %dma_start3A_1517 = tpu.memref_slice %arg15[%dma_start3A_1514, %dma_start3A_1515, %dma_start3A_1516] : memref<2x64x128xf32, #tpu.memory_space<vmem>> -> memref<1x64x128xf32, #tpu.memory_space<vmem>>
    %dma_start3A_1518 = tpu.memref_squeeze %dma_start3A_1517 : memref<1x64x128xf32, #tpu.memory_space<vmem>> -> memref<64x128xf32, #tpu.memory_space<vmem>>
    %dma_start3A_1519 = arith.constant 1920 : i32
    %dma_start3A_1520 = tpu.memref_slice %arg10[%dma_start3A_1519] : memref<2048xi32, #tpu.memory_space<vmem>> -> memref<64xi32, #tpu.memory_space<vmem>>
    %dma_start3A_1521 = arith.constant 0 : i32
    %dma_start3A_1522 = arith.constant 0 : i32
    %dma_start3A_1523 = tpu.memref_slice %arg2[%dma_start3A_1521, %dma_start3A_1522] : memref<1000000x128xf32, #tpu.memory_space<hbm>> -> memref<1000000x128xf32, #tpu.memory_space<hbm>>
    tpu.enqueue_indirect_dma source(%dma_start3A_1523 : memref<1000000x128xf32, #tpu.memory_space<hbm>>) target(%dma_start3A_1518 : memref<64x128xf32, #tpu.memory_space<vmem>>) offsets(%dma_start3A_1520 : memref<64xi32, #tpu.memory_space<vmem>>) semaphore(%arg17 : memref<!tpu.dma_semaphore, #tpu.memory_space<semaphore_mem>>)
    %dma_wait3A_1524 = arith.constant 1 : i32
    %dma_wait3A_1525 = arith.constant 0 : i32
    %dma_wait3A_1526 = arith.constant 0 : i32
    %dma_wait3A_1527 = tpu.memref_slice %arg15[%dma_wait3A_1524, %dma_wait3A_1525, %dma_wait3A_1526] : memref<2x64x128xf32, #tpu.memory_space<vmem>> -> memref<1x64x128xf32, #tpu.memory_space<vmem>>
    %dma_wait3A_1528 = tpu.memref_squeeze %dma_wait3A_1527 : memref<1x64x128xf32, #tpu.memory_space<vmem>> -> memref<64x128xf32, #tpu.memory_space<vmem>>
    %dma_wait3A_1529 = arith.constant 1856 : i32
    %dma_wait3A_1530 = tpu.memref_slice %arg10[%dma_wait3A_1529] : memref<2048xi32, #tpu.memory_space<vmem>> -> memref<64xi32, #tpu.memory_space<vmem>>
    %dma_wait3A_1531 = arith.constant 0 : i32
    %dma_wait3A_1532 = arith.constant 0 : i32
    %dma_wait3A_1533 = tpu.memref_slice %arg2[%dma_wait3A_1531, %dma_wait3A_1532] : memref<1000000x128xf32, #tpu.memory_space<hbm>> -> memref<1000000x128xf32, #tpu.memory_space<hbm>>
    tpu.wait_indirect_dma semaphore(%arg17 : memref<!tpu.dma_semaphore, #tpu.memory_space<semaphore_mem>>) src(%dma_wait3A_1533 : memref<1000000x128xf32, #tpu.memory_space<hbm>>) dst(%dma_wait3A_1528 : memref<64x128xf32, #tpu.memory_space<vmem>>)
    %add3A_1534 = arith.constant 1856 : i32
    %add3A_1535 = arith.addi %add3A_42, %add3A_1534 : i32
    %dma_start3A_1536 = arith.constant 1 : i32
    %dma_start3A_1537 = arith.constant 0 : i32
    %dma_start3A_1538 = arith.constant 0 : i32
    %dma_start3A_1539 = tpu.memref_slice %arg15[%dma_start3A_1536, %dma_start3A_1537, %dma_start3A_1538] : memref<2x64x128xf32, #tpu.memory_space<vmem>> -> memref<1x64x128xf32, #tpu.memory_space<vmem>>
    %dma_start3A_1540 = tpu.memref_squeeze %dma_start3A_1539 : memref<1x64x128xf32, #tpu.memory_space<vmem>> -> memref<64x128xf32, #tpu.memory_space<vmem>>
    %dma_start3A_1541 = arith.constant 0 : i32
    %dma_start3A_1542 = tpu.memref_slice %arg6[%add3A_1535, %dma_start3A_1541] : memref<131072x128xf32, #tpu.memory_space<hbm>> -> memref<64x128xf32, #tpu.memory_space<hbm>>
    %dma_start3A_1543 = arith.constant 0 : i32
    %dma_start3A_1544 = tpu.memref_slice %arg6[%add3A_1535, %dma_start3A_1543] : memref<131072x128xf32, #tpu.memory_space<hbm>> -> memref<64x128xf32, #tpu.memory_space<hbm>>
    %dma_start3A_1545 = arith.constant 0 : i32
    %dma_start3A_1546 = arith.constant 0 : i32
    %dma_start3A_1547 = tpu.memref_slice %arg15[%dma_start3A_1536, %dma_start3A_1545, %dma_start3A_1546] : memref<2x64x128xf32, #tpu.memory_space<vmem>> -> memref<1x64x128xf32, #tpu.memory_space<vmem>>
    %dma_start3A_1548 = tpu.memref_squeeze %dma_start3A_1547 : memref<1x64x128xf32, #tpu.memory_space<vmem>> -> memref<64x128xf32, #tpu.memory_space<vmem>>
    tpu.enqueue_dma source(%dma_start3A_1548 : memref<64x128xf32, #tpu.memory_space<vmem>>) target(%dma_start3A_1544 : memref<64x128xf32, #tpu.memory_space<hbm>>) target_semaphore(%arg18 : memref<!tpu.dma_semaphore, #tpu.memory_space<semaphore_mem>>)
    %add3A_1549 = arith.constant 1856 : i32
    %add3A_1550 = arith.addi %add3A_42, %add3A_1549 : i32
    %dma_wait3A_1551 = arith.constant 1 : i32
    %dma_wait3A_1552 = arith.constant 0 : i32
    %dma_wait3A_1553 = arith.constant 0 : i32
    %dma_wait3A_1554 = tpu.memref_slice %arg15[%dma_wait3A_1551, %dma_wait3A_1552, %dma_wait3A_1553] : memref<2x64x128xf32, #tpu.memory_space<vmem>> -> memref<1x64x128xf32, #tpu.memory_space<vmem>>
    %dma_wait3A_1555 = tpu.memref_squeeze %dma_wait3A_1554 : memref<1x64x128xf32, #tpu.memory_space<vmem>> -> memref<64x128xf32, #tpu.memory_space<vmem>>
    %dma_wait3A_1556 = arith.constant 0 : i32
    %dma_wait3A_1557 = tpu.memref_slice %arg6[%add3A_1550, %dma_wait3A_1556] : memref<131072x128xf32, #tpu.memory_space<hbm>> -> memref<64x128xf32, #tpu.memory_space<hbm>>
    %dma_wait3A_1558 = arith.constant 0 : i32
    %dma_wait3A_1559 = tpu.memref_slice %arg6[%add3A_1550, %dma_wait3A_1558] : memref<131072x128xf32, #tpu.memory_space<hbm>> -> memref<64x128xf32, #tpu.memory_space<hbm>>
    %dma_wait3A_1560 = arith.constant 0 : i32
    %dma_wait3A_1561 = arith.constant 0 : i32
    %dma_wait3A_1562 = tpu.memref_slice %arg15[%dma_wait3A_1551, %dma_wait3A_1560, %dma_wait3A_1561] : memref<2x64x128xf32, #tpu.memory_space<vmem>> -> memref<1x64x128xf32, #tpu.memory_space<vmem>>
    %dma_wait3A_1563 = tpu.memref_squeeze %dma_wait3A_1562 : memref<1x64x128xf32, #tpu.memory_space<vmem>> -> memref<64x128xf32, #tpu.memory_space<vmem>>
    tpu.wait_dma2 semaphore(%arg18 : memref<!tpu.dma_semaphore, #tpu.memory_space<semaphore_mem>>) src(%dma_wait3A_1563 : memref<64x128xf32, #tpu.memory_space<vmem>>) dst(%dma_wait3A_1559 : memref<64x128xf32, #tpu.memory_space<hbm>>)
    %dma_start3A_1564 = arith.constant 1 : i32
    %dma_start3A_1565 = arith.constant 0 : i32
    %dma_start3A_1566 = arith.constant 0 : i32
    %dma_start3A_1567 = tpu.memref_slice %arg15[%dma_start3A_1564, %dma_start3A_1565, %dma_start3A_1566] : memref<2x64x128xf32, #tpu.memory_space<vmem>> -> memref<1x64x128xf32, #tpu.memory_space<vmem>>
    %dma_start3A_1568 = tpu.memref_squeeze %dma_start3A_1567 : memref<1x64x128xf32, #tpu.memory_space<vmem>> -> memref<64x128xf32, #tpu.memory_space<vmem>>
    %dma_start3A_1569 = arith.constant 1984 : i32
    %dma_start3A_1570 = tpu.memref_slice %arg10[%dma_start3A_1569] : memref<2048xi32, #tpu.memory_space<vmem>> -> memref<64xi32, #tpu.memory_space<vmem>>
    %dma_start3A_1571 = arith.constant 0 : i32
    %dma_start3A_1572 = arith.constant 0 : i32
    %dma_start3A_1573 = tpu.memref_slice %arg2[%dma_start3A_1571, %dma_start3A_1572] : memref<1000000x128xf32, #tpu.memory_space<hbm>> -> memref<1000000x128xf32, #tpu.memory_space<hbm>>
    tpu.enqueue_indirect_dma source(%dma_start3A_1573 : memref<1000000x128xf32, #tpu.memory_space<hbm>>) target(%dma_start3A_1568 : memref<64x128xf32, #tpu.memory_space<vmem>>) offsets(%dma_start3A_1570 : memref<64xi32, #tpu.memory_space<vmem>>) semaphore(%arg17 : memref<!tpu.dma_semaphore, #tpu.memory_space<semaphore_mem>>)
    %dma_wait3A_1574 = arith.constant 0 : i32
    %dma_wait3A_1575 = arith.constant 0 : i32
    %dma_wait3A_1576 = arith.constant 0 : i32
    %dma_wait3A_1577 = tpu.memref_slice %arg15[%dma_wait3A_1574, %dma_wait3A_1575, %dma_wait3A_1576] : memref<2x64x128xf32, #tpu.memory_space<vmem>> -> memref<1x64x128xf32, #tpu.memory_space<vmem>>
    %dma_wait3A_1578 = tpu.memref_squeeze %dma_wait3A_1577 : memref<1x64x128xf32, #tpu.memory_space<vmem>> -> memref<64x128xf32, #tpu.memory_space<vmem>>
    %dma_wait3A_1579 = arith.constant 1920 : i32
    %dma_wait3A_1580 = tpu.memref_slice %arg10[%dma_wait3A_1579] : memref<2048xi32, #tpu.memory_space<vmem>> -> memref<64xi32, #tpu.memory_space<vmem>>
    %dma_wait3A_1581 = arith.constant 0 : i32
    %dma_wait3A_1582 = arith.constant 0 : i32
    %dma_wait3A_1583 = tpu.memref_slice %arg2[%dma_wait3A_1581, %dma_wait3A_1582] : memref<1000000x128xf32, #tpu.memory_space<hbm>> -> memref<1000000x128xf32, #tpu.memory_space<hbm>>
    tpu.wait_indirect_dma semaphore(%arg17 : memref<!tpu.dma_semaphore, #tpu.memory_space<semaphore_mem>>) src(%dma_wait3A_1583 : memref<1000000x128xf32, #tpu.memory_space<hbm>>) dst(%dma_wait3A_1578 : memref<64x128xf32, #tpu.memory_space<vmem>>)
    %add3A_1584 = arith.constant 1920 : i32
    %add3A_1585 = arith.addi %add3A_42, %add3A_1584 : i32
    %dma_start3A_1586 = arith.constant 0 : i32
    %dma_start3A_1587 = arith.constant 0 : i32
    %dma_start3A_1588 = arith.constant 0 : i32
    %dma_start3A_1589 = tpu.memref_slice %arg15[%dma_start3A_1586, %dma_start3A_1587, %dma_start3A_1588] : memref<2x64x128xf32, #tpu.memory_space<vmem>> -> memref<1x64x128xf32, #tpu.memory_space<vmem>>
    %dma_start3A_1590 = tpu.memref_squeeze %dma_start3A_1589 : memref<1x64x128xf32, #tpu.memory_space<vmem>> -> memref<64x128xf32, #tpu.memory_space<vmem>>
    %dma_start3A_1591 = arith.constant 0 : i32
    %dma_start3A_1592 = tpu.memref_slice %arg6[%add3A_1585, %dma_start3A_1591] : memref<131072x128xf32, #tpu.memory_space<hbm>> -> memref<64x128xf32, #tpu.memory_space<hbm>>
    %dma_start3A_1593 = arith.constant 0 : i32
    %dma_start3A_1594 = tpu.memref_slice %arg6[%add3A_1585, %dma_start3A_1593] : memref<131072x128xf32, #tpu.memory_space<hbm>> -> memref<64x128xf32, #tpu.memory_space<hbm>>
    %dma_start3A_1595 = arith.constant 0 : i32
    %dma_start3A_1596 = arith.constant 0 : i32
    %dma_start3A_1597 = tpu.memref_slice %arg15[%dma_start3A_1586, %dma_start3A_1595, %dma_start3A_1596] : memref<2x64x128xf32, #tpu.memory_space<vmem>> -> memref<1x64x128xf32, #tpu.memory_space<vmem>>
    %dma_start3A_1598 = tpu.memref_squeeze %dma_start3A_1597 : memref<1x64x128xf32, #tpu.memory_space<vmem>> -> memref<64x128xf32, #tpu.memory_space<vmem>>
    tpu.enqueue_dma source(%dma_start3A_1598 : memref<64x128xf32, #tpu.memory_space<vmem>>) target(%dma_start3A_1594 : memref<64x128xf32, #tpu.memory_space<hbm>>) target_semaphore(%arg18 : memref<!tpu.dma_semaphore, #tpu.memory_space<semaphore_mem>>)
    %dma_wait3A_1599 = arith.constant 1 : i32
    %dma_wait3A_1600 = arith.constant 0 : i32
    %dma_wait3A_1601 = arith.constant 0 : i32
    %dma_wait3A_1602 = tpu.memref_slice %arg15[%dma_wait3A_1599, %dma_wait3A_1600, %dma_wait3A_1601] : memref<2x64x128xf32, #tpu.memory_space<vmem>> -> memref<1x64x128xf32, #tpu.memory_space<vmem>>
    %dma_wait3A_1603 = tpu.memref_squeeze %dma_wait3A_1602 : memref<1x64x128xf32, #tpu.memory_space<vmem>> -> memref<64x128xf32, #tpu.memory_space<vmem>>
    %dma_wait3A_1604 = arith.constant 1984 : i32
    %dma_wait3A_1605 = tpu.memref_slice %arg10[%dma_wait3A_1604] : memref<2048xi32, #tpu.memory_space<vmem>> -> memref<64xi32, #tpu.memory_space<vmem>>
    %dma_wait3A_1606 = arith.constant 0 : i32
    %dma_wait3A_1607 = arith.constant 0 : i32
    %dma_wait3A_1608 = tpu.memref_slice %arg2[%dma_wait3A_1606, %dma_wait3A_1607] : memref<1000000x128xf32, #tpu.memory_space<hbm>> -> memref<1000000x128xf32, #tpu.memory_space<hbm>>
    tpu.wait_indirect_dma semaphore(%arg17 : memref<!tpu.dma_semaphore, #tpu.memory_space<semaphore_mem>>) src(%dma_wait3A_1608 : memref<1000000x128xf32, #tpu.memory_space<hbm>>) dst(%dma_wait3A_1603 : memref<64x128xf32, #tpu.memory_space<vmem>>)
    %add3A_1609 = arith.constant 1984 : i32
    %add3A_1610 = arith.addi %add3A_42, %add3A_1609 : i32
    %dma_start3A_1611 = arith.constant 1 : i32
    %dma_start3A_1612 = arith.constant 0 : i32
    %dma_start3A_1613 = arith.constant 0 : i32
    %dma_start3A_1614 = tpu.memref_slice %arg15[%dma_start3A_1611, %dma_start3A_1612, %dma_start3A_1613] : memref<2x64x128xf32, #tpu.memory_space<vmem>> -> memref<1x64x128xf32, #tpu.memory_space<vmem>>
    %dma_start3A_1615 = tpu.memref_squeeze %dma_start3A_1614 : memref<1x64x128xf32, #tpu.memory_space<vmem>> -> memref<64x128xf32, #tpu.memory_space<vmem>>
    %dma_start3A_1616 = arith.constant 0 : i32
    %dma_start3A_1617 = tpu.memref_slice %arg6[%add3A_1610, %dma_start3A_1616] : memref<131072x128xf32, #tpu.memory_space<hbm>> -> memref<64x128xf32, #tpu.memory_space<hbm>>
    %dma_start3A_1618 = arith.constant 0 : i32
    %dma_start3A_1619 = tpu.memref_slice %arg6[%add3A_1610, %dma_start3A_1618] : memref<131072x128xf32, #tpu.memory_space<hbm>> -> memref<64x128xf32, #tpu.memory_space<hbm>>
    %dma_start3A_1620 = arith.constant 0 : i32
    %dma_start3A_1621 = arith.constant 0 : i32
    %dma_start3A_1622 = tpu.memref_slice %arg15[%dma_start3A_1611, %dma_start3A_1620, %dma_start3A_1621] : memref<2x64x128xf32, #tpu.memory_space<vmem>> -> memref<1x64x128xf32, #tpu.memory_space<vmem>>
    %dma_start3A_1623 = tpu.memref_squeeze %dma_start3A_1622 : memref<1x64x128xf32, #tpu.memory_space<vmem>> -> memref<64x128xf32, #tpu.memory_space<vmem>>
    tpu.enqueue_dma source(%dma_start3A_1623 : memref<64x128xf32, #tpu.memory_space<vmem>>) target(%dma_start3A_1619 : memref<64x128xf32, #tpu.memory_space<hbm>>) target_semaphore(%arg18 : memref<!tpu.dma_semaphore, #tpu.memory_space<semaphore_mem>>)
    %add3A_1624 = arith.constant 1920 : i32
    %add3A_1625 = arith.addi %add3A_42, %add3A_1624 : i32
    %dma_wait3A_1626 = arith.constant 0 : i32
    %dma_wait3A_1627 = arith.constant 0 : i32
    %dma_wait3A_1628 = arith.constant 0 : i32
    %dma_wait3A_1629 = tpu.memref_slice %arg15[%dma_wait3A_1626, %dma_wait3A_1627, %dma_wait3A_1628] : memref<2x64x128xf32, #tpu.memory_space<vmem>> -> memref<1x64x128xf32, #tpu.memory_space<vmem>>
    %dma_wait3A_1630 = tpu.memref_squeeze %dma_wait3A_1629 : memref<1x64x128xf32, #tpu.memory_space<vmem>> -> memref<64x128xf32, #tpu.memory_space<vmem>>
    %dma_wait3A_1631 = arith.constant 0 : i32
    %dma_wait3A_1632 = tpu.memref_slice %arg6[%add3A_1625, %dma_wait3A_1631] : memref<131072x128xf32, #tpu.memory_space<hbm>> -> memref<64x128xf32, #tpu.memory_space<hbm>>
    %dma_wait3A_1633 = arith.constant 0 : i32
    %dma_wait3A_1634 = tpu.memref_slice %arg6[%add3A_1625, %dma_wait3A_1633] : memref<131072x128xf32, #tpu.memory_space<hbm>> -> memref<64x128xf32, #tpu.memory_space<hbm>>
    %dma_wait3A_1635 = arith.constant 0 : i32
    %dma_wait3A_1636 = arith.constant 0 : i32
    %dma_wait3A_1637 = tpu.memref_slice %arg15[%dma_wait3A_1626, %dma_wait3A_1635, %dma_wait3A_1636] : memref<2x64x128xf32, #tpu.memory_space<vmem>> -> memref<1x64x128xf32, #tpu.memory_space<vmem>>
    %dma_wait3A_1638 = tpu.memref_squeeze %dma_wait3A_1637 : memref<1x64x128xf32, #tpu.memory_space<vmem>> -> memref<64x128xf32, #tpu.memory_space<vmem>>
    tpu.wait_dma2 semaphore(%arg18 : memref<!tpu.dma_semaphore, #tpu.memory_space<semaphore_mem>>) src(%dma_wait3A_1638 : memref<64x128xf32, #tpu.memory_space<vmem>>) dst(%dma_wait3A_1634 : memref<64x128xf32, #tpu.memory_space<hbm>>)
    %add3A_1639 = arith.constant 1984 : i32
    %add3A_1640 = arith.addi %add3A_42, %add3A_1639 : i32
    %dma_wait3A_1641 = arith.constant 1 : i32
    %dma_wait3A_1642 = arith.constant 0 : i32
    %dma_wait3A_1643 = arith.constant 0 : i32
    %dma_wait3A_1644 = tpu.memref_slice %arg15[%dma_wait3A_1641, %dma_wait3A_1642, %dma_wait3A_1643] : memref<2x64x128xf32, #tpu.memory_space<vmem>> -> memref<1x64x128xf32, #tpu.memory_space<vmem>>
    %dma_wait3A_1645 = tpu.memref_squeeze %dma_wait3A_1644 : memref<1x64x128xf32, #tpu.memory_space<vmem>> -> memref<64x128xf32, #tpu.memory_space<vmem>>
    %dma_wait3A_1646 = arith.constant 0 : i32
    %dma_wait3A_1647 = tpu.memref_slice %arg6[%add3A_1640, %dma_wait3A_1646] : memref<131072x128xf32, #tpu.memory_space<hbm>> -> memref<64x128xf32, #tpu.memory_space<hbm>>
    %dma_wait3A_1648 = arith.constant 0 : i32
    %dma_wait3A_1649 = tpu.memref_slice %arg6[%add3A_1640, %dma_wait3A_1648] : memref<131072x128xf32, #tpu.memory_space<hbm>> -> memref<64x128xf32, #tpu.memory_space<hbm>>
    %dma_wait3A_1650 = arith.constant 0 : i32
    %dma_wait3A_1651 = arith.constant 0 : i32
    %dma_wait3A_1652 = tpu.memref_slice %arg15[%dma_wait3A_1641, %dma_wait3A_1650, %dma_wait3A_1651] : memref<2x64x128xf32, #tpu.memory_space<vmem>> -> memref<1x64x128xf32, #tpu.memory_space<vmem>>
    %dma_wait3A_1653 = tpu.memref_squeeze %dma_wait3A_1652 : memref<1x64x128xf32, #tpu.memory_space<vmem>> -> memref<64x128xf32, #tpu.memory_space<vmem>>
    tpu.wait_dma2 semaphore(%arg18 : memref<!tpu.dma_semaphore, #tpu.memory_space<semaphore_mem>>) src(%dma_wait3A_1653 : memref<64x128xf32, #tpu.memory_space<vmem>>) dst(%dma_wait3A_1649 : memref<64x128xf32, #tpu.memory_space<hbm>>)
    %dma_wait3A_1654 = arith.constant 0 : i32
    %dma_wait3A_1655 = tpu.memref_slice %arg6[%mul3A_35, %dma_wait3A_1654] : memref<131072x128xf32, #tpu.memory_space<hbm>> -> memref<2048x128xf32, #tpu.memory_space<hbm>>
    %dma_wait3A_1656 = arith.constant 0 : i32
    %dma_wait3A_1657 = tpu.memref_slice %arg3[%mul3A_35, %dma_wait3A_1656] : memref<131072x128xf32, #tpu.memory_space<hbm>> -> memref<2048x128xf32, #tpu.memory_space<hbm>>
    tpu.wait_dma2 semaphore(%arg19 : memref<!tpu.dma_semaphore, #tpu.memory_space<semaphore_mem>>) src(%dma_wait3A_1657 : memref<2048x128xf32, #tpu.memory_space<hbm>>) dst(%dma_wait3A_1655 : memref<2048x128xf32, #tpu.memory_space<hbm>>)
    %gt3A = arith.constant 0 : i32
    %gt3A_1658 = arith.cmpi sgt, %scan3A_53, %gt3A : i32
    %convert_element_type3A = arith.extui %gt3A_1658 : i1 to i32
    %cond3A = arith.constant 0 : i32
    %cond3A_1659 = arith.cmpi ne, %convert_element_type3A, %cond3A : i32
    scf.if %cond3A_1659 {
      %get3A_1660 = arith.constant 0 : index
      %get3A_1661 = tpu.vector_load %arg13[%get3A_1660] {strides = array<i32>} : memref<2112xi32, #tpu.memory_space<vmem>>, vector<16xi32>,
      %slice3A = vector.extract_strided_slice %get3A_1661 {offsets = [0], sizes = [1], strides = [1]} : vector<16xi32> to vector<1xi32>
      %squeeze3A = vector.extract %slice3A[0] : i32 from vector<1xi32>
      %broadcast_in_dim3A_1662 = vector.broadcast %squeeze3A : i32 to vector<16xi32>
      %get3A_1663 = arith.constant 0 : index
      %get3A_1664 = tpu.vector_load %arg12[%get3A_1663] {strides = array<i32>} : memref<2112xi32, #tpu.memory_space<vmem>>, vector<16xi32>,
      %slice3A_1665 = vector.extract_strided_slice %get3A_1664 {offsets = [0], sizes = [1], strides = [1]} : vector<16xi32> to vector<1xi32>
      %squeeze3A_1666 = vector.extract %slice3A_1665[0] : i32 from vector<1xi32>
      %broadcast_in_dim3A_1667 = vector.broadcast %squeeze3A_1666 : i32 to vector<16xi32>
      %add3A_1668 = arith.constant 64 : i32
      %add3A_1669 = arith.addi %scan3A_53, %add3A_1668 : i32
      %sub3A = arith.constant 1 : i32
      %sub3A_1670 = arith.subi %add3A_1669, %sub3A : i32
      %jit3A = arith.constant 64 : i32
      %div3A = arith.divsi %sub3A_1670, %jit3A : i32
      %sign3A = arith.constant 0 : i32
      %sign3A_1671 = arith.cmpi sgt, %sub3A_1670, %sign3A : i32
      %sign3A_1672 = arith.extui %sign3A_1671 : i1 to i32
      %sign3A_1673 = arith.constant 0 : i32
      %sign3A_1674 = arith.cmpi slt, %sub3A_1670, %sign3A_1673 : i32
      %sign3A_1675 = arith.extui %sign3A_1674 : i1 to i32
      %sign3A_1676 = arith.subi %sign3A_1672, %sign3A_1675 : i32
      %sign3A_1677 = arith.constant 0 : i32
      %sign3A_1678 = arith.cmpi sgt, %jit3A, %sign3A_1677 : i32
      %sign3A_1679 = arith.extui %sign3A_1678 : i1 to i32
      %sign3A_1680 = arith.constant 0 : i32
      %sign3A_1681 = arith.cmpi slt, %jit3A, %sign3A_1680 : i32
      %sign3A_1682 = arith.extui %sign3A_1681 : i1 to i32
      %sign3A_1683 = arith.subi %sign3A_1679, %sign3A_1682 : i32
      %ne3A = arith.cmpi ne, %sign3A_1676, %sign3A_1683 : i32
      %rem3A = arith.remsi %sub3A_1670, %jit3A : i32
      %ne3A_1684 = arith.constant 0 : i32
      %ne3A_1685 = arith.cmpi ne, %rem3A, %ne3A_1684 : i32
      %and3A = arith.andi %ne3A, %ne3A_1685 : i1
      %sub3A_1686 = arith.constant 1 : i32
      %sub3A_1687 = arith.subi %div3A, %sub3A_1686 : i32
      %select_n3A = arith.select %and3A, %sub3A_1687, %div3A : i32
      %mul3A_1688 = arith.constant 64 : i32
      %mul3A_1689 = arith.muli %select_n3A, %mul3A_1688 : i32
      %jit3A_1690 = arith.constant 16 : i32
      %div3A_1691 = arith.divsi %scan3A_53, %jit3A_1690 : i32
      %sign3A_1692 = arith.constant 0 : i32
      %sign3A_1693 = arith.cmpi sgt, %scan3A_53, %sign3A_1692 : i32
      %sign3A_1694 = arith.extui %sign3A_1693 : i1 to i32
      %sign3A_1695 = arith.constant 0 : i32
      %sign3A_1696 = arith.cmpi slt, %scan3A_53, %sign3A_1695 : i32
      %sign3A_1697 = arith.extui %sign3A_1696 : i1 to i32
      %sign3A_1698 = arith.subi %sign3A_1694, %sign3A_1697 : i32
      %sign3A_1699 = arith.constant 0 : i32
      %sign3A_1700 = arith.cmpi sgt, %jit3A_1690, %sign3A_1699 : i32
      %sign3A_1701 = arith.extui %sign3A_1700 : i1 to i32
      %sign3A_1702 = arith.constant 0 : i32
      %sign3A_1703 = arith.cmpi slt, %jit3A_1690, %sign3A_1702 : i32
      %sign3A_1704 = arith.extui %sign3A_1703 : i1 to i32
      %sign3A_1705 = arith.subi %sign3A_1701, %sign3A_1704 : i32
      %ne3A_1706 = arith.cmpi ne, %sign3A_1698, %sign3A_1705 : i32
      %rem3A_1707 = arith.remsi %scan3A_53, %jit3A_1690 : i32
      %ne3A_1708 = arith.constant 0 : i32
      %ne3A_1709 = arith.cmpi ne, %rem3A_1707, %ne3A_1708 : i32
      %and3A_1710 = arith.andi %ne3A_1706, %ne3A_1709 : i1
      %sub3A_1711 = arith.constant 1 : i32
      %sub3A_1712 = arith.subi %div3A_1691, %sub3A_1711 : i32
      %select_n3A_1713 = arith.select %and3A_1710, %sub3A_1712, %div3A_1691 : i32
      %mul3A_1714 = arith.constant 16 : i32
      %mul3A_1715 = arith.muli %select_n3A_1713, %mul3A_1714 : i32
      %sub3A_1716 = arith.subi %mul3A_1689, %mul3A_1715 : i32
      %sub3A_1717 = arith.constant 16 : i32
      %sub3A_1718 = arith.constant 1 : i32
      %sub3A_1719 = arith.subi %sub3A_1717, %sub3A_1718 : i32
      %add3A_1720 = arith.addi %sub3A_1716, %sub3A_1719 : i32
      %div3A_1721 = arith.constant 16 : i32
      %div3A_1722 = arith.divsi %add3A_1720, %div3A_1721 : i32
      %while3A = arith.constant 16 : i32
      %while3A_1723 = arith.constant 0 : i32
      %while3A_1724 = arith.subi %div3A_1722, %while3A_1723 : i32
      %while3A_1725 = arith.addi %while3A_1723, %while3A_1724 : i32
      %while3A_1726 = arith.constant 1 : i32
      %while3A_1727 = arith.divsi %while3A_1724, %while3A_1726 : i32
      %while3A_1728 = arith.muli %while3A_1727, %while3A_1726 : i32
      %while3A_1729 = arith.addi %while3A_1723, %while3A_1728 : i32
      %while3A_1730 = arith.constant 1 : i32
      scf.for %while3A_1779 = %while3A_1723 to %while3A_1729 step %while3A_1730  : i32 {
        %mul3A_1780 = arith.muli %while3A_1779, %while3A : i32
        %add3A_1781 = arith.addi %mul3A_1715, %mul3A_1780 : i32
        %add3A_1782 = vector.broadcast %add3A_1781 : i32 to vector<16xi32>
        %add3A_1783 = arith.addi %iota3A, %add3A_1782 : vector<16xi32>
        %lt3A = vector.broadcast %scan3A_53 : i32 to vector<16xi32>
        %lt3A_1784 = arith.cmpi slt, %add3A_1783, %lt3A : vector<16xi32>
        %get3A_1785 = arith.index_cast %add3A_1781 : i32 to index
        %get3A_1786 = tpu.vector_load %arg13[%get3A_1785] {strides = array<i32>} : memref<2112xi32, #tpu.memory_space<vmem>>, vector<16xi32>,
        %select_n3A_1787 = arith.select %lt3A_1784, %get3A_1786, %broadcast_in_dim3A_1662 : vector<16xi1>, vector<16xi32>
        %swap3A = arith.index_cast %add3A_1781 : i32 to index
        %swap3A_1788 = tpu.vector_load %arg13[%swap3A] {strides = array<i32>} : memref<2112xi32, #tpu.memory_space<vmem>>, vector<16xi32>,
        tpu.vector_store %arg13[%swap3A], %select_n3A_1787 {strides = array<i32>} : memref<2112xi32, #tpu.memory_space<vmem>>, vector<16xi32>,
        %get3A_1789 = arith.index_cast %add3A_1781 : i32 to index
        %get3A_1790 = tpu.vector_load %arg12[%get3A_1789] {strides = array<i32>} : memref<2112xi32, #tpu.memory_space<vmem>>, vector<16xi32>,
        %select_n3A_1791 = arith.select %lt3A_1784, %get3A_1790, %broadcast_in_dim3A_1667 : vector<16xi1>, vector<16xi32>
        %swap3A_1792 = arith.index_cast %add3A_1781 : i32 to index
        %swap3A_1793 = tpu.vector_load %arg12[%swap3A_1792] {strides = array<i32>} : memref<2112xi32, #tpu.memory_space<vmem>>, vector<16xi32>,
        tpu.vector_store %arg12[%swap3A_1792], %select_n3A_1791 {strides = array<i32>} : memref<2112xi32, #tpu.memory_space<vmem>>, vector<16xi32>,
      }
      %while3A_1731 = arith.constant 1 : i32
      scf.for %while3A_1779 = %while3A_1729 to %while3A_1725 step %while3A_1731  : i32 {
        %mul3A_1780 = arith.muli %while3A_1779, %while3A : i32
        %add3A_1781 = arith.addi %mul3A_1715, %mul3A_1780 : i32
        %add3A_1782 = vector.broadcast %add3A_1781 : i32 to vector<16xi32>
        %add3A_1783 = arith.addi %iota3A, %add3A_1782 : vector<16xi32>
        %lt3A = vector.broadcast %scan3A_53 : i32 to vector<16xi32>
        %lt3A_1784 = arith.cmpi slt, %add3A_1783, %lt3A : vector<16xi32>
        %get3A_1785 = arith.index_cast %add3A_1781 : i32 to index
        %get3A_1786 = tpu.vector_load %arg13[%get3A_1785] {strides = array<i32>} : memref<2112xi32, #tpu.memory_space<vmem>>, vector<16xi32>,
        %select_n3A_1787 = arith.select %lt3A_1784, %get3A_1786, %broadcast_in_dim3A_1662 : vector<16xi1>, vector<16xi32>
        %swap3A = arith.index_cast %add3A_1781 : i32 to index
        %swap3A_1788 = tpu.vector_load %arg13[%swap3A] {strides = array<i32>} : memref<2112xi32, #tpu.memory_space<vmem>>, vector<16xi32>,
        tpu.vector_store %arg13[%swap3A], %select_n3A_1787 {strides = array<i32>} : memref<2112xi32, #tpu.memory_space<vmem>>, vector<16xi32>,
        %get3A_1789 = arith.index_cast %add3A_1781 : i32 to index
        %get3A_1790 = tpu.vector_load %arg12[%get3A_1789] {strides = array<i32>} : memref<2112xi32, #tpu.memory_space<vmem>>, vector<16xi32>,
        %select_n3A_1791 = arith.select %lt3A_1784, %get3A_1790, %broadcast_in_dim3A_1667 : vector<16xi1>, vector<16xi32>
        %swap3A_1792 = arith.index_cast %add3A_1781 : i32 to index
        %swap3A_1793 = tpu.vector_load %arg12[%swap3A_1792] {strides = array<i32>} : memref<2112xi32, #tpu.memory_space<vmem>>, vector<16xi32>,
        tpu.vector_store %arg12[%swap3A_1792], %select_n3A_1791 {strides = array<i32>} : memref<2112xi32, #tpu.memory_space<vmem>>, vector<16xi32>,
      }
      %add3A_1732 = arith.constant 64 : i32
      %add3A_1733 = arith.addi %scan3A_53, %add3A_1732 : i32
      %sub3A_1734 = arith.constant 1 : i32
      %sub3A_1735 = arith.subi %add3A_1733, %sub3A_1734 : i32
      %jit3A_1736 = arith.constant 64 : i32
      %div3A_1737 = arith.divsi %sub3A_1735, %jit3A_1736 : i32
      %sign3A_1738 = arith.constant 0 : i32
      %sign3A_1739 = arith.cmpi sgt, %sub3A_1735, %sign3A_1738 : i32
      %sign3A_1740 = arith.extui %sign3A_1739 : i1 to i32
      %sign3A_1741 = arith.constant 0 : i32
      %sign3A_1742 = arith.cmpi slt, %sub3A_1735, %sign3A_1741 : i32
      %sign3A_1743 = arith.extui %sign3A_1742 : i1 to i32
      %sign3A_1744 = arith.subi %sign3A_1740, %sign3A_1743 : i32
      %sign3A_1745 = arith.constant 0 : i32
      %sign3A_1746 = arith.cmpi sgt, %jit3A_1736, %sign3A_1745 : i32
      %sign3A_1747 = arith.extui %sign3A_1746 : i1 to i32
      %sign3A_1748 = arith.constant 0 : i32
      %sign3A_1749 = arith.cmpi slt, %jit3A_1736, %sign3A_1748 : i32
      %sign3A_1750 = arith.extui %sign3A_1749 : i1 to i32
      %sign3A_1751 = arith.subi %sign3A_1747, %sign3A_1750 : i32
      %ne3A_1752 = arith.cmpi ne, %sign3A_1744, %sign3A_1751 : i32
      %rem3A_1753 = arith.remsi %sub3A_1735, %jit3A_1736 : i32
      %ne3A_1754 = arith.constant 0 : i32
      %ne3A_1755 = arith.cmpi ne, %rem3A_1753, %ne3A_1754 : i32
      %and3A_1756 = arith.andi %ne3A_1752, %ne3A_1755 : i1
      %sub3A_1757 = arith.constant 1 : i32
      %sub3A_1758 = arith.subi %div3A_1737, %sub3A_1757 : i32
      %select_n3A_1759 = arith.select %and3A_1756, %sub3A_1758, %div3A_1737 : i32
      %sub3A_1760 = arith.constant 0 : i32
      %sub3A_1761 = arith.subi %select_n3A_1759, %sub3A_1760 : i32
      %sub3A_1762 = arith.constant 1 : i32
      %sub3A_1763 = arith.constant 1 : i32
      %sub3A_1764 = arith.subi %sub3A_1762, %sub3A_1763 : i32
      %add3A_1765 = arith.addi %sub3A_1761, %sub3A_1764 : i32
      %div3A_1766 = arith.constant 1 : i32
      %div3A_1767 = arith.divsi %add3A_1765, %div3A_1766 : i32
      %while3A_1768 = arith.constant 1 : i32
      %while3A_1769 = arith.constant 0 : i32
      %while3A_1770 = arith.constant 0 : i32
      %while3A_1771 = arith.subi %div3A_1767, %while3A_1770 : i32
      %while3A_1772 = arith.addi %while3A_1770, %while3A_1771 : i32
      %while3A_1773 = arith.constant 1 : i32
      %while3A_1774 = arith.divsi %while3A_1771, %while3A_1773 : i32
      %while3A_1775 = arith.muli %while3A_1774, %while3A_1773 : i32
      %while3A_1776 = arith.addi %while3A_1770, %while3A_1775 : i32
      %while3A_1777 = arith.constant 1 : i32
      scf.for %while3A_1779 = %while3A_1770 to %while3A_1776 step %while3A_1777  : i32 {
        %mul3A_1780 = arith.muli %while3A_1779, %while3A_1768 : i32
        %add3A_1781 = arith.addi %while3A_1769, %mul3A_1780 : i32
        %mul3A_1782 = arith.constant 64 : i32
        %mul3A_1783 = arith.muli %add3A_1781, %mul3A_1782 : i32
        %run_scoped3A = arith.constant 0 : i32
        "tpu.region"() ({
          %run_scoped3A_1825 = tpu.sem_alloc : memref<!tpu.dma_semaphore, #tpu.memory_space<semaphore_mem>>
          %dma_start3A_1826 = arith.constant 0 : i32
          %dma_start3A_1827 = arith.constant 0 : i32
          %dma_start3A_1828 = tpu.memref_slice %arg15[%run_scoped3A, %dma_start3A_1826, %dma_start3A_1827] : memref<2x64x128xf32, #tpu.memory_space<vmem>> -> memref<1x64x128xf32, #tpu.memory_space<vmem>>
          %dma_start3A_1829 = tpu.memref_squeeze %dma_start3A_1828 : memref<1x64x128xf32, #tpu.memory_space<vmem>> -> memref<64x128xf32, #tpu.memory_space<vmem>>
          %dma_start3A_1830 = tpu.memref_slice %arg13[%mul3A_1783] : memref<2112xi32, #tpu.memory_space<vmem>> -> memref<64xi32, #tpu.memory_space<vmem>>
          %dma_start3A_1831 = arith.constant 0 : i32
          %dma_start3A_1832 = arith.constant 0 : i32
          %dma_start3A_1833 = tpu.memref_slice %arg3[%dma_start3A_1831, %dma_start3A_1832] : memref<131072x128xf32, #tpu.memory_space<hbm>> -> memref<131072x128xf32, #tpu.memory_space<hbm>>
          tpu.enqueue_indirect_dma source(%dma_start3A_1833 : memref<131072x128xf32, #tpu.memory_space<hbm>>) target(%dma_start3A_1829 : memref<64x128xf32, #tpu.memory_space<vmem>>) offsets(%dma_start3A_1830 : memref<64xi32, #tpu.memory_space<vmem>>) semaphore(%run_scoped3A_1825 : memref<!tpu.dma_semaphore, #tpu.memory_space<semaphore_mem>>)
          %dma_wait3A_1834 = arith.constant 0 : i32
          %dma_wait3A_1835 = arith.constant 0 : i32
          %dma_wait3A_1836 = tpu.memref_slice %arg15[%run_scoped3A, %dma_wait3A_1834, %dma_wait3A_1835] : memref<2x64x128xf32, #tpu.memory_space<vmem>> -> memref<1x64x128xf32, #tpu.memory_space<vmem>>
          %dma_wait3A_1837 = tpu.memref_squeeze %dma_wait3A_1836 : memref<1x64x128xf32, #tpu.memory_space<vmem>> -> memref<64x128xf32, #tpu.memory_space<vmem>>
          %dma_wait3A_1838 = tpu.memref_slice %arg13[%mul3A_1783] : memref<2112xi32, #tpu.memory_space<vmem>> -> memref<64xi32, #tpu.memory_space<vmem>>
          %dma_wait3A_1839 = arith.constant 0 : i32
          %dma_wait3A_1840 = arith.constant 0 : i32
          %dma_wait3A_1841 = tpu.memref_slice %arg3[%dma_wait3A_1839, %dma_wait3A_1840] : memref<131072x128xf32, #tpu.memory_space<hbm>> -> memref<131072x128xf32, #tpu.memory_space<hbm>>
          tpu.wait_indirect_dma semaphore(%run_scoped3A_1825 : memref<!tpu.dma_semaphore, #tpu.memory_space<semaphore_mem>>) src(%dma_wait3A_1841 : memref<131072x128xf32, #tpu.memory_space<hbm>>) dst(%dma_wait3A_1837 : memref<64x128xf32, #tpu.memory_space<vmem>>)
          tpu.yield
        }) : () -> ()
        %mul3A_1784 = arith.constant 64 : i32
        %mul3A_1785 = arith.muli %add3A_1781, %mul3A_1784 : i32
        %add3A_1786 = arith.constant 0 : i32
        %add3A_1787 = arith.addi %mul3A_1785, %add3A_1786 : i32
        %get3A_1788 = arith.index_cast %add3A_1787 : i32 to index
        %get3A_1789 = tpu.vector_load %arg12[%get3A_1788] {strides = array<i32>} : memref<2112xi32, #tpu.memory_space<vmem>>, vector<16xi32>,
        %swap3A = arith.constant 0 : i32
        %swap3A_1790 = arith.index_cast %swap3A : i32 to index
        %swap3A_1791 = arith.constant 0 : index
        %swap3A_1792 = tpu.vector_load %arg14[%swap3A_1790, %swap3A_1791] {strides = array<i32>} : memref<1x64xi32, #tpu.memory_space<vmem>>, vector<16xi32>,
        tpu.vector_store %arg14[%swap3A_1790, %swap3A_1791], %get3A_1789 {strides = array<i32>} : memref<1x64xi32, #tpu.memory_space<vmem>>, vector<16xi32>,
        %mul3A_1793 = arith.constant 64 : i32
        %mul3A_1794 = arith.muli %add3A_1781, %mul3A_1793 : i32
        %add3A_1795 = arith.constant 16 : i32
        %add3A_1796 = arith.addi %mul3A_1794, %add3A_1795 : i32
        %get3A_1797 = arith.index_cast %add3A_1796 : i32 to index
        %get3A_1798 = tpu.vector_load %arg12[%get3A_1797] {strides = array<i32>} : memref<2112xi32, #tpu.memory_space<vmem>>, vector<16xi32>,
        %swap3A_1799 = arith.constant 0 : i32
        %swap3A_1800 = arith.index_cast %swap3A_1799 : i32 to index
        %swap3A_1801 = arith.constant 16 : index
        %swap3A_1802 = tpu.vector_load %arg14[%swap3A_1800, %swap3A_1801] {strides = array<i32>} : memref<1x64xi32, #tpu.memory_space<vmem>>, vector<16xi32>,
        tpu.vector_store %arg14[%swap3A_1800, %swap3A_1801], %get3A_1798 {strides = array<i32>} : memref<1x64xi32, #tpu.memory_space<vmem>>, vector<16xi32>,
        %mul3A_1803 = arith.constant 64 : i32
        %mul3A_1804 = arith.muli %add3A_1781, %mul3A_1803 : i32
        %add3A_1805 = arith.constant 32 : i32
        %add3A_1806 = arith.addi %mul3A_1804, %add3A_1805 : i32
        %get3A_1807 = arith.index_cast %add3A_1806 : i32 to index
        %get3A_1808 = tpu.vector_load %arg12[%get3A_1807] {strides = array<i32>} : memref<2112xi32, #tpu.memory_space<vmem>>, vector<16xi32>,
        %swap3A_1809 = arith.constant 0 : i32
        %swap3A_1810 = arith.index_cast %swap3A_1809 : i32 to index
        %swap3A_1811 = arith.constant 32 : index
        %swap3A_1812 = tpu.vector_load %arg14[%swap3A_1810, %swap3A_1811] {strides = array<i32>} : memref<1x64xi32, #tpu.memory_space<vmem>>, vector<16xi32>,
        tpu.vector_store %arg14[%swap3A_1810, %swap3A_1811], %get3A_1808 {strides = array<i32>} : memref<1x64xi32, #tpu.memory_space<vmem>>, vector<16xi32>,
        %mul3A_1813 = arith.constant 64 : i32
        %mul3A_1814 = arith.muli %add3A_1781, %mul3A_1813 : i32
        %add3A_1815 = arith.constant 48 : i32
        %add3A_1816 = arith.addi %mul3A_1814, %add3A_1815 : i32
        %get3A_1817 = arith.index_cast %add3A_1816 : i32 to index
        %get3A_1818 = tpu.vector_load %arg12[%get3A_1817] {strides = array<i32>} : memref<2112xi32, #tpu.memory_space<vmem>>, vector<16xi32>,
        %swap3A_1819 = arith.constant 0 : i32
        %swap3A_1820 = arith.index_cast %swap3A_1819 : i32 to index
        %swap3A_1821 = arith.constant 48 : index
        %swap3A_1822 = tpu.vector_load %arg14[%swap3A_1820, %swap3A_1821] {strides = array<i32>} : memref<1x64xi32, #tpu.memory_space<vmem>>, vector<16xi32>,
        tpu.vector_store %arg14[%swap3A_1820, %swap3A_1821], %get3A_1818 {strides = array<i32>} : memref<1x64xi32, #tpu.memory_space<vmem>>, vector<16xi32>,
        %run_scoped3A_1823 = arith.constant 0 : i32
        %run_scoped3A_1824 = arith.constant 0 : i32
        "tpu.region"() ({
          %run_scoped3A_1825 = tpu.sem_alloc : memref<!tpu.dma_semaphore, #tpu.memory_space<semaphore_mem>>
          %dma_start3A_1826 = arith.constant 0 : i32
          %dma_start3A_1827 = arith.constant 0 : i32
          %dma_start3A_1828 = tpu.memref_slice %arg15[%run_scoped3A_1823, %dma_start3A_1826, %dma_start3A_1827] : memref<2x64x128xf32, #tpu.memory_space<vmem>> -> memref<1x64x128xf32, #tpu.memory_space<vmem>>
          %dma_start3A_1829 = tpu.memref_squeeze %dma_start3A_1828 : memref<1x64x128xf32, #tpu.memory_space<vmem>> -> memref<64x128xf32, #tpu.memory_space<vmem>>
          %dma_start3A_1830 = arith.constant 0 : i32
          %dma_start3A_1831 = tpu.memref_slice %arg14[%run_scoped3A_1824, %dma_start3A_1830] : memref<1x64xi32, #tpu.memory_space<vmem>> -> memref<1x64xi32, #tpu.memory_space<vmem>>
          %dma_start3A_1832 = tpu.memref_squeeze %dma_start3A_1831 : memref<1x64xi32, #tpu.memory_space<vmem>> -> memref<64xi32, #tpu.memory_space<vmem>>
          %dma_start3A_1833 = arith.constant 0 : i32
          %dma_start3A_1834 = arith.constant 0 : i32
          %dma_start3A_1835 = tpu.memref_slice %arg6[%dma_start3A_1833, %dma_start3A_1834] : memref<131072x128xf32, #tpu.memory_space<hbm>> -> memref<131072x128xf32, #tpu.memory_space<hbm>>
          tpu.enqueue_indirect_dma source(%dma_start3A_1829 : memref<64x128xf32, #tpu.memory_space<vmem>>) target(%dma_start3A_1835 : memref<131072x128xf32, #tpu.memory_space<hbm>>) offsets(%dma_start3A_1832 : memref<64xi32, #tpu.memory_space<vmem>>) semaphore(%run_scoped3A_1825 : memref<!tpu.dma_semaphore, #tpu.memory_space<semaphore_mem>>)
          %dma_wait3A_1836 = arith.constant 0 : i32
          %dma_wait3A_1837 = arith.constant 0 : i32
          %dma_wait3A_1838 = tpu.memref_slice %arg15[%run_scoped3A_1823, %dma_wait3A_1836, %dma_wait3A_1837] : memref<2x64x128xf32, #tpu.memory_space<vmem>> -> memref<1x64x128xf32, #tpu.memory_space<vmem>>
          %dma_wait3A_1839 = tpu.memref_squeeze %dma_wait3A_1838 : memref<1x64x128xf32, #tpu.memory_space<vmem>> -> memref<64x128xf32, #tpu.memory_space<vmem>>
          %dma_wait3A_1840 = arith.constant 0 : i32
          %dma_wait3A_1841 = tpu.memref_slice %arg14[%run_scoped3A_1824, %dma_wait3A_1840] : memref<1x64xi32, #tpu.memory_space<vmem>> -> memref<1x64xi32, #tpu.memory_space<vmem>>
          %dma_wait3A_1842 = tpu.memref_squeeze %dma_wait3A_1841 : memref<1x64xi32, #tpu.memory_space<vmem>> -> memref<64xi32, #tpu.memory_space<vmem>>
          %dma_wait3A_1843 = arith.constant 0 : i32
          %dma_wait3A_1844 = arith.constant 0 : i32
          %dma_wait3A_1845 = tpu.memref_slice %arg6[%dma_wait3A_1843, %dma_wait3A_1844] : memref<131072x128xf32, #tpu.memory_space<hbm>> -> memref<131072x128xf32, #tpu.memory_space<hbm>>
          tpu.wait_indirect_dma semaphore(%run_scoped3A_1825 : memref<!tpu.dma_semaphore, #tpu.memory_space<semaphore_mem>>) src(%dma_wait3A_1839 : memref<64x128xf32, #tpu.memory_space<vmem>>) dst(%dma_wait3A_1845 : memref<131072x128xf32, #tpu.memory_space<hbm>>)
          tpu.yield
        }) : () -> ()
      }
      %while3A_1778 = arith.constant 1 : i32
      scf.for %while3A_1779 = %while3A_1776 to %while3A_1772 step %while3A_1778  : i32 {
        %mul3A_1780 = arith.muli %while3A_1779, %while3A_1768 : i32
        %add3A_1781 = arith.addi %while3A_1769, %mul3A_1780 : i32
        %mul3A_1782 = arith.constant 64 : i32
        %mul3A_1783 = arith.muli %add3A_1781, %mul3A_1782 : i32
        %run_scoped3A = arith.constant 0 : i32
        "tpu.region"() ({
          %run_scoped3A_1825 = tpu.sem_alloc : memref<!tpu.dma_semaphore, #tpu.memory_space<semaphore_mem>>
          %dma_start3A_1826 = arith.constant 0 : i32
          %dma_start3A_1827 = arith.constant 0 : i32
          %dma_start3A_1828 = tpu.memref_slice %arg15[%run_scoped3A, %dma_start3A_1826, %dma_start3A_1827] : memref<2x64x128xf32, #tpu.memory_space<vmem>> -> memref<1x64x128xf32, #tpu.memory_space<vmem>>
          %dma_start3A_1829 = tpu.memref_squeeze %dma_start3A_1828 : memref<1x64x128xf32, #tpu.memory_space<vmem>> -> memref<64x128xf32, #tpu.memory_space<vmem>>
          %dma_start3A_1830 = tpu.memref_slice %arg13[%mul3A_1783] : memref<2112xi32, #tpu.memory_space<vmem>> -> memref<64xi32, #tpu.memory_space<vmem>>
          %dma_start3A_1831 = arith.constant 0 : i32
          %dma_start3A_1832 = arith.constant 0 : i32
          %dma_start3A_1833 = tpu.memref_slice %arg3[%dma_start3A_1831, %dma_start3A_1832] : memref<131072x128xf32, #tpu.memory_space<hbm>> -> memref<131072x128xf32, #tpu.memory_space<hbm>>
          tpu.enqueue_indirect_dma source(%dma_start3A_1833 : memref<131072x128xf32, #tpu.memory_space<hbm>>) target(%dma_start3A_1829 : memref<64x128xf32, #tpu.memory_space<vmem>>) offsets(%dma_start3A_1830 : memref<64xi32, #tpu.memory_space<vmem>>) semaphore(%run_scoped3A_1825 : memref<!tpu.dma_semaphore, #tpu.memory_space<semaphore_mem>>)
          %dma_wait3A_1834 = arith.constant 0 : i32
          %dma_wait3A_1835 = arith.constant 0 : i32
          %dma_wait3A_1836 = tpu.memref_slice %arg15[%run_scoped3A, %dma_wait3A_1834, %dma_wait3A_1835] : memref<2x64x128xf32, #tpu.memory_space<vmem>> -> memref<1x64x128xf32, #tpu.memory_space<vmem>>
          %dma_wait3A_1837 = tpu.memref_squeeze %dma_wait3A_1836 : memref<1x64x128xf32, #tpu.memory_space<vmem>> -> memref<64x128xf32, #tpu.memory_space<vmem>>
          %dma_wait3A_1838 = tpu.memref_slice %arg13[%mul3A_1783] : memref<2112xi32, #tpu.memory_space<vmem>> -> memref<64xi32, #tpu.memory_space<vmem>>
          %dma_wait3A_1839 = arith.constant 0 : i32
          %dma_wait3A_1840 = arith.constant 0 : i32
          %dma_wait3A_1841 = tpu.memref_slice %arg3[%dma_wait3A_1839, %dma_wait3A_1840] : memref<131072x128xf32, #tpu.memory_space<hbm>> -> memref<131072x128xf32, #tpu.memory_space<hbm>>
          tpu.wait_indirect_dma semaphore(%run_scoped3A_1825 : memref<!tpu.dma_semaphore, #tpu.memory_space<semaphore_mem>>) src(%dma_wait3A_1841 : memref<131072x128xf32, #tpu.memory_space<hbm>>) dst(%dma_wait3A_1837 : memref<64x128xf32, #tpu.memory_space<vmem>>)
          tpu.yield
        }) : () -> ()
        %mul3A_1784 = arith.constant 64 : i32
        %mul3A_1785 = arith.muli %add3A_1781, %mul3A_1784 : i32
        %add3A_1786 = arith.constant 0 : i32
        %add3A_1787 = arith.addi %mul3A_1785, %add3A_1786 : i32
        %get3A_1788 = arith.index_cast %add3A_1787 : i32 to index
        %get3A_1789 = tpu.vector_load %arg12[%get3A_1788] {strides = array<i32>} : memref<2112xi32, #tpu.memory_space<vmem>>, vector<16xi32>,
        %swap3A = arith.constant 0 : i32
        %swap3A_1790 = arith.index_cast %swap3A : i32 to index
        %swap3A_1791 = arith.constant 0 : index
        %swap3A_1792 = tpu.vector_load %arg14[%swap3A_1790, %swap3A_1791] {strides = array<i32>} : memref<1x64xi32, #tpu.memory_space<vmem>>, vector<16xi32>,
        tpu.vector_store %arg14[%swap3A_1790, %swap3A_1791], %get3A_1789 {strides = array<i32>} : memref<1x64xi32, #tpu.memory_space<vmem>>, vector<16xi32>,
        %mul3A_1793 = arith.constant 64 : i32
        %mul3A_1794 = arith.muli %add3A_1781, %mul3A_1793 : i32
        %add3A_1795 = arith.constant 16 : i32
        %add3A_1796 = arith.addi %mul3A_1794, %add3A_1795 : i32
        %get3A_1797 = arith.index_cast %add3A_1796 : i32 to index
        %get3A_1798 = tpu.vector_load %arg12[%get3A_1797] {strides = array<i32>} : memref<2112xi32, #tpu.memory_space<vmem>>, vector<16xi32>,
        %swap3A_1799 = arith.constant 0 : i32
        %swap3A_1800 = arith.index_cast %swap3A_1799 : i32 to index
        %swap3A_1801 = arith.constant 16 : index
        %swap3A_1802 = tpu.vector_load %arg14[%swap3A_1800, %swap3A_1801] {strides = array<i32>} : memref<1x64xi32, #tpu.memory_space<vmem>>, vector<16xi32>,
        tpu.vector_store %arg14[%swap3A_1800, %swap3A_1801], %get3A_1798 {strides = array<i32>} : memref<1x64xi32, #tpu.memory_space<vmem>>, vector<16xi32>,
        %mul3A_1803 = arith.constant 64 : i32
        %mul3A_1804 = arith.muli %add3A_1781, %mul3A_1803 : i32
        %add3A_1805 = arith.constant 32 : i32
        %add3A_1806 = arith.addi %mul3A_1804, %add3A_1805 : i32
        %get3A_1807 = arith.index_cast %add3A_1806 : i32 to index
        %get3A_1808 = tpu.vector_load %arg12[%get3A_1807] {strides = array<i32>} : memref<2112xi32, #tpu.memory_space<vmem>>, vector<16xi32>,
        %swap3A_1809 = arith.constant 0 : i32
        %swap3A_1810 = arith.index_cast %swap3A_1809 : i32 to index
        %swap3A_1811 = arith.constant 32 : index
        %swap3A_1812 = tpu.vector_load %arg14[%swap3A_1810, %swap3A_1811] {strides = array<i32>} : memref<1x64xi32, #tpu.memory_space<vmem>>, vector<16xi32>,
        tpu.vector_store %arg14[%swap3A_1810, %swap3A_1811], %get3A_1808 {strides = array<i32>} : memref<1x64xi32, #tpu.memory_space<vmem>>, vector<16xi32>,
        %mul3A_1813 = arith.constant 64 : i32
        %mul3A_1814 = arith.muli %add3A_1781, %mul3A_1813 : i32
        %add3A_1815 = arith.constant 48 : i32
        %add3A_1816 = arith.addi %mul3A_1814, %add3A_1815 : i32
        %get3A_1817 = arith.index_cast %add3A_1816 : i32 to index
        %get3A_1818 = tpu.vector_load %arg12[%get3A_1817] {strides = array<i32>} : memref<2112xi32, #tpu.memory_space<vmem>>, vector<16xi32>,
        %swap3A_1819 = arith.constant 0 : i32
        %swap3A_1820 = arith.index_cast %swap3A_1819 : i32 to index
        %swap3A_1821 = arith.constant 48 : index
        %swap3A_1822 = tpu.vector_load %arg14[%swap3A_1820, %swap3A_1821] {strides = array<i32>} : memref<1x64xi32, #tpu.memory_space<vmem>>, vector<16xi32>,
        tpu.vector_store %arg14[%swap3A_1820, %swap3A_1821], %get3A_1818 {strides = array<i32>} : memref<1x64xi32, #tpu.memory_space<vmem>>, vector<16xi32>,
        %run_scoped3A_1823 = arith.constant 0 : i32
        %run_scoped3A_1824 = arith.constant 0 : i32
        "tpu.region"() ({
          %run_scoped3A_1825 = tpu.sem_alloc : memref<!tpu.dma_semaphore, #tpu.memory_space<semaphore_mem>>
          %dma_start3A_1826 = arith.constant 0 : i32
          %dma_start3A_1827 = arith.constant 0 : i32
          %dma_start3A_1828 = tpu.memref_slice %arg15[%run_scoped3A_1823, %dma_start3A_1826, %dma_start3A_1827] : memref<2x64x128xf32, #tpu.memory_space<vmem>> -> memref<1x64x128xf32, #tpu.memory_space<vmem>>
          %dma_start3A_1829 = tpu.memref_squeeze %dma_start3A_1828 : memref<1x64x128xf32, #tpu.memory_space<vmem>> -> memref<64x128xf32, #tpu.memory_space<vmem>>
          %dma_start3A_1830 = arith.constant 0 : i32
          %dma_start3A_1831 = tpu.memref_slice %arg14[%run_scoped3A_1824, %dma_start3A_1830] : memref<1x64xi32, #tpu.memory_space<vmem>> -> memref<1x64xi32, #tpu.memory_space<vmem>>
          %dma_start3A_1832 = tpu.memref_squeeze %dma_start3A_1831 : memref<1x64xi32, #tpu.memory_space<vmem>> -> memref<64xi32, #tpu.memory_space<vmem>>
          %dma_start3A_1833 = arith.constant 0 : i32
          %dma_start3A_1834 = arith.constant 0 : i32
          %dma_start3A_1835 = tpu.memref_slice %arg6[%dma_start3A_1833, %dma_start3A_1834] : memref<131072x128xf32, #tpu.memory_space<hbm>> -> memref<131072x128xf32, #tpu.memory_space<hbm>>
          tpu.enqueue_indirect_dma source(%dma_start3A_1829 : memref<64x128xf32, #tpu.memory_space<vmem>>) target(%dma_start3A_1835 : memref<131072x128xf32, #tpu.memory_space<hbm>>) offsets(%dma_start3A_1832 : memref<64xi32, #tpu.memory_space<vmem>>) semaphore(%run_scoped3A_1825 : memref<!tpu.dma_semaphore, #tpu.memory_space<semaphore_mem>>)
          %dma_wait3A_1836 = arith.constant 0 : i32
          %dma_wait3A_1837 = arith.constant 0 : i32
          %dma_wait3A_1838 = tpu.memref_slice %arg15[%run_scoped3A_1823, %dma_wait3A_1836, %dma_wait3A_1837] : memref<2x64x128xf32, #tpu.memory_space<vmem>> -> memref<1x64x128xf32, #tpu.memory_space<vmem>>
          %dma_wait3A_1839 = tpu.memref_squeeze %dma_wait3A_1838 : memref<1x64x128xf32, #tpu.memory_space<vmem>> -> memref<64x128xf32, #tpu.memory_space<vmem>>
          %dma_wait3A_1840 = arith.constant 0 : i32
          %dma_wait3A_1841 = tpu.memref_slice %arg14[%run_scoped3A_1824, %dma_wait3A_1840] : memref<1x64xi32, #tpu.memory_space<vmem>> -> memref<1x64xi32, #tpu.memory_space<vmem>>
          %dma_wait3A_1842 = tpu.memref_squeeze %dma_wait3A_1841 : memref<1x64xi32, #tpu.memory_space<vmem>> -> memref<64xi32, #tpu.memory_space<vmem>>
          %dma_wait3A_1843 = arith.constant 0 : i32
          %dma_wait3A_1844 = arith.constant 0 : i32
          %dma_wait3A_1845 = tpu.memref_slice %arg6[%dma_wait3A_1843, %dma_wait3A_1844] : memref<131072x128xf32, #tpu.memory_space<hbm>> -> memref<131072x128xf32, #tpu.memory_space<hbm>>
          tpu.wait_indirect_dma semaphore(%run_scoped3A_1825 : memref<!tpu.dma_semaphore, #tpu.memory_space<semaphore_mem>>) src(%dma_wait3A_1839 : memref<64x128xf32, #tpu.memory_space<vmem>>) dst(%dma_wait3A_1845 : memref<131072x128xf32, #tpu.memory_space<hbm>>)
          tpu.yield
        }) : () -> ()
      }
    } else {
    }
    return
  }
}

</mosaic_0001>

<sc_bundles>
// kernel: kernel.3.cloned.1.call-start
scs
__scs_entry_jumppad:
0x0: {  	(pc) =	sbr.rel $0x88, $3  }
0x1: {  	(tag) =	ssettag $0x0;
	lr =	simm.s32 $0x1  }
0x2: {  	[smem:$0x3F9D] =	sst lr;
	_ =	strace $0xD0000000  }
0x3: {  	_ = 	snop  }
0x4: {  	_ = 	snop  }
0x5: {  	_ = 	snop  }
0x6: {  	_ = 	snop  }
0x7: {  	_ = 	snop  }
__scs_overlays_trampoline_lowered:
0x8: {  	[smem:$0x3FAC] =	sst s0  }
0x9: {  	[smem:$0x3FAD] =	sst s1  }
0xa: {  	[smem:$0x3FAE] =	sst s2  }
0xb: {  	[smem:$0x3FAF] =	sst s3  }
0xc: {  	[smem:$0x3FB0] =	sst s4  }
0xd: {  	[smem:$0x3FB1] =	sst s5  }
0xe: {  	[smem:$0x3FB2] =	sst s6  }
0xf: {  	[smem:$0x3FB3] =	sst s7  }
0x10: {  	[smem:$0x3FB4] =	sst s8  }
0x11: {  	[smem:$0x3FB5] =	sst s9;
	s0 =	simm.s32 @!p0 $0x0  }
0x12: {  	s1 =	sld [smem:$0x3F9B];
	s0 =	simm.s32 @p0 $0x1  }
0x13: {  	[smem:$0x3FB6] =	sst s0;
	s0 =	simm.s32 @!p1 $0x0  }
0x14: {  	s2 =	sld [smem:$0x3F9A];
	s0 =	simm.s32 @p1 $0x1  }
0x15: {  	[smem:$0x3FB7] =	sst s0;
	s0 =	simm.s32 @!p2 $0x0  }
0x16: {  	s3 =	sld [smem:$0x3FDB];
	s0 =	simm.s32 @p2 $0x1  }
0x17: {  	s4 =	simm.s32 $0x1BF5;
	[smem:$0x3FB9] =	sst s0  }
0x18: {  	s0 =	sld [smem:$0x3F9C];
	_ =	swait.ge [sflag:s4], $0x0  }
0x19: {  	s7 =	sld [smem:$0x3F9D]  }
0x1a: {  	s8 =	sadd.s32 $0xFFFFE003, lr  }
0x1b: {  	s9 =	sadd.s32 $0xFFFFFEF7, lr;
	s5 =	simm.s32 $0xFFFFFFFF;
	p2 =	slt.u32 s8, $0xFFFFF086  }
0x1c: {  	p1 =	slt.u32 s9, $0xF7A;
	s5 =	simm.s32 @!p2 $0x0  }
0x1d: {  	s5 =	simm.s32 @p1 $0x1;
	p0 =	seq.s32 s7, s2  }
0x1e: {  	s7 =	smul.u32 @!p0 $0xF7A, s2;
	p2 =	seq.s32 @!p0 s5, $0x0  }
0x1f: {  	s9 =	smul.u32 $0xF7A, s1;
	s8 =	simm.s32 @!p0 $0x1BF5;
	p2 =	por !p2, p0  }
0x20: {  	[sflag:s8] =	ssyncset.s32 @!p0 $0xFFFFF086;
	s6 =	sadd.s32 @!p0 s3, s7;
	s7 =	simm.s32 @!p0 $0x108  }
0x21: {  	s3 =	sadd.s32 s3, s9;
	s6 =	sadd.s32 @!p0 $0x88, s6;
	s7 =	simm.s32 @p2 $0x1082  }
0x22: {  	[simem:s7], [sflag:s8] =	dma.local @!p0 [hbm:s6], $0xF7A  }
0x23: {  	s9 =	sor.u32 $0xD0000000, s2;
	s6 =	simm.s32 $0x108;
	_ =	swait.ge @!p0 [sflag:s8], $0x0  }
0x24: {  	s3 =	sadd.s32 $0x88, s3;
	s6 =	simm.s32 @!p1 $0x1082;
	[sflag:s4] =	ssyncset.s32 $0xFFFFF086  }
0x25: {  	[simem:s6], [sflag:s4] =	dma.local [hbm:s3], $0xF7A  }
0x26: {  	[smem:$0x3F9D] =	sst s1;
	(tag) =	ssettag s2;
	_ =	strace s9  }
0x27: {  	s1 =	sld [smem:$0x3FAD]  }
0x28: {  	s2 =	sld [smem:$0x3FAE]  }
0x29: {  	s4 =	sld [smem:$0x3FB0]  }
0x2a: {  	p0 =	seq.s32 s5, $0x0;
	s5 =	sld [smem:$0x3FB1]  }
0x2b: {  	s6 =	sld [smem:$0x3FB2]  }
0x2c: {  	s7 =	sld [smem:$0x3FB3]  }
0x2d: {  	s3 =	simm.s32 $0x108;
	s8 =	sld [smem:$0x3FB4]  }
0x2e: {  	s3 =	simm.s32 @!p0 $0x1082;
	s9 =	sld [smem:$0x3FB5]  }
0x2f: {  	lr =	sadd.s32 s0, s3;
	s0 =	sld [smem:$0x3FAC]  }
0x30: {  	s3 =	sld [smem:$0x3FAF]  }
0x31: {  	[smem:$0x3FB8] =	sst s10  }
0x32: {  	s10 =	sld [smem:$0x3FB6];
	_ =	sdelay $0x3  }
0x33: {  	p0 =	seq.s32 s10, $0x1;
	s10 =	sld [smem:$0x3FB8];
	_ =	sdelay $0x3  }
0x34: {  	[smem:$0x3FB8] =	sst s10  }
0x35: {  	s10 =	sld [smem:$0x3FB7];
	_ =	sdelay $0x3  }
0x36: {  	p1 =	seq.s32 s10, $0x1;
	s10 =	sld [smem:$0x3FB8];
	_ =	sdelay $0x3  }
0x37: {  	[smem:$0x3FB8] =	sst s10  }
0x38: {  	s10 =	sld [smem:$0x3FB9]  }
0x39: {  	_ = 	snop;
	(pc) =	sbr.ind lr, $3  }
0x3a: {  	_ = 	snop  }
0x3b: {  	_ = 	snop  }
0x3c: {  	p2 =	seq.s32 s10, $0x1;
	s10 =	sld [smem:$0x3FB8]  }
0x3d: {  	_ =	shalt  }
0x3e: {  	_ =	shalt  }
0x3f: {  	_ =	shalt  }
0x40: {  	_ =	shalt  }
0x41: {  	_ =	shalt  }
0x42: {  	_ =	shalt  }
0x43: {  	_ =	shalt  }
0x44: {  	_ =	shalt  }
0x45: {  	_ =	shalt  }
0x46: {  	_ =	shalt  }
0x47: {  	_ =	shalt  }
0x48: {  	_ =	shalt  }
0x49: {  	_ =	shalt  }
0x4a: {  	_ =	shalt  }
0x4b: {  	_ =	shalt  }
0x4c: {  	_ =	shalt  }
0x4d: {  	_ =	shalt  }
0x4e: {  	_ =	shalt  }
0x4f: {  	_ =	shalt  }
0x50: {  	_ =	shalt  }
0x51: {  	_ =	shalt  }
0x52: {  	_ =	shalt  }
0x53: {  	_ =	shalt  }
0x54: {  	_ =	shalt  }
0x55: {  	_ =	shalt  }
0x56: {  	_ =	shalt  }
0x57: {  	_ =	shalt  }
0x58: {  	_ =	shalt  }
0x59: {  	_ =	shalt  }
0x5a: {  	_ =	shalt  }
0x5b: {  	_ =	shalt  }
0x5c: {  	_ =	shalt  }
0x5d: {  	_ =	shalt  }
0x5e: {  	_ =	shalt  }
0x5f: {  	_ =	shalt  }
0x60: {  	_ =	shalt  }
0x61: {  	_ =	shalt  }
0x62: {  	_ =	shalt  }
0x63: {  	_ =	shalt  }
0x64: {  	_ =	shalt  }
0x65: {  	_ =	shalt  }
0x66: {  	_ =	shalt  }
0x67: {  	_ =	shalt  }
0x68: {  	_ =	shalt  }
0x69: {  	_ =	shalt  }
0x6a: {  	_ =	shalt  }
0x6b: {  	_ =	shalt  }
0x6c: {  	_ =	shalt  }
0x6d: {  	_ =	shalt  }
0x6e: {  	_ =	shalt  }
0x6f: {  	_ =	shalt  }
0x70: {  	_ =	shalt  }
0x71: {  	_ =	shalt  }
0x72: {  	_ =	shalt  }
0x73: {  	_ =	shalt  }
0x74: {  	_ =	shalt  }
0x75: {  	_ =	shalt  }
0x76: {  	_ =	shalt  }
0x77: {  	_ =	shalt  }
0x78: {  	_ =	shalt  }
0x79: {  	_ =	shalt  }
0x7a: {  	_ =	shalt  }
0x7b: {  	_ =	shalt  }
0x7c: {  	_ =	shalt  }
0x7d: {  	_ =	shalt  }
0x7e: {  	_ =	shalt  }
0x7f: {  	_ =	shalt  }
0x80: {  	_ =	shalt  }
0x81: {  	_ =	shalt  }
0x82: {  	_ =	shalt  }
0x83: {  	_ =	shalt  }
0x84: {  	_ =	shalt  }
0x85: {  	_ =	shalt  }
0x86: {  	_ =	shalt  }
0x87: {  	_ =	shalt  }
.Lfunc_end0:
.L_simem_size_0:
called_computation_lowered:
.L_overlay_start_0:
0x88: {  	s2 =	sld [smem:$0x3FD9]  }
0x89: {  	s3 =	sld [smem:$0x3FFE];
	_ =	sdelay $0x1  }
0x8a: {  	s1 =	srdreg.scid  }
0x8b: {  	s0 =	sand.u32 $0x1, s1  }
0x8c: {  	s17 =	sshll.u32 s0, $0xA;
	s2 =	sadd.s32 s3, s2  }
0x8d: {  	s2 =	sadd.s32 s2, s17  }
0x8e: {  	[smem:$0x3FC4] =	sst s2  }
0x8f: {  	_ = 	snop  }
0x90: {  	s2 =	sld [smem:$0x3FC9]  }
0x91: {  	s18 =	sld [smem:$0x3FC8]  }
0x92: {  	s4 =	sld [smem:$0x3FC7]  }
0x93: {  	s5 =	sld [smem:$0x3FD0];
	(tm) =	ssettm $0x1  }
0x94: {  	s6 =	sld [smem:$0x3FFB];
	_ =	sdelay $0x3  }
0x95: {  	_ =	strace s6  }
0x96: {  	s6 =	sld [smem:$0x3FFC];
	_ =	sdelay $0x3  }
0x97: {  	_ =	strace s6  }
0x98: {  	s6 =	sld [smem:$0x3FFD];
	_ =	sdelay $0x3  }
0x99: {  	_ =	strace s6  }
0x9a: {  	_ =	strace $0x8FFFFFFF  }
0x9b: {  	s19 =	sld [smem:$0x3FDB];
	_ =	sdelay $0x1  }
0x9c: {  	s7 =	simm.s32 $_scs_section_size  }
0x9d: {  	s8 =	simm.s32 $_size__tile_overlayer_lowered;
	s9 =	simm.s32 $_tile_overlayer_lowered  }
0x9e: {  	s22 =	simm.s32 $0x1BFF;
	s21 =	sshll.u32 s9, $0x1;
	s6 =	sadd.s32 s7, s19  }
0x9f: {  	s10 =	simm.s32 $0x0;
	s20 =	sshll.u32 s8, $0x1;
	s8 =	sadd.s32 s21, s6  }
0xa0: {  	[timem:s10], [sflag:s22] =	dma.local [hbm:s8], s20  }
0xa1: {  	_ =	swait.ge [sflag:s22], s20  }
0xa2: {  	s7 =	ssub.s32 $0x0, s20;
	[sflag:s22] =	ssyncset.done $0x0  }
0xa3: {  	[sflag:s22] =	ssyncadd.s32 s7;
	_ =	sdelay $0x1  }
0xa4: {  	s23 =	simm.s32 $0x1B8B  }
0xa5: {  	_ =	swait.ge [sflag:s23], $0x1  }
0xa6: {  	[sflag:s23] =	ssyncset.done $0x0  }
0xa7: {  	s25 =	simm.s32 $0x1B8E;
	s24 =	sld [smem:$0x3FFE];
	[sflag:s23] =	ssyncadd.s32 $0xFFFFFFFF  }
0xa8: {  	s26 =	simm.s32 $execute0_lowered;
	[smem:$0x3FD2] =	sst s25  }
0xa9: {  	s8 =	sshll.u32 s26, $0x1;
	_ =	strace $0x80000046;
	[dreg:$0x1] =	wrdreg $0xFFFFFFFF  }
0xaa: {  	s28 =	simm.s32 $_size_execute0_lowered;
	s6 =	sadd.s32 s6, s8;
	[dreg:$0x0] =	wrdreg $0x0  }
0xab: {  	s8 =	sshll.u32 s28, $0x1;
	[dreg:$0x2] =	wrdreg s6  }
0xac: {  	[dreg:$0x3] =	wrdreg s8  }
0xad: {  	[dreg:$0x4] =	wrdreg $0xC0  }
0xae: {  	_ =	task [dreg:s10], $0x5FFFF  }
0xaf: {  	[dreg:$0x1] =	wrdreg $0xFFFFFFFF  }
0xb0: {  	[dreg:$0x0] =	wrdreg $0x60  }
0xb1: {  	[dreg:$0x2] =	wrdreg s2  }
0xb2: {  	[dreg:$0x3] =	wrdreg s18  }
0xb3: {  	[dreg:$0x4] =	wrdreg s4  }
0xb4: {  	[dreg:$0x5] =	wrdreg s24  }
0xb5: {  	[dreg:$0x6] =	wrdreg s5  }
0xb6: {  	[dreg:$0x7] =	wrdreg $0xEA000  }
0xb7: {  	[dreg:$0x8] =	wrdreg $0x9  }
0xb8: {  	_ =	task.clear_ibuf [dreg:s10], $0x9FFFF;
	_ =	strace $0x90000046  }
0xb9: {  	s29 =	simm.s32 $0x9;
	_ =	strace $0x80000048  }
0xba: {  	_ =	swait.ge [sflag:s29], $0x1  }
0xbb: {  	[sflag:s29] =	ssyncadd.s32 $0xFFFFFFFF  }
0xbc: {  	_ =	strace $0x90000048  }
0xbd: {  	_ =	sfence  }
0xbe: {  	s30 =	sld [smem:$0x0];
	_ =	sdelay $0x2  }
0xbf: {  	s31 =	sshll.u32 s1, $0xD;
	s1 =	sshrl.u32 s1, $0x2  }
0xc0: {  	s3 =	sand.u32 $0x4000, s31;
	s1 =	sadd.s32 s1, s30  }
0xc1: {  	s0 =	sor.u32 s3, s0;
	s1 =	sshll.u32 s1, $0x11  }
0xc2: {  	s0 =	sor.u32 s1, s0  }
0xc3: {  	s0 =	sadd.s32 $0x8F2B, s0  }
0xc4: {  	[sflag:s0] =	ssyncadd.remote.s32 $0x1  }
0xc5: {  	_ =	sfence.sel $0xFFFF  }
0xc6: {  	[dreg:$0x0] =	wrdreg $0xFFFFFFFF;
	(pc) =	sbr.abs _section_cstart, $3  }
0xc7: {  	[dreg:$0x1] =	wrdreg $0xFFFFFFFF  }
0xc8: {  	_ =	task.clear_ibuf [dreg:s10], $0x2FFFF;
	_ =	strace $0x9FFFFFFF  }
0xc9: {  	(tm) =	ssettm $0x7FFFFFFF  }
tec
execute0_lowered:
.L_overlay_start_1:
0x0: {  	(tag) =	ssettag $0x1  }
0x1: {  	s0 =	rddreg [dreg:$0x0]  }
0x2: {  	s2 =	rddreg [dreg:$0x1]  }
0x3: {  	s3 =	rddreg [dreg:$0x2]  }
0x4: {  	s1 =	rddreg [dreg:$0x3]  }
0x5: {  	s4 =	rddreg [dreg:$0x4]  }
0x6: {  	s5 =	rddreg [dreg:$0x5];
	s6 =	srdreg.scid;
	s7 =	simm.s32 $0x0  }
0x7: {  	s15 =	stileid.u32;
	s6 =	sand.u32 $0x1, s6;
	[smem:$0x7FF] =	sst s7  }
0x8: {  	s8 =	sshll.u32 s15, $0x1;
	s1 =	sadd.s32 $0x400, s1;
	s11 =	sshll.u32 s15, $0x10  }
0x9: {  	s9 =	ssub.s32 $0x2, s6;
	_ =	strace $0x80000047;
	s24 =	sor.u32 s6, s8  }
0xa: {  	[dreg:$0x7] =	wrdreg s1;
	s10 =	sshrl.u32 s9, $0x1;
	s12 =	sshll.u32 s24, $0xF  }
0xb: {  	s11 =	sadd.s32 s11, s5;
	s1 =	ssub.s32 s9, s10;
	s9 =	sadd.s32 s4, s12  }
0xc: {  	[dreg:$0x8] =	wrdreg s11;
	s25 =	sadd.s32 $0x100400, s9  }
0xd: {  	s26 =	sadd.s32 $0x100800, s9;
	[dreg:$0x9] =	wrdreg s25  }
0xe: {  	s28 =	sadd.s32 $0x100C00, s9;
	[dreg:$0xa] =	wrdreg s26  }
0xf: {  	s16 =	sadd.s32 $0x101000, s9;
	[dreg:$0xb] =	wrdreg s28  }
0x10: {  	s17 =	sadd.s32 $0x101400, s9;
	[dreg:$0xc] =	wrdreg s16  }
0x11: {  	s19 =	sadd.s32 $0x101800, s9;
	[dreg:$0xd] =	wrdreg s17  }
0x12: {  	s18 =	sshll.u32 s15, $0xC;
	s20 =	sadd.s32 $0x101C00, s9;
	[dreg:$0xe] =	wrdreg s19  }
0x13: {  	s6 =	sshll.u32 s6, $0xB;
	s21 =	sadd.s32 $0x102000, s9;
	[dreg:$0xf] =	wrdreg s20  }
0x14: {  	s14 =	sshll.u32 s24, $0xB;
	s22 =	sadd.s32 $0x102400, s9;
	[dreg:$0x10] =	wrdreg s21  }
0x15: {  	s6 =	sor.u32 s6, s18;
	s24 =	sadd.s32 $0x102800, s9;
	[dreg:$0x11] =	wrdreg s22  }
0x16: {  	s11 =	sor.u32 $0x10000, s14;
	s14 =	sadd.s32 $0x103C00, s9;
	[dreg:$0x13] =	wrdreg s24  }
0x17: {  	s10 =	sshllo.u32 s15, $0x1;
	s15 =	sadd.s32 $0x104000, s9;
	[dreg:$0x19] =	wrdreg s14  }
0x18: {  	s13 =	sshll.u32 s10, $0xF;
	s18 =	sadd.s32 $0x104800, s9;
	[dreg:$0x1a] =	wrdreg s15  }
0x19: {  	s29 =	simm.s32 $0x40;
	s23 =	sadd.s32 s13, s5;
	[dreg:$0x1c] =	wrdreg s18  }
0x1a: {  	s30 =	simm.s32 $0xAA00;
	s25 =	sadd.s32 $0x102C00, s9;
	[dreg:$0x12] =	wrdreg s23  }
0x1b: {  	s31 =	simm.s32 $0xCA00;
	s26 =	sadd.s32 s2, s12;
	[dreg:$0x14] =	wrdreg s25  }
0x1c: {  	v0 =	vmov s8;
	s8 =	simm.s32 $0x3;
	s28 =	sadd.s32 $0x103400, s9;
	[dreg:$0x15] =	wrdreg s26  }
0x1d: {  	v1 =	vmov s10;
	s10 =	simm.s32 $0xA980;
	s12 =	sadd.s32 $0x103800, s9;
	[dreg:$0x16] =	wrdreg s28  }
0x1e: {  	s19 =	sor.u32 $0x10000, s6;
	s13 =	sadd.s32 $0x103000, s9;
	[dreg:$0x17] =	wrdreg s12  }
0x1f: {  	s16 =	sshrl.u32 s11, $0x3;
	s17 =	sadd.s32 $0x104400, s9;
	[dreg:$0x18] =	wrdreg s13  }
0x20: {  	s20 =	sadd.s32 $0x104C00, s9;
	s21 =	sadd.s32 $0x105400, s9;
	[dreg:$0x1b] =	wrdreg s17  }
0x21: {  	s22 =	sshll.u32 s11, $0x4;
	s24 =	sadd.s32 $0x105C00, s9;
	[dreg:$0x1e] =	wrdreg s20  }
0x22: {  	s18 =	sadd.s32 $0x106C00, s9;
	s11 =	simm.s32 $0x0;
	[dreg:$0x1f] =	wrdreg s21  }
0x23: {  	s6 =	sadd.s32 s3, s16;
	s23 =	sadd.s32 $0x105800, s9;
	[smem:$0x7F9] =	sst s24  }
0x24: {  	s25 =	sadd.s32 $0x105000, s9;
	s28 =	sadd.s32 $0x106400, s9;
	[dreg:$0x1d] =	wrdreg s6  }
0x25: {  	s26 =	sadd.s32 $0x106000, s9;
	s17 =	sadd.s32 $0x106800, s9;
	[smem:$0x7F8] =	sst s23  }
.Ltmp0:
0x26: {  	s21 =	sadd.s32 $0x107400, s9;
	[smem:$0x7FA] =	sst s25;
	(pc) =	sbr.rel .LBB2_1-.Ltmp0, $4  }
0x27: {  	s20 =	smax.u32 s1, $0x1;
	s24 =	sadd.s32 $0x107C00, s9;
	[smem:$0x7FB] =	sst s26  }
0x28: {  	s1 =	simm.s32 $0x1;
	[smem:$0x7FC] =	sst s28;
	s6 =	sadd.s32 s4, s22  }
0x29: {  	s22 =	sadd.s32 $0x107800, s9;
	s23 =	sadd.s32 $0x107000, s9;
	s25 =	simm.s32 $0x4  }
0x2a: {  	v2 =	vimm.s32 $0xFFFFFFFF;
	v3 =	vlaneseq.u32;
	s26 =	simm.s32 $0x8000;
	[smem:$0x7FD] =	sst s6;
	s6 =	simm.s32 $0x2  }
.LBB2_25:
0x2b: {  	[sflag:s25] =	ssyncadd.s32 $0xFFFFE000  }
.LBB2_26:
0x2c: {  	s11 =	sadd.s32 $0x1, s11  }
0x2d: {  	p0 =	sne.s32 s11, s20  }
.Ltmp1:
0x2e: {  	_ = 	snop;
	(pc) =	sbr.rel @!p0 .LBB2_27-.Ltmp1, $1  }
0x2f: {  	_ =	sdelay $0x3  }
.LBB2_1:
0x30: {  	s12 =	rddreg [dreg:$0x7];
	s13 =	simm.s32 $0x8800  }
0x31: {  	[tilespmem:s13], [sflag:$0x4] =	stream.linear.gather [hbm4b:s12+s7], $0x80, $0x38;
	[tilespmem:$0x1EA00] =	vst v63  }
0x32: {  	_ =	swait.ge [sflag:s25], $0x80  }
0x33: {  	[sflag:s25] =	ssyncset.done $0x0  }
0x34: {  	[sflag:s25] =	ssyncadd.s32 $0xFFFFFF80  }
0x35: {  	s12 =	simm.s32 $0x40;
	s13 =	simm.s32 $0x0;
	v4 =	vld [tilespmem:$0x8800]  }
.LBB2_2:
0x36: {  	p0 =	sne.s32 s12, $0x1FFC0;
	[tilespmem:s13+$0x0] =	vst v2;
	s13 =	smov.u32 s12;
	s12 =	sadd.s32 $0x40, s12  }
.Ltmp2:
0x37: {  	(pc) =	sbr.rel @p0 .LBB2_2-.Ltmp2, $2  }
0x38: {  	_ =	sdelay $0x2  }
0x39: {  	s13 =	sshra.s32 s13, $0x2  }
0x3a: {  	[tilespmem:s13+$0x0] =	vst v2;
	s12 =	simm.s32 $0x0;
	s13 =	simm.s32 $0x0;
	s14 =	simm.s32 $0x0  }
.LBB2_4:
0x3b: {  	s15 =	sshll.u32 s14, $0x8  }
0x3c: {  	s15 =	sadd.s32 s3, s15  }
0x3d: {  	[tilespmem:s26], [sflag:$0x4] =	stream.linear.gather [hbm4b:s15+s12], $0x800, $0x38;
	[tilespmem:$0x1EA00] =	vst v63  }
0x3e: {  	_ =	swait.ge [sflag:s25], $0x800  }
0x3f: {  	[sflag:s25] =	ssyncset.done $0x0  }
0x40: {  	s16 =	simm.s32 $0x0;
	[sflag:s25] =	ssyncadd.s32 $0xFFFFF800  }
0x41: {  	v5 =	vld [tilespmem:s16+$0x8000];
	_ =	sdelay $0x4  }
0x42: {  	v5 =	vadd.s32 v4, v5  }
0x43: {  	v6 =	vshra.s32 v5, $0xF  }
0x44: {  	vm0 =	veq.s32 v6, v0  }
0x45: {  	v5 =	vand.u32 $0x7FFF, v5;
	_ =	sdelay $0x3  }
0x46: {  	v6 =	vor.u32 s13, v3  }
0x47: {  	s28 =	simm.s32 $0x80;
	s15 =	smov.u32 s13;
	s16 =	simm.s32 $0x10;
	[tilespmem:v5+s7+$0x0] =	vst.idx.msk vm0, v6  }
.LBB2_5:
0x48: {  	p0 =	sne.s32 s28, $0x1FC0;
	v5 =	vld [tilespmem:s16+$0x8000];
	_ =	sdelay $0x4  }
0x49: {  	v5 =	vadd.s32 v4, v5  }
0x4a: {  	v6 =	vshra.s32 v5, $0xF  }
0x4b: {  	vm0 =	veq.s32 v6, v0  }
0x4c: {  	v5 =	vand.u32 $0x7FFF, v5  }
.Ltmp3:
0x4d: {  	(pc) =	sbr.rel @p0 .LBB2_5-.Ltmp3, $4  }
0x4e: {  	_ = 	snop  }
0x4f: {  	s15 =	sadd.s32 $0x10, s15  }
0x50: {  	v6 =	vor.u32 s15, v3  }
0x51: {  	s16 =	sshra.s32 s28, $0x2;
	s28 =	sadd.s32 $0x40, s28;
	[tilespmem:v5+s7+$0x0] =	vst.idx.msk vm0, v6  }
0x52: {  	v5 =	vld [tilespmem:s16+$0x8000];
	_ =	sdelay $0x4  }
0x53: {  	v5 =	vadd.s32 v4, v5  }
0x54: {  	v6 =	vshra.s32 v5, $0xF  }
0x55: {  	s14 =	sadd.s32 $0x1, s14;
	vm0 =	veq.s32 v6, v0  }
0x56: {  	p0 =	sne.s32 s14, $0x20;
	v5 =	vand.u32 $0x7FFF, v5  }
.Ltmp4:
0x57: {  	_ = 	snop;
	(pc) =	sbr.rel @p0 .LBB2_4-.Ltmp4, $4  }
0x58: {  	_ = 	snop  }
0x59: {  	s15 =	sadd.s32 $0x10, s15  }
0x5a: {  	v6 =	vor.u32 s15, v3  }
0x5b: {  	s13 =	sadd.s32 $0x800, s13;
	[tilespmem:v5+s7+$0x0] =	vst.idx.msk vm0, v6  }
0x5c: {  	s12 =	simm.s32 $0x0;
	s13 =	rddreg [dreg:$0x8]  }
0x5d: {  	[spmem:s13] =	stream.linear.scatter [tilespmem:s12], [sflag:$0x4], $0x8000, $0x38;
	[tilespmem:$0x1EA00] =	vst v63  }
0x5e: {  	_ =	swait.ge [sflag:s25], $0x8000  }
0x5f: {  	[sflag:s25] =	ssyncset.done $0x0  }
0x60: {  	s14 =	simm.s32 $0x0;
	s13 =	simm.s32 $0x40;
	[sflag:s25] =	ssyncadd.s32 $0xFFFF8000  }
.LBB2_8:
0x61: {  	p0 =	sne.s32 s13, $0x1FFC0;
	[tilespmem:s14+$0x0] =	vst v2;
	s14 =	smov.u32 s13;
	s13 =	sadd.s32 $0x40, s13  }
.Ltmp5:
0x62: {  	(pc) =	sbr.rel @p0 .LBB2_8-.Ltmp5, $2  }
0x63: {  	_ =	sdelay $0x2  }
0x64: {  	s14 =	sshra.s32 s14, $0x2  }
0x65: {  	[tilespmem:s14+$0x0] =	vst v2;
	s13 =	simm.s32 $0x0  }
.LBB2_10:
0x66: {  	s14 =	sshll.u32 s13, $0x8  }
0x67: {  	s15 =	simm.s32 $0x0;
	s14 =	sadd.s32 s3, s14  }
0x68: {  	[tilespmem:s26], [sflag:$0x4] =	stream.linear.gather [hbm4b:s14+s15], $0x800, $0x38;
	[tilespmem:$0x1EA00] =	vst v63  }
0x69: {  	_ =	swait.ge [sflag:s25], $0x800  }
0x6a: {  	[sflag:s25] =	ssyncset.done $0x0  }
0x6b: {  	s28 =	simm.s32 $0x0;
	[sflag:s25] =	ssyncadd.s32 $0xFFFFF800  }
0x6c: {  	v5 =	vld [tilespmem:s28+$0x8000];
	_ =	sdelay $0x4  }
0x6d: {  	v5 =	vadd.s32 v4, v5  }
0x6e: {  	v6 =	vshra.s32 v5, $0xF  }
0x6f: {  	vm0 =	veq.s32 v6, v1  }
0x70: {  	v5 =	vand.u32 $0x7FFF, v5;
	_ =	sdelay $0x3  }
0x71: {  	v6 =	vor.u32 s12, v3  }
0x72: {  	s16 =	simm.s32 $0x10;
	s15 =	simm.s32 $0x80;
	s14 =	smov.u32 s12;
	[tilespmem:v5+s7+$0x0] =	vst.idx.msk vm0, v6  }
.LBB2_11:
0x73: {  	p0 =	sne.s32 s15, $0x1FC0;
	v5 =	vld [tilespmem:s16+$0x8000];
	_ =	sdelay $0x4  }
0x74: {  	v5 =	vadd.s32 v4, v5  }
0x75: {  	v6 =	vshra.s32 v5, $0xF  }
0x76: {  	vm0 =	veq.s32 v6, v1  }
0x77: {  	v5 =	vand.u32 $0x7FFF, v5  }
.Ltmp6:
0x78: {  	(pc) =	sbr.rel @p0 .LBB2_11-.Ltmp6, $4  }
0x79: {  	_ = 	snop  }
0x7a: {  	s14 =	sadd.s32 $0x10, s14  }
0x7b: {  	v6 =	vor.u32 s14, v3  }
0x7c: {  	s16 =	sshra.s32 s15, $0x2;
	s15 =	sadd.s32 $0x40, s15;
	[tilespmem:v5+s7+$0x0] =	vst.idx.msk vm0, v6  }
0x7d: {  	v5 =	vld [tilespmem:s16+$0x8000];
	_ =	sdelay $0x4  }
0x7e: {  	v5 =	vadd.s32 v4, v5  }
0x7f: {  	v6 =	vshra.s32 v5, $0xF  }
0x80: {  	s13 =	sadd.s32 $0x1, s13;
	vm0 =	veq.s32 v6, v1  }
0x81: {  	p0 =	sne.s32 s13, $0x20;
	v5 =	vand.u32 $0x7FFF, v5  }
.Ltmp7:
0x82: {  	_ = 	snop;
	(pc) =	sbr.rel @p0 .LBB2_10-.Ltmp7, $4  }
0x83: {  	_ = 	snop  }
0x84: {  	s14 =	sadd.s32 $0x10, s14  }
0x85: {  	v6 =	vor.u32 s14, v3  }
0x86: {  	s12 =	sadd.s32 $0x800, s12;
	[tilespmem:v5+s7+$0x0] =	vst.idx.msk vm0, v6  }
0x87: {  	s12 =	simm.s32 $0x0;
	s13 =	rddreg [dreg:$0x12]  }
0x88: {  	[spmem:s13] =	stream.linear.scatter [tilespmem:s12], [sflag:$0x4], $0x8000, $0x38;
	[tilespmem:$0x1EA00] =	vst v63  }
0x89: {  	s28 =	stileid.u32;
	_ =	swait.ge [sflag:s25], $0x8000  }
0x8a: {  	s13 =	sshll.u32 s28, $0x6;
	[sflag:s25] =	ssyncset.done $0x0  }
0x8b: {  	s13 =	sor.u32 $0x1C03, s13;
	s14 =	rddreg [dreg:$0x15];
	[sflag:s25] =	ssyncadd.s32 $0xFFFF8000  }
0x8c: {  	[hbm:s9], [sflag:s13] =	dma.local [hbm:s14], $0x8000  }
0x8d: {  	[bflag:$0x0] =	sbarrier.arrive $0xFFFF  }
0x8e: {  	s15 =	simm.s32 $0x8880;
	s14 =	rddreg [dreg:$0x1d]  }
0x8f: {  	[tilespmem:s15], [sflag:$0x4] =	stream.linear.gather [hbm4b:s14+s12], $0x800, $0x38;
	[tilespmem:$0x1EA00] =	vst v63  }
0x90: {  	_ =	swait.ge [sflag:s25], $0x800  }
0x91: {  	[sflag:s25] =	ssyncset.done $0x0  }
0x92: {  	s16 =	simm.s32 $0x9080;
	s28 =	simm.s32 $0x8880;
	[sflag:s25] =	ssyncadd.s32 $0xFFFFF800  }
0x93: {  	[tilespmem:s16], [sflag:$0x4] =	stream.indirect.gather [spmem:s5], $0x1, s28, s29, $0xb8;
	[tilespmem:$0x1EA00] =	vst v63  }
0x94: {  	s13 =	simm.s32 $0x0;
	s14 =	simm.s32 $0x100;
	_ =	swait.ge [sflag:s25], $0x40  }
.LBB2_14:
0x95: {  	s15 =	sshra.s32 s14, $0x2  }
0x96: {  	[sflag:s25] =	ssyncset.done $0x0;
	p0 =	sne.s32 s14, $0x1F00;
	s16 =	sadd.s32 $0x9080, s15  }
.Ltmp8:
0x97: {  	s15 =	sadd.s32 $0x8880, s15;
	[sflag:s25] =	ssyncadd.s32 $0xFFFFFFC0;
	(pc) =	sbr.rel @p0 .LBB2_14-.Ltmp8, $3  }
0x98: {  	[tilespmem:s16], [sflag:$0x4] =	stream.indirect.gather [spmem:s5], $0x1, s15, s29, $0xb8;
	[tilespmem:$0x1EA00] =	vst v63  }
0x99: {  	s14 =	sadd.s32 $0x100, s14;
	_ =	sdelay $0x1  }
0x9a: {  	_ =	swait.ge [sflag:s25], $0x40  }
0x9b: {  	[sflag:s25] =	ssyncset.done $0x0  }
0x9c: {  	[sflag:s25] =	ssyncadd.s32 $0xFFFFFFC0  }
0x9d: {  	v4 =	vld [tilespmem:s13+$0x9080];
	_ =	sdelay $0x4  }
0x9e: {  	vm0 =	vgt.s32 v4, $0xFFFFFFFF  }
0x9f: {  	v5 =	vmpcnt.ones.xlane vm0;
	_ =	sdelay $0x1  }
0xa0: {  	(v2sf) =	vpush v5, $0x0;
	_ =	sdelay $0x5  }
0xa1: {  	v6 =	vor.u32 s19, v3;
	[tilespmem:s12+$0xA100] =	vst.msk vm0, v4  }
0xa2: {  	s15 =	simm.s32 $0x10;
	s14 =	simm.s32 $0x80;
	s13 =	smov.u32 s19;
	[tilespmem:s12+$0x9880] =	vst.msk vm0, v6  }
.LBB2_16:
0xa3: {  	p0 =	sne.s32 s14, $0x1FC0;
	v4 =	vld [tilespmem:s15+$0x9080];
	_ =	sdelay $0x4  }
0xa4: {  	vm0 =	vgt.s32 v4, $0xFFFFFFFF  }
0xa5: {  	v5 =	vmpcnt.ones.xlane vm0  }
0xa6: {  	s15 =	spop (v2sf)  }
0xa7: {  	s13 =	sadd.s32 $0x10, s13;
	(v2sf) =	vpush v5, $0x0;
	s12 =	sadd.s32 s12, s15  }
0xa8: {  	v5 =	vor.u32 s13, v3;
	[tilespmem:s12+$0xA100] =	vst.msk vm0, v4  }
0xa9: {  	[tilespmem:s12+$0x9880] =	vst.msk vm0, v5  }
.Ltmp9:
0xaa: {  	(pc) =	sbr.rel @p0 .LBB2_16-.Ltmp9, $2  }
0xab: {  	_ =	sdelay $0x2  }
0xac: {  	s15 =	sshra.s32 s14, $0x2;
	s14 =	sadd.s32 $0x40, s14  }
0xad: {  	v4 =	vld [tilespmem:s15+$0x9080];
	_ =	sdelay $0x4  }
0xae: {  	vm0 =	vgt.s32 v4, $0xFFFFFFFF  }
0xaf: {  	v5 =	vmpcnt.ones.xlane vm0;
	_ =	sdelay $0x1  }
0xb0: {  	(v2sf) =	vpush v5, $0x0;
	_ =	sdelay $0x7  }
0xb1: {  	s14 =	spop (v2sf)  }
0xb2: {  	s13 =	sadd.s32 $0x10, s13;
	s12 =	sadd.s32 s12, s14  }
0xb3: {  	v5 =	vor.u32 s13, v3;
	[tilespmem:s12+$0xA100] =	vst.msk vm0, v4  }
0xb4: {  	s14 =	simm.s32 $0x8880;
	[tilespmem:s12+$0x9880] =	vst.msk vm0, v5  }
0xb5: {  	[tilespmem:s30], [sflag:$0x1] =	stream.indirect.gather [hbm4b:s0+s29], $0x80, s14, s29, $0xb8;
	[tilespmem:$0x1EA00] =	vst v63  }
0xb6: {  	s15 =	simm.s32 $0x88C0  }
0xb7: {  	[tilespmem:s31], [sflag:$0x1] =	stream.indirect.gather [hbm4b:s0+s29], $0x80, s15, s29, $0xb8;
	[tilespmem:$0x1EA00] =	vst v63  }
0xb8: {  	s13 =	spop (v2sf)  }
0xb9: {  	_ =	swait.ge [sflag:s1], $0x2000  }
0xba: {  	s16 =	sld [smem:$0x7FD]  }
0xbb: {  	[sflag:s1] =	ssyncset.done $0x0  }
0xbc: {  	[sflag:s1] =	ssyncadd.s32 $0xFFFFE000  }
0xbd: {  	[hbm4b:s16+s7] =	stream.linear.scatter [tilespmem:s30], [sflag:$0x2], $0x2000, $0x38;
	[tilespmem:$0x1EA00] =	vst v63  }
0xbe: {  	_ =	swait.ge [sflag:s6], $0x2000  }
0xbf: {  	[sflag:s6] =	ssyncset.done $0x0  }
0xc0: {  	s28 =	simm.s32 $0x8900;
	[sflag:s6] =	ssyncadd.s32 $0xFFFFE000  }
0xc1: {  	[tilespmem:s30], [sflag:$0x1] =	stream.indirect.gather [hbm4b:s0+s29], $0x80, s28, s29, $0xb8;
	[tilespmem:$0x1EA00] =	vst v63  }
0xc2: {  	_ =	swait.ge [sflag:s1], $0x2000  }
0xc3: {  	[sflag:s1] =	ssyncset.done $0x0  }
0xc4: {  	s15 =	rddreg [dreg:$0x9];
	[sflag:s1] =	ssyncadd.s32 $0xFFFFE000  }
0xc5: {  	[hbm4b:s15+s7] =	stream.linear.scatter [tilespmem:s31], [sflag:$0x2], $0x2000, $0x38;
	[tilespmem:$0x1EA00] =	vst v63  }
0xc6: {  	_ =	swait.ge [sflag:s6], $0x2000  }
0xc7: {  	[sflag:s6] =	ssyncset.done $0x0  }
0xc8: {  	s16 =	simm.s32 $0x8940;
	[sflag:s6] =	ssyncadd.s32 $0xFFFFE000  }
0xc9: {  	[tilespmem:s31], [sflag:$0x1] =	stream.indirect.gather [hbm4b:s0+s29], $0x80, s16, s29, $0xb8;
	[tilespmem:$0x1EA00] =	vst v63  }
0xca: {  	_ =	swait.ge [sflag:s1], $0x2000  }
0xcb: {  	[sflag:s1] =	ssyncset.done $0x0  }
0xcc: {  	s28 =	rddreg [dreg:$0xa];
	[sflag:s1] =	ssyncadd.s32 $0xFFFFE000  }
0xcd: {  	[hbm4b:s28+s7] =	stream.linear.scatter [tilespmem:s30], [sflag:$0x2], $0x2000, $0x38;
	[tilespmem:$0x1EA00] =	vst v63  }
0xce: {  	_ =	swait.ge [sflag:s6], $0x2000  }
0xcf: {  	[sflag:s6] =	ssyncset.done $0x0  }
0xd0: {  	s15 =	simm.s32 $0x8980;
	[sflag:s6] =	ssyncadd.s32 $0xFFFFE000  }
0xd1: {  	[tilespmem:s30], [sflag:$0x1] =	stream.indirect.gather [hbm4b:s0+s29], $0x80, s15, s29, $0xb8;
	[tilespmem:$0x1EA00] =	vst v63  }
0xd2: {  	_ =	swait.ge [sflag:s1], $0x2000  }
0xd3: {  	[sflag:s1] =	ssyncset.done $0x0  }
0xd4: {  	s16 =	rddreg [dreg:$0xb];
	[sflag:s1] =	ssyncadd.s32 $0xFFFFE000  }
0xd5: {  	[hbm4b:s16+s7] =	stream.linear.scatter [tilespmem:s31], [sflag:$0x2], $0x2000, $0x38;
	[tilespmem:$0x1EA00] =	vst v63  }
0xd6: {  	_ =	swait.ge [sflag:s6], $0x2000  }
0xd7: {  	[sflag:s6] =	ssyncset.done $0x0  }
0xd8: {  	s28 =	simm.s32 $0x89C0;
	[sflag:s6] =	ssyncadd.s32 $0xFFFFE000  }
0xd9: {  	[tilespmem:s31], [sflag:$0x1] =	stream.indirect.gather [hbm4b:s0+s29], $0x80, s28, s29, $0xb8;
	[tilespmem:$0x1EA00] =	vst v63  }
0xda: {  	_ =	swait.ge [sflag:s1], $0x2000  }
0xdb: {  	[sflag:s1] =	ssyncset.done $0x0  }
0xdc: {  	s15 =	rddreg [dreg:$0xc];
	[sflag:s1] =	ssyncadd.s32 $0xFFFFE000  }
0xdd: {  	[hbm4b:s15+s7] =	stream.linear.scatter [tilespmem:s30], [sflag:$0x2], $0x2000, $0x38;
	[tilespmem:$0x1EA00] =	vst v63  }
0xde: {  	_ =	swait.ge [sflag:s6], $0x2000  }
0xdf: {  	[sflag:s6] =	ssyncset.done $0x0  }
0xe0: {  	s16 =	simm.s32 $0x8A00;
	[sflag:s6] =	ssyncadd.s32 $0xFFFFE000  }
0xe1: {  	[tilespmem:s30], [sflag:$0x1] =	stream.indirect.gather [hbm4b:s0+s29], $0x80, s16, s29, $0xb8;
	[tilespmem:$0x1EA00] =	vst v63  }
0xe2: {  	_ =	swait.ge [sflag:s1], $0x2000  }
0xe3: {  	[sflag:s1] =	ssyncset.done $0x0  }
0xe4: {  	s28 =	rddreg [dreg:$0xd];
	[sflag:s1] =	ssyncadd.s32 $0xFFFFE000  }
0xe5: {  	[hbm4b:s28+s7] =	stream.linear.scatter [tilespmem:s31], [sflag:$0x2], $0x2000, $0x38;
	[tilespmem:$0x1EA00] =	vst v63  }
0xe6: {  	_ =	swait.ge [sflag:s6], $0x2000  }
0xe7: {  	[sflag:s6] =	ssyncset.done $0x0  }
0xe8: {  	s15 =	simm.s32 $0x8A40;
	[sflag:s6] =	ssyncadd.s32 $0xFFFFE000  }
0xe9: {  	[tilespmem:s31], [sflag:$0x1] =	stream.indirect.gather [hbm4b:s0+s29], $0x80, s15, s29, $0xb8;
	[tilespmem:$0x1EA00] =	vst v63  }
0xea: {  	_ =	swait.ge [sflag:s1], $0x2000  }
0xeb: {  	[sflag:s1] =	ssyncset.done $0x0  }
0xec: {  	s16 =	rddreg [dreg:$0xe];
	[sflag:s1] =	ssyncadd.s32 $0xFFFFE000  }
0xed: {  	[hbm4b:s16+s7] =	stream.linear.scatter [tilespmem:s30], [sflag:$0x2], $0x2000, $0x38;
	[tilespmem:$0x1EA00] =	vst v63  }
0xee: {  	_ =	swait.ge [sflag:s6], $0x2000  }
0xef: {  	[sflag:s6] =	ssyncset.done $0x0  }
0xf0: {  	s28 =	simm.s32 $0x8A80;
	[sflag:s6] =	ssyncadd.s32 $0xFFFFE000  }
0xf1: {  	[tilespmem:s30], [sflag:$0x1] =	stream.indirect.gather [hbm4b:s0+s29], $0x80, s28, s29, $0xb8;
	[tilespmem:$0x1EA00] =	vst v63  }
0xf2: {  	_ =	swait.ge [sflag:s1], $0x2000  }
0xf3: {  	[sflag:s1] =	ssyncset.done $0x0  }
0xf4: {  	s15 =	rddreg [dreg:$0xf];
	[sflag:s1] =	ssyncadd.s32 $0xFFFFE000  }
0xf5: {  	[hbm4b:s15+s7] =	stream.linear.scatter [tilespmem:s31], [sflag:$0x2], $0x2000, $0x38;
	[tilespmem:$0x1EA00] =	vst v63  }
0xf6: {  	_ =	swait.ge [sflag:s6], $0x2000  }
0xf7: {  	[sflag:s6] =	ssyncset.done $0x0  }
0xf8: {  	s16 =	simm.s32 $0x8AC0;
	[sflag:s6] =	ssyncadd.s32 $0xFFFFE000  }
0xf9: {  	[tilespmem:s31], [sflag:$0x1] =	stream.indirect.gather [hbm4b:s0+s29], $0x80, s16, s29, $0xb8;
	[tilespmem:$0x1EA00] =	vst v63  }
0xfa: {  	_ =	swait.ge [sflag:s1], $0x2000  }
0xfb: {  	[sflag:s1] =	ssyncset.done $0x0  }
0xfc: {  	s28 =	rddreg [dreg:$0x10];
	[sflag:s1] =	ssyncadd.s32 $0xFFFFE000  }
0xfd: {  	[hbm4b:s28+s7] =	stream.linear.scatter [tilespmem:s30], [sflag:$0x2], $0x2000, $0x38;
	[tilespmem:$0x1EA00] =	vst v63  }
0xfe: {  	_ =	swait.ge [sflag:s6], $0x2000  }
0xff: {  	[sflag:s6] =	ssyncset.done $0x0  }
0x100: {  	s15 =	simm.s32 $0x8B00;
	[sflag:s6] =	ssyncadd.s32 $0xFFFFE000  }
0x101: {  	[tilespmem:s30], [sflag:$0x1] =	stream.indirect.gather [hbm4b:s0+s29], $0x80, s15, s29, $0xb8;
	[tilespmem:$0x1EA00] =	vst v63  }
0x102: {  	_ =	swait.ge [sflag:s1], $0x2000  }
0x103: {  	[sflag:s1] =	ssyncset.done $0x0  }
0x104: {  	s16 =	rddreg [dreg:$0x11];
	[sflag:s1] =	ssyncadd.s32 $0xFFFFE000  }
0x105: {  	[hbm4b:s16+s7] =	stream.linear.scatter [tilespmem:s31], [sflag:$0x2], $0x2000, $0x38;
	[tilespmem:$0x1EA00] =	vst v63  }
0x106: {  	_ =	swait.ge [sflag:s6], $0x2000  }
0x107: {  	[sflag:s6] =	ssyncset.done $0x0  }
0x108: {  	s28 =	simm.s32 $0x8B40;
	[sflag:s6] =	ssyncadd.s32 $0xFFFFE000  }
0x109: {  	[tilespmem:s31], [sflag:$0x1] =	stream.indirect.gather [hbm4b:s0+s29], $0x80, s28, s29, $0xb8;
	[tilespmem:$0x1EA00] =	vst v63  }
0x10a: {  	_ =	swait.ge [sflag:s1], $0x2000  }
0x10b: {  	[sflag:s1] =	ssyncset.done $0x0  }
0x10c: {  	s15 =	rddreg [dreg:$0x13];
	[sflag:s1] =	ssyncadd.s32 $0xFFFFE000  }
0x10d: {  	[hbm4b:s15+s7] =	stream.linear.scatter [tilespmem:s30], [sflag:$0x2], $0x2000, $0x38;
	[tilespmem:$0x1EA00] =	vst v63  }
0x10e: {  	_ =	swait.ge [sflag:s6], $0x2000  }
0x10f: {  	[sflag:s6] =	ssyncset.done $0x0  }
0x110: {  	s16 =	simm.s32 $0x8B80;
	[sflag:s6] =	ssyncadd.s32 $0xFFFFE000  }
0x111: {  	[tilespmem:s30], [sflag:$0x1] =	stream.indirect.gather [hbm4b:s0+s29], $0x80, s16, s29, $0xb8;
	[tilespmem:$0x1EA00] =	vst v63  }
0x112: {  	_ =	swait.ge [sflag:s1], $0x2000  }
0x113: {  	[sflag:s1] =	ssyncset.done $0x0  }
0x114: {  	s28 =	rddreg [dreg:$0x14];
	[sflag:s1] =	ssyncadd.s32 $0xFFFFE000  }
0x115: {  	[hbm4b:s28+s7] =	stream.linear.scatter [tilespmem:s31], [sflag:$0x2], $0x2000, $0x38;
	[tilespmem:$0x1EA00] =	vst v63  }
0x116: {  	_ =	swait.ge [sflag:s6], $0x2000  }
0x117: {  	[sflag:s6] =	ssyncset.done $0x0  }
0x118: {  	s15 =	simm.s32 $0x8BC0;
	[sflag:s6] =	ssyncadd.s32 $0xFFFFE000  }
0x119: {  	[tilespmem:s31], [sflag:$0x1] =	stream.indirect.gather [hbm4b:s0+s29], $0x80, s15, s29, $0xb8;
	[tilespmem:$0x1EA00] =	vst v63  }
0x11a: {  	_ =	swait.ge [sflag:s1], $0x2000  }
0x11b: {  	[sflag:s1] =	ssyncset.done $0x0  }
0x11c: {  	s16 =	rddreg [dreg:$0x18];
	[sflag:s1] =	ssyncadd.s32 $0xFFFFE000  }
0x11d: {  	[hbm4b:s16+s7] =	stream.linear.scatter [tilespmem:s30], [sflag:$0x2], $0x2000, $0x38;
	[tilespmem:$0x1EA00] =	vst v63  }
0x11e: {  	_ =	swait.ge [sflag:s6], $0x2000  }
0x11f: {  	[sflag:s6] =	ssyncset.done $0x0  }
0x120: {  	s28 =	simm.s32 $0x8C00;
	[sflag:s6] =	ssyncadd.s32 $0xFFFFE000  }
0x121: {  	[tilespmem:s30], [sflag:$0x1] =	stream.indirect.gather [hbm4b:s0+s29], $0x80, s28, s29, $0xb8;
	[tilespmem:$0x1EA00] =	vst v63  }
0x122: {  	_ =	swait.ge [sflag:s1], $0x2000  }
0x123: {  	[sflag:s1] =	ssyncset.done $0x0  }
0x124: {  	s15 =	rddreg [dreg:$0x16];
	[sflag:s1] =	ssyncadd.s32 $0xFFFFE000  }
0x125: {  	[hbm4b:s15+s7] =	stream.linear.scatter [tilespmem:s31], [sflag:$0x2], $0x2000, $0x38;
	[tilespmem:$0x1EA00] =	vst v63  }
0x126: {  	_ =	swait.ge [sflag:s6], $0x2000  }
0x127: {  	[sflag:s6] =	ssyncset.done $0x0  }
0x128: {  	s16 =	simm.s32 $0x8C40;
	[sflag:s6] =	ssyncadd.s32 $0xFFFFE000  }
0x129: {  	[tilespmem:s31], [sflag:$0x1] =	stream.indirect.gather [hbm4b:s0+s29], $0x80, s16, s29, $0xb8;
	[tilespmem:$0x1EA00] =	vst v63  }
0x12a: {  	_ =	swait.ge [sflag:s1], $0x2000  }
0x12b: {  	[sflag:s1] =	ssyncset.done $0x0  }
0x12c: {  	s28 =	rddreg [dreg:$0x17];
	[sflag:s1] =	ssyncadd.s32 $0xFFFFE000  }
0x12d: {  	[hbm4b:s28+s7] =	stream.linear.scatter [tilespmem:s30], [sflag:$0x2], $0x2000, $0x38;
	[tilespmem:$0x1EA00] =	vst v63  }
0x12e: {  	_ =	swait.ge [sflag:s6], $0x2000  }
0x12f: {  	[sflag:s6] =	ssyncset.done $0x0  }
0x130: {  	s15 =	simm.s32 $0x8C80;
	[sflag:s6] =	ssyncadd.s32 $0xFFFFE000  }
0x131: {  	[tilespmem:s30], [sflag:$0x1] =	stream.indirect.gather [hbm4b:s0+s29], $0x80, s15, s29, $0xb8;
	[tilespmem:$0x1EA00] =	vst v63  }
0x132: {  	_ =	swait.ge [sflag:s1], $0x2000  }
0x133: {  	[sflag:s1] =	ssyncset.done $0x0  }
0x134: {  	s16 =	rddreg [dreg:$0x19];
	[sflag:s1] =	ssyncadd.s32 $0xFFFFE000  }
0x135: {  	[hbm4b:s16+s7] =	stream.linear.scatter [tilespmem:s31], [sflag:$0x2], $0x2000, $0x38;
	[tilespmem:$0x1EA00] =	vst v63  }
0x136: {  	_ =	swait.ge [sflag:s6], $0x2000  }
0x137: {  	[sflag:s6] =	ssyncset.done $0x0  }
0x138: {  	s28 =	simm.s32 $0x8CC0;
	[sflag:s6] =	ssyncadd.s32 $0xFFFFE000  }
0x139: {  	[tilespmem:s31], [sflag:$0x1] =	stream.indirect.gather [hbm4b:s0+s29], $0x80, s28, s29, $0xb8;
	[tilespmem:$0x1EA00] =	vst v63  }
0x13a: {  	_ =	swait.ge [sflag:s1], $0x2000  }
0x13b: {  	[sflag:s1] =	ssyncset.done $0x0  }
0x13c: {  	s15 =	rddreg [dreg:$0x1a];
	[sflag:s1] =	ssyncadd.s32 $0xFFFFE000  }
0x13d: {  	[hbm4b:s15+s7] =	stream.linear.scatter [tilespmem:s30], [sflag:$0x2], $0x2000, $0x38;
	[tilespmem:$0x1EA00] =	vst v63  }
0x13e: {  	_ =	swait.ge [sflag:s6], $0x2000  }
0x13f: {  	[sflag:s6] =	ssyncset.done $0x0  }
0x140: {  	s16 =	simm.s32 $0x8D00;
	[sflag:s6] =	ssyncadd.s32 $0xFFFFE000  }
0x141: {  	[tilespmem:s30], [sflag:$0x1] =	stream.indirect.gather [hbm4b:s0+s29], $0x80, s16, s29, $0xb8;
	[tilespmem:$0x1EA00] =	vst v63  }
0x142: {  	_ =	swait.ge [sflag:s1], $0x2000  }
0x143: {  	[sflag:s1] =	ssyncset.done $0x0  }
0x144: {  	s28 =	rddreg [dreg:$0x1b];
	[sflag:s1] =	ssyncadd.s32 $0xFFFFE000  }
0x145: {  	[hbm4b:s28+s7] =	stream.linear.scatter [tilespmem:s31], [sflag:$0x2], $0x2000, $0x38;
	[tilespmem:$0x1EA00] =	vst v63  }
0x146: {  	_ =	swait.ge [sflag:s6], $0x2000  }
0x147: {  	[sflag:s6] =	ssyncset.done $0x0  }
0x148: {  	s15 =	simm.s32 $0x8D40;
	[sflag:s6] =	ssyncadd.s32 $0xFFFFE000  }
0x149: {  	[tilespmem:s31], [sflag:$0x1] =	stream.indirect.gather [hbm4b:s0+s29], $0x80, s15, s29, $0xb8;
	[tilespmem:$0x1EA00] =	vst v63  }
0x14a: {  	_ =	swait.ge [sflag:s1], $0x2000  }
0x14b: {  	[sflag:s1] =	ssyncset.done $0x0  }
0x14c: {  	s16 =	rddreg [dreg:$0x1c];
	[sflag:s1] =	ssyncadd.s32 $0xFFFFE000  }
0x14d: {  	[hbm4b:s16+s7] =	stream.linear.scatter [tilespmem:s30], [sflag:$0x2], $0x2000, $0x38;
	[tilespmem:$0x1EA00] =	vst v63  }
0x14e: {  	_ =	swait.ge [sflag:s6], $0x2000  }
0x14f: {  	[sflag:s6] =	ssyncset.done $0x0  }
0x150: {  	s28 =	simm.s32 $0x8D80;
	[sflag:s6] =	ssyncadd.s32 $0xFFFFE000  }
0x151: {  	[tilespmem:s30], [sflag:$0x1] =	stream.indirect.gather [hbm4b:s0+s29], $0x80, s28, s29, $0xb8;
	[tilespmem:$0x1EA00] =	vst v63  }
0x152: {  	_ =	swait.ge [sflag:s1], $0x2000  }
0x153: {  	[sflag:s1] =	ssyncset.done $0x0  }
0x154: {  	s15 =	rddreg [dreg:$0x1e];
	[sflag:s1] =	ssyncadd.s32 $0xFFFFE000  }
0x155: {  	[hbm4b:s15+s7] =	stream.linear.scatter [tilespmem:s31], [sflag:$0x2], $0x2000, $0x38;
	[tilespmem:$0x1EA00] =	vst v63  }
0x156: {  	_ =	swait.ge [sflag:s6], $0x2000  }
0x157: {  	[sflag:s6] =	ssyncset.done $0x0  }
0x158: {  	s16 =	simm.s32 $0x8DC0;
	[sflag:s6] =	ssyncadd.s32 $0xFFFFE000  }
0x159: {  	[tilespmem:s31], [sflag:$0x1] =	stream.indirect.gather [hbm4b:s0+s29], $0x80, s16, s29, $0xb8;
	[tilespmem:$0x1EA00] =	vst v63  }
0x15a: {  	_ =	swait.ge [sflag:s1], $0x2000  }
0x15b: {  	s28 =	sld [smem:$0x7FA]  }
0x15c: {  	[sflag:s1] =	ssyncset.done $0x0  }
0x15d: {  	[sflag:s1] =	ssyncadd.s32 $0xFFFFE000  }
0x15e: {  	[hbm4b:s28+s7] =	stream.linear.scatter [tilespmem:s30], [sflag:$0x2], $0x2000, $0x38;
	[tilespmem:$0x1EA00] =	vst v63  }
0x15f: {  	_ =	swait.ge [sflag:s6], $0x2000  }
0x160: {  	[sflag:s6] =	ssyncset.done $0x0  }
0x161: {  	s15 =	simm.s32 $0x8E00;
	[sflag:s6] =	ssyncadd.s32 $0xFFFFE000  }
0x162: {  	[tilespmem:s30], [sflag:$0x1] =	stream.indirect.gather [hbm4b:s0+s29], $0x80, s15, s29, $0xb8;
	[tilespmem:$0x1EA00] =	vst v63  }
0x163: {  	_ =	swait.ge [sflag:s1], $0x2000  }
0x164: {  	[sflag:s1] =	ssyncset.done $0x0  }
0x165: {  	s16 =	rddreg [dreg:$0x1f];
	[sflag:s1] =	ssyncadd.s32 $0xFFFFE000  }
0x166: {  	[hbm4b:s16+s7] =	stream.linear.scatter [tilespmem:s31], [sflag:$0x2], $0x2000, $0x38;
	[tilespmem:$0x1EA00] =	vst v63  }
0x167: {  	_ =	swait.ge [sflag:s6], $0x2000  }
0x168: {  	[sflag:s6] =	ssyncset.done $0x0  }
0x169: {  	s28 =	simm.s32 $0x8E40;
	[sflag:s6] =	ssyncadd.s32 $0xFFFFE000  }
0x16a: {  	[tilespmem:s31], [sflag:$0x1] =	stream.indirect.gather [hbm4b:s0+s29], $0x80, s28, s29, $0xb8;
	[tilespmem:$0x1EA00] =	vst v63  }
0x16b: {  	_ =	swait.ge [sflag:s1], $0x2000  }
0x16c: {  	s15 =	sld [smem:$0x7F8]  }
0x16d: {  	[sflag:s1] =	ssyncset.done $0x0  }
0x16e: {  	[sflag:s1] =	ssyncadd.s32 $0xFFFFE000  }
0x16f: {  	[hbm4b:s15+s7] =	stream.linear.scatter [tilespmem:s30], [sflag:$0x2], $0x2000, $0x38;
	[tilespmem:$0x1EA00] =	vst v63  }
0x170: {  	_ =	swait.ge [sflag:s6], $0x2000  }
0x171: {  	[sflag:s6] =	ssyncset.done $0x0  }
0x172: {  	s16 =	simm.s32 $0x8E80;
	[sflag:s6] =	ssyncadd.s32 $0xFFFFE000  }
0x173: {  	[tilespmem:s30], [sflag:$0x1] =	stream.indirect.gather [hbm4b:s0+s29], $0x80, s16, s29, $0xb8;
	[tilespmem:$0x1EA00] =	vst v63  }
0x174: {  	_ =	swait.ge [sflag:s1], $0x2000  }
0x175: {  	s28 =	sld [smem:$0x7F9]  }
0x176: {  	[sflag:s1] =	ssyncset.done $0x0  }
0x177: {  	[sflag:s1] =	ssyncadd.s32 $0xFFFFE000  }
0x178: {  	[hbm4b:s28+s7] =	stream.linear.scatter [tilespmem:s31], [sflag:$0x2], $0x2000, $0x38;
	[tilespmem:$0x1EA00] =	vst v63  }
0x179: {  	_ =	swait.ge [sflag:s6], $0x2000  }
0x17a: {  	[sflag:s6] =	ssyncset.done $0x0  }
0x17b: {  	s15 =	simm.s32 $0x8EC0;
	[sflag:s6] =	ssyncadd.s32 $0xFFFFE000  }
0x17c: {  	[tilespmem:s31], [sflag:$0x1] =	stream.indirect.gather [hbm4b:s0+s29], $0x80, s15, s29, $0xb8;
	[tilespmem:$0x1EA00] =	vst v63  }
0x17d: {  	_ =	swait.ge [sflag:s1], $0x2000  }
0x17e: {  	s16 =	sld [smem:$0x7FB]  }
0x17f: {  	[sflag:s1] =	ssyncset.done $0x0  }
0x180: {  	[sflag:s1] =	ssyncadd.s32 $0xFFFFE000  }
0x181: {  	[hbm4b:s16+s7] =	stream.linear.scatter [tilespmem:s30], [sflag:$0x2], $0x2000, $0x38;
	[tilespmem:$0x1EA00] =	vst v63  }
0x182: {  	_ =	swait.ge [sflag:s6], $0x2000  }
0x183: {  	[sflag:s6] =	ssyncset.done $0x0  }
0x184: {  	s28 =	simm.s32 $0x8F00;
	[sflag:s6] =	ssyncadd.s32 $0xFFFFE000  }
0x185: {  	[tilespmem:s30], [sflag:$0x1] =	stream.indirect.gather [hbm4b:s0+s29], $0x80, s28, s29, $0xb8;
	[tilespmem:$0x1EA00] =	vst v63  }
0x186: {  	_ =	swait.ge [sflag:s1], $0x2000  }
0x187: {  	s15 =	sld [smem:$0x7FC]  }
0x188: {  	[sflag:s1] =	ssyncset.done $0x0  }
0x189: {  	[sflag:s1] =	ssyncadd.s32 $0xFFFFE000  }
0x18a: {  	[hbm4b:s15+s7] =	stream.linear.scatter [tilespmem:s31], [sflag:$0x2], $0x2000, $0x38;
	[tilespmem:$0x1EA00] =	vst v63  }
0x18b: {  	_ =	swait.ge [sflag:s6], $0x2000  }
0x18c: {  	[sflag:s6] =	ssyncset.done $0x0  }
0x18d: {  	s16 =	simm.s32 $0x8F40;
	[sflag:s6] =	ssyncadd.s32 $0xFFFFE000  }
0x18e: {  	[tilespmem:s31], [sflag:$0x1] =	stream.indirect.gather [hbm4b:s0+s29], $0x80, s16, s29, $0xb8;
	[tilespmem:$0x1EA00] =	vst v63  }
0x18f: {  	_ =	swait.ge [sflag:s1], $0x2000  }
0x190: {  	[sflag:s1] =	ssyncset.done $0x0  }
0x191: {  	[sflag:s1] =	ssyncadd.s32 $0xFFFFE000  }
0x192: {  	[hbm4b:s17+s7] =	stream.linear.scatter [tilespmem:s30], [sflag:$0x2], $0x2000, $0x38;
	[tilespmem:$0x1EA00] =	vst v63  }
0x193: {  	_ =	swait.ge [sflag:s6], $0x2000  }
0x194: {  	[sflag:s6] =	ssyncset.done $0x0  }
0x195: {  	s28 =	simm.s32 $0x8F80;
	[sflag:s6] =	ssyncadd.s32 $0xFFFFE000  }
0x196: {  	[tilespmem:s30], [sflag:$0x1] =	stream.indirect.gather [hbm4b:s0+s29], $0x80, s28, s29, $0xb8;
	[tilespmem:$0x1EA00] =	vst v63  }
0x197: {  	_ =	swait.ge [sflag:s1], $0x2000  }
0x198: {  	[sflag:s1] =	ssyncset.done $0x0  }
0x199: {  	[sflag:s1] =	ssyncadd.s32 $0xFFFFE000  }
0x19a: {  	[hbm4b:s18+s7] =	stream.linear.scatter [tilespmem:s31], [sflag:$0x2], $0x2000, $0x38;
	[tilespmem:$0x1EA00] =	vst v63  }
0x19b: {  	_ =	swait.ge [sflag:s6], $0x2000  }
0x19c: {  	[sflag:s6] =	ssyncset.done $0x0  }
0x19d: {  	s15 =	simm.s32 $0x8FC0;
	[sflag:s6] =	ssyncadd.s32 $0xFFFFE000  }
0x19e: {  	[tilespmem:s31], [sflag:$0x1] =	stream.indirect.gather [hbm4b:s0+s29], $0x80, s15, s29, $0xb8;
	[tilespmem:$0x1EA00] =	vst v63  }
0x19f: {  	_ =	swait.ge [sflag:s1], $0x2000  }
0x1a0: {  	[sflag:s1] =	ssyncset.done $0x0  }
0x1a1: {  	[sflag:s1] =	ssyncadd.s32 $0xFFFFE000  }
0x1a2: {  	[hbm4b:s23+s7] =	stream.linear.scatter [tilespmem:s30], [sflag:$0x2], $0x2000, $0x38;
	[tilespmem:$0x1EA00] =	vst v63  }
0x1a3: {  	_ =	swait.ge [sflag:s6], $0x2000  }
0x1a4: {  	[sflag:s6] =	ssyncset.done $0x0  }
0x1a5: {  	s16 =	simm.s32 $0x9000;
	[sflag:s6] =	ssyncadd.s32 $0xFFFFE000  }
0x1a6: {  	[tilespmem:s30], [sflag:$0x1] =	stream.indirect.gather [hbm4b:s0+s29], $0x80, s16, s29, $0xb8;
	[tilespmem:$0x1EA00] =	vst v63  }
0x1a7: {  	_ =	swait.ge [sflag:s1], $0x2000  }
0x1a8: {  	[sflag:s1] =	ssyncset.done $0x0  }
0x1a9: {  	[sflag:s1] =	ssyncadd.s32 $0xFFFFE000  }
0x1aa: {  	[hbm4b:s21+s7] =	stream.linear.scatter [tilespmem:s31], [sflag:$0x2], $0x2000, $0x38;
	[tilespmem:$0x1EA00] =	vst v63  }
0x1ab: {  	_ =	swait.ge [sflag:s6], $0x2000  }
0x1ac: {  	[sflag:s6] =	ssyncset.done $0x0  }
0x1ad: {  	s28 =	simm.s32 $0x9040;
	[sflag:s6] =	ssyncadd.s32 $0xFFFFE000  }
0x1ae: {  	[tilespmem:s31], [sflag:$0x1] =	stream.indirect.gather [hbm4b:s0+s29], $0x80, s28, s29, $0xb8;
	[tilespmem:$0x1EA00] =	vst v63  }
0x1af: {  	_ =	swait.ge [sflag:s1], $0x2000  }
0x1b0: {  	[sflag:s1] =	ssyncset.done $0x0  }
0x1b1: {  	[sflag:s1] =	ssyncadd.s32 $0xFFFFE000  }
0x1b2: {  	[hbm4b:s22+s7] =	stream.linear.scatter [tilespmem:s30], [sflag:$0x2], $0x2000, $0x38;
	[tilespmem:$0x1EA00] =	vst v63  }
0x1b3: {  	_ =	swait.ge [sflag:s1], $0x2000  }
0x1b4: {  	[sflag:s1] =	ssyncset.done $0x0  }
0x1b5: {  	[sflag:s1] =	ssyncadd.s32 $0xFFFFE000  }
0x1b6: {  	[hbm4b:s24+s7] =	stream.linear.scatter [tilespmem:s31], [sflag:$0x2], $0x2000, $0x38;
	[tilespmem:$0x1EA00] =	vst v63  }
0x1b7: {  	_ =	swait.ge [sflag:s6], $0x2000  }
0x1b8: {  	[sflag:s6] =	ssyncset.done $0x0  }
0x1b9: {  	s13 =	sadd.s32 s12, s13;
	[sflag:s6] =	ssyncadd.s32 $0xFFFFE000  }
0x1ba: {  	p0 =	slt.s32 s13, $0x1;
	_ =	swait.ge [sflag:s6], $0x2000  }
.Ltmp10:
0x1bb: {  	[sflag:s6] =	ssyncset.done $0x0;
	(pc) =	sbr.rel @p0 .LBB2_26-.Ltmp10, $4  }
0x1bc: {  	[sflag:s6] =	ssyncadd.s32 $0xFFFFE000  }
0x1bd: {  	_ =	swait.ge [sflag:s8], $0x8000  }
0x1be: {  	[sflag:s8] =	ssyncset.done $0x0  }
0x1bf: {  	[sflag:s8] =	ssyncadd.s32 $0xFFFF8000  }
0x1c0: {  	s12 =	sadd.s32 $0x3F, s13  }
0x1c1: {  	s14 =	sand.u32 $0x3F, s12  }
0x1c2: {  	s15 =	sshra.s32 s12, $0x1F;
	p0 =	slt.s32 s12, $0x0;
	p1 =	sne.s32 s14, $0x0  }
0x1c3: {  	s16 =	sshrl.u32 s15, $0x1A;
	p0 =	por !p0, !p1  }
0x1c4: {  	s14 =	simm.s32 $0x1;
	s12 =	sadd.s32 s16, s12;
	p0 =	por !p0, !p0  }
0x1c5: {  	s12 =	sshra.s32 s12, $0x6;
	s14 =	simm.s32 @!p0 $0x0  }
0x1c6: {  	s12 =	ssub.s32 s12, s14  }
0x1c7: {  	s28 =	sand.u32 $0x7FFFFFF0, s13;
	s14 =	sshll.u32 s12, $0x6  }
0x1c8: {  	s14 =	ssub.s32 s14, s28  }
0x1c9: {  	p0 =	slt.s32 s14, $0x1  }
.Ltmp11:
0x1ca: {  	_ = 	snop;
	(pc) =	sbr.rel @p0 .LBB2_22-.Ltmp11, $1  }
0x1cb: {  	_ =	sdelay $0x3  }
0x1cc: {  	s15 =	sshll.u32 s13, $0x2  }
0x1cd: {  	s15 =	sshra.s32 s15, $0x2  }
0x1ce: {  	s14 =	sshrl.u32 s14, $0x4;
	s16 =	sand.u32 $0xFFFFFFF0, s15  }
0x1cf: {  	v4 =	vld.msk [tilespmem:$0xA100 ss:$0x0], $0xffff;
	s15 =	ssub.s32 $0x0, s14;
	s14 =	sadd.s32 $0xA100, s16  }
0x1d0: {  	v7 =	vld [tilespmem:s14+$0x0];
	_ =	sdelay $0x2  }
0x1d1: {  	v6 =	vmov s13;
	v8 =	vor.u32 s28, v3  }
0x1d2: {  	vm0 =	vlt.s32 v8, v6  }
0x1d3: {  	v7 =	vsel vm0, v7, v4  }
0x1d4: {  	v5 =	vld.msk [tilespmem:$0x9880 ss:$0x0], $0xffff;
	s13 =	sadd.s32 $0x9880, s16;
	s15 =	sadd.s32 $0x1, s15;
	[tilespmem:s14+$0x0] =	vst v7  }
0x1d5: {  	p0 =	seq.s32 s15, $0x0;
	v7 =	vld [tilespmem:s13+$0x0]  }
.Ltmp12:
0x1d6: {  	_ = 	snop;
	(pc) =	sbr.rel @p0 .LBB2_21-.Ltmp12, $2  }
0x1d7: {  	_ =	sdelay $0x2  }
0x1d8: {  	s28 =	sadd.s32 $0x10, s28;
	v7 =	vsel vm0, v7, v5  }
.LBB2_20:
0x1d9: {  	s15 =	sadd.s32 $0x1, s15;
	[tilespmem:s13+$0x0] =	vst v7;
	s14 =	sadd.s32 $0x10, s14;
	s13 =	sadd.s32 $0x10, s13  }
0x1da: {  	v7 =	vld [tilespmem:s14+$0x0];
	p0 =	seq.s32 s15, $0x0;
	_ =	sdelay $0x2  }
0x1db: {  	v8 =	vor.u32 s28, v3  }
0x1dc: {  	vm0 =	vlt.s32 v8, v6  }
0x1dd: {  	v7 =	vsel vm0, v7, v4  }
0x1de: {  	[tilespmem:s14+$0x0] =	vst v7  }
0x1df: {  	v7 =	vld [tilespmem:s13+$0x0]  }
.Ltmp13:
0x1e0: {  	(pc) =	sbr.rel @!p0 .LBB2_20-.Ltmp13, $2  }
0x1e1: {  	_ =	sdelay $0x2  }
0x1e2: {  	s28 =	sadd.s32 $0x10, s28;
	v7 =	vsel vm0, v7, v5  }
.LBB2_21:
0x1e3: {  	[tilespmem:s13+$0x0] =	vst v7  }
.LBB2_22:
0x1e4: {  	p0 =	sgt.s32 s12, $0x0  }
.Ltmp14:
0x1e5: {  	_ = 	snop;
	(pc) =	sbr.rel @!p0 .LBB2_26-.Ltmp14, $1  }
0x1e6: {  	_ =	sdelay $0x3  }
0x1e7: {  	s14 =	simm.s32 $0xA100  }
0x1e8: {  	[tilespmem:s30], [sflag:$0x4] =	stream.indirect.gather [hbm4b:s2+s29], $0x80, s14, s29, $0xb8;
	[tilespmem:$0x1EA00] =	vst v63  }
0x1e9: {  	_ =	swait.ge [sflag:s25], $0x2000  }
0x1ea: {  	[sflag:s25] =	ssyncset.done $0x0  }
0x1eb: {  	s13 =	simm.s32 $0x98A0;
	[sflag:s25] =	ssyncadd.s32 $0xFFFFE000  }
0x1ec: {  	v4 =	vld [tilespmem:s13+$0xFFFFFFE0];
	_ =	sdelay $0x4  }
0x1ed: {  	[tilespmem:$0xA980] =	vst v4  }
0x1ee: {  	v4 =	vld [tilespmem:s13+$0xFFFFFFF0];
	_ =	sdelay $0x4  }
0x1ef: {  	[tilespmem:$0xA990] =	vst v4  }
0x1f0: {  	v4 =	vld [tilespmem:s13+$0x0];
	_ =	sdelay $0x4  }
0x1f1: {  	[tilespmem:$0xA9A0] =	vst v4  }
0x1f2: {  	v4 =	vld [tilespmem:s13+$0x10];
	_ =	sdelay $0x2  }
0x1f3: {  	p0 =	sne.s32 s12, $0x1  }
.Ltmp15:
0x1f4: {  	_ = 	snop;
	(pc) =	sbr.rel @!p0 .LBB2_25-.Ltmp15, $4  }
0x1f5: {  	[tilespmem:$0xA9B0] =	vst v4  }
0x1f6: {  	[hbm4b:s4+s29] =	stream.indirect.scatter [tilespmem:s30], [sflag:$0x4], $0x80, s10, s29, $0xb8;
	[tilespmem:$0x1EA00] =	vst v63  }
0x1f7: {  	_ =	swait.ge [sflag:s25], $0x2000  }
0x1f8: {  	s12 =	sadd.s32 $0xFFFFFFFF, s12;
	[sflag:s25] =	ssyncset.done $0x0  }
.LBB2_24:
0x1f9: {  	[sflag:s25] =	ssyncadd.s32 $0xFFFFE000;
	s13 =	sadd.s32 $0x40, s13;
	s14 =	sadd.s32 $0x40, s14  }
0x1fa: {  	[tilespmem:s30], [sflag:$0x4] =	stream.indirect.gather [hbm4b:s2+s29], $0x80, s14, s29, $0xb8;
	[tilespmem:$0x1EA00] =	vst v63  }
0x1fb: {  	p0 =	sne.s32 s12, $0x1;
	s12 =	sadd.s32 $0xFFFFFFFF, s12;
	_ =	swait.ge [sflag:s25], $0x2000  }
0x1fc: {  	[sflag:s25] =	ssyncset.done $0x0  }
0x1fd: {  	[sflag:s25] =	ssyncadd.s32 $0xFFFFE000  }
0x1fe: {  	v4 =	vld [tilespmem:s13+$0xFFFFFFE0];
	_ =	sdelay $0x4  }
0x1ff: {  	[tilespmem:$0xA980] =	vst v4  }
0x200: {  	v4 =	vld [tilespmem:s13+$0xFFFFFFF0];
	_ =	sdelay $0x4  }
0x201: {  	[tilespmem:$0xA990] =	vst v4  }
0x202: {  	v4 =	vld [tilespmem:s13+$0x0];
	_ =	sdelay $0x4  }
0x203: {  	[tilespmem:$0xA9A0] =	vst v4  }
0x204: {  	v4 =	vld [tilespmem:s13+$0x10];
	_ =	sdelay $0x3  }
.Ltmp16:
0x205: {  	(pc) =	sbr.rel @p0 .LBB2_24-.Ltmp16, $4  }
0x206: {  	[tilespmem:$0xA9B0] =	vst v4  }
0x207: {  	[hbm4b:s4+s29] =	stream.indirect.scatter [tilespmem:s30], [sflag:$0x4], $0x80, s10, s29, $0xb8;
	[tilespmem:$0x1EA00] =	vst v63  }
0x208: {  	_ =	swait.ge [sflag:s25], $0x2000  }
0x209: {  	[sflag:s25] =	ssyncset.done $0x0  }
.Ltmp17:
0x20a: {  	_ = 	snop;
	(pc) =	sbr.rel .LBB2_25-.Ltmp17, $1  }
0x20b: {  	_ =	sdelay $0x3  }
.LBB2_27:
0x20c: {  	_ =	sfence.sel $0x180000  }
0x20d: {  	[bflag:$0x0] =	sbarrier.arrive $0xFFFF  }
0x20e: {  	_ =	strace $0x90000047  }
0x20f: {  	s0 =	stileid.u32;
	[bflag:$0x2] =	sbarrier.arrive $0xFFFF  }
0x210: {  	p0 =	sne.s32 s0, $0x0;
	s0 =	rddreg [dreg:$0x6]  }
0x211: {  	s0 =	sadd.s32 @!p0 $0x100000, s0  }
0x212: {  	[sflag:s0] =	ssyncadd.tile.s32 @!p0 $0x1;
	_ =	shalt  }
.Lfunc_end2:
_tile_overlayer_lowered:
.L_overlay_start_2:
0x213: {  	(tag) =	ssettag $0x2  }
0x214: {  	s0 =	rddreg [dreg:$0x0];
	s2 =	stileid.u32  }
0x215: {  	s1 =	rddreg [dreg:$0x1];
	p0 =	sne.s32 s2, $0x0  }
0x216: {  	s3 =	rddreg [dreg:$0x2];
	[bflag:$0x3] =	sbarrier.arrive $0xFFFF;
	s2 =	simm.s32 @!p0 $0x1C04  }
0x217: {  	[timem:s3], [sflag:s2] =	dma.local @!p0 [hbm:s0], s1  }
0x218: {  	s0 =	simm.s32 @!p0 $0x4  }
0x219: {  	_ =	swait.ge @!p0 [sflag:s0], s1  }
0x21a: {  	s1 =	ssub.s32 @!p0 $0x0, s1;
	[sflag:s0] =	ssyncset.done @!p0 $0x0  }
0x21b: {  	[sflag:s0] =	ssyncadd.s32 @!p0 s1  }
0x21c: {  	[bflag:$0x3] =	sbarrier.arrive $0xFFFF  }
0x21d: {  	_ =	shalt  }

</sc_bundles>
